<compile_context>
chip_gen: v7x
topology: tpu7x:2x2x1
jax: 0.10.2.dev20260603
libtpu: 0.0.44.dev20260713+nightly
codegen_flags: <defaults>
</compile_context>

<pallas_src>
import jax
import jax.numpy as jnp
from jax import lax
from jax.experimental import pallas as pl
from jax.experimental.pallas import tpu as pltpu
from jax.experimental.pallas import tpu_sc as plsc

N = 10000
E = 320000
D = 128

NC = 2
NS = 16
HALF = D // NC
CW = 100
CHUNKS = E // CW
CPT = CHUNKS // NS
BLK = 20
NBLK = CPT // BLK
RPT = N // NS
RB = 125
NRB = RPT // RB
DW = 16


def _body(hcat_hbm, src_hbm, dst_hbm, ones_hbm, z64_hbm, zdeg_hbm,
          out_hbm,
          acc, deg,
          src_buf, dst_buf, msgs0, msgs1, ones_t,
          acc_t, h_t, out_t, deg_t, gsem0, gsem1):
  c = lax.axis_index("c")
  s = lax.axis_index("s")
  hview = hcat_hbm.at[pl.ds(c * N, N)]

  r0 = s * RPT
  pltpu.sync_copy(z64_hbm, acc.at[pl.ds(r0, RPT)])
  pltpu.sync_copy(zdeg_hbm, deg.at[pl.ds(r0, RPT)])
  pltpu.sync_copy(ones_hbm, ones_t)
  plsc.subcore_barrier()

  msgs = (msgs0, msgs1)
  gsem = (gsem0, gsem1)

  def block(b, carry):
    base = s * CPT + b * BLK
    pltpu.sync_copy(src_hbm.at[pl.ds(base, BLK)], src_buf)
    pltpu.sync_copy(dst_hbm.at[pl.ds(base, BLK)], dst_buf)
    pltpu.async_copy(hview.at[src_buf.at[0]], msgs[0], gsem[0])
    for j in range(BLK):
      p = j % 2
      pltpu.make_async_copy(hview.at[src_buf.at[j]], msgs[p], gsem[p]).wait()
      if j + 1 < BLK:
        pltpu.async_copy(hview.at[src_buf.at[j + 1]], msgs[1 - p], gsem[1 - p])
      pltpu.sync_copy(msgs[p], acc.at[dst_buf.at[j]], add=True)
      pltpu.sync_copy(ones_t, deg.at[dst_buf.at[j]], add=True)
    return carry

  lax.fori_loop(0, NBLK, block, 0)
  plsc.subcore_barrier()

  def wblock(b, carry):
    row = s * RPT + b * RB
    pltpu.sync_copy(acc.at[pl.ds(row, RB)], acc_t)
    pltpu.sync_copy(hview.at[pl.ds(row, RB)], h_t)
    pltpu.sync_copy(deg.at[pl.ds(row, RB)], deg_t)

    def wrow(i, carry2):
      m = deg_t[i, pl.ds(0, DW)] > 0.0
      for k in range(HALF // 16):
        av = acc_t[i, pl.ds(k * 16, 16)]
        hv = h_t[i, pl.ds(k * 16, 16)]
        out_t[i, pl.ds(k * 16, 16)] = jnp.where(m, av, hv)
      return carry2

    lax.fori_loop(0, RB, wrow, 0)
    pltpu.sync_copy(out_t,
                    out_hbm.at[pl.ds(row, RB), pl.ds(c * HALF, HALF)])
    return carry

  lax.fori_loop(0, NRB, wblock, 0)


@jax.jit
def kernel(h, h_in, edge_index):
  del h_in
  hcat = jnp.concatenate([h[:, :HALF], h[:, HALF:]], axis=0)
  src = edge_index[0].reshape(CHUNKS, CW)
  dst = edge_index[1].reshape(CHUNKS, CW)
  ones = jnp.ones((CW, DW), jnp.float32)
  z64 = jnp.zeros((RPT, HALF), jnp.float32)
  zdeg = jnp.zeros((RPT, DW), jnp.float32)

  mesh = plsc.VectorSubcoreMesh(core_axis_name="c", subcore_axis_name="s")
  run = pl.kernel(
      _body,
      out_type=jax.ShapeDtypeStruct((N, D), jnp.float32),
      mesh=mesh,
      compiler_params=pltpu.CompilerParams(use_tc_tiling_on_sc=False),
      scratch_types=[
          pltpu.VMEM_SHARED((N, HALF), jnp.float32),
          pltpu.VMEM_SHARED((N, DW), jnp.float32),
          pltpu.VMEM((BLK, CW), jnp.int32),
          pltpu.VMEM((BLK, CW), jnp.int32),
          pltpu.VMEM((CW, HALF), jnp.float32),
          pltpu.VMEM((CW, HALF), jnp.float32),
          pltpu.VMEM((CW, DW), jnp.float32),
          pltpu.VMEM((RB, HALF), jnp.float32),
          pltpu.VMEM((RB, HALF), jnp.float32),
          pltpu.VMEM((RB, HALF), jnp.float32),
          pltpu.VMEM((RB, DW), jnp.float32),
          pltpu.SemaphoreType.DMA,
          pltpu.SemaphoreType.DMA,
      ],
  )
  return run(hcat, src, dst, ones, z64, zdeg)

# --- scband reference (transcript-rebuilt; emitter-appended) ---
"""Pipeline reference for scband-a-sum-op-52793738003172 (READ-ONLY COPY).

The authoritative reference and input builder live on the scoring server;
editing this copy changes nothing except your own understanding.
"""

import jax, jax.numpy as jnp
import numpy as np

N = 10000
E = 320000
D = 128

def setup_inputs(seed: int = 0) -> dict:
    key = jax.random.key(seed)
    k1, k2, k3 = jax.random.split(key, 3)
    h = jax.random.normal(k1, (N, D), dtype=jnp.float32)
    h_in = jax.random.normal(k2, (N, D), dtype=jnp.float32)
    edge_index = jax.random.randint(k3, (2, E), 0, N, dtype=jnp.int32)
    return {"h": h, "h_in": h_in, "edge_index": edge_index}

def reference(h, h_in, edge_index):
    # DGL: g.ndata['h'] = h; update_all(copy_src('h','m'), sum over mailbox)
    # msg: gather source node features onto edges
    src = edge_index[0]
    dst = edge_index[1]
    msgs = jnp.take(h, src, axis=0)              # [E, D] copy_src
    agg = jax.ops.segment_sum(msgs, dst, num_segments=N)  # [N, D] reduce_sum
    # DGL update_all only overwrites ndata['h'] for nodes that received messages;
    # zero in-degree nodes keep their original features.
    deg = jax.ops.segment_sum(jnp.ones((E,), dtype=jnp.float32), dst, num_segments=N)
    out = jnp.where(deg[:, None] > 0, agg, h)
    return out

if __name__ == "__main__":
    import jax
    _d = setup_inputs()
    print(jax.jit(kernel)(*tuple(_d.values())))

</pallas_src>

<mosaic_0001>
#map = affine_map<(d0, d1) -> (0, 0)>
module attributes {stable_mosaic.version = 14 : i64} {
  func.func @_body(%arg0: i32, %arg1: i32, %arg2: memref<20000x64xf32, #tpu.memory_space<hbm>>, %arg3: memref<3200x100xi32, #tpu.memory_space<hbm>>, %arg4: memref<3200x100xi32, #tpu.memory_space<hbm>>, %arg5: memref<100x16xf32, #tpu.memory_space<hbm>>, %arg6: memref<625x64xf32, #tpu.memory_space<hbm>>, %arg7: memref<625x16xf32, #tpu.memory_space<hbm>>, %arg8: memref<10000x128xf32, #tpu.memory_space<hbm>>, %arg9: memref<10000x64xf32, #tpu.memory_space<vmem_shared>>, %arg10: memref<10000x16xf32, #tpu.memory_space<vmem_shared>>, %arg11: memref<20x100xi32, #tpu.memory_space<vmem>>, %arg12: memref<20x100xi32, #tpu.memory_space<vmem>>, %arg13: memref<100x64xf32, #tpu.memory_space<vmem>>, %arg14: memref<100x64xf32, #tpu.memory_space<vmem>>, %arg15: memref<100x16xf32, #tpu.memory_space<vmem>>, %arg16: memref<125x64xf32, #tpu.memory_space<vmem>>, %arg17: memref<125x64xf32, #tpu.memory_space<vmem>>, %arg18: memref<125x64xf32, #tpu.memory_space<vmem>>, %arg19: memref<125x16xf32, #tpu.memory_space<vmem>>, %arg20: memref<!tpu.dma_semaphore, #tpu.memory_space<semaphore_mem>>, %arg21: memref<!tpu.dma_semaphore, #tpu.memory_space<semaphore_mem>>) attributes {dimension_semantics = [#tpu.dimension_semantics<core_parallel>, #tpu.dimension_semantics<subcore_parallel>], iteration_bounds = array<i64: 2, 16>, scalar_prefetch = 0 : i64, scratch_operands = 13 : i64, tpu.core_type = #tpu.core_type<sc_vector_subcore>, window_params = [{transform_indices = #map}, {transform_indices = #map}, {transform_indices = #map}, {transform_indices = #map}, {transform_indices = #map}, {transform_indices = #map}, {transform_indices = #map}]} {
    %mul3A = arith.constant 10000 : i32
    %mul3A_0 = arith.muli %arg0, %mul3A : i32
    %mul3A_1 = arith.constant 625 : i32
    %mul3A_2 = arith.muli %arg1, %mul3A_1 : i32
    "tpu.region"() ({
      %run_scoped3A = tpu.sem_alloc : memref<!tpu.dma_semaphore, #tpu.memory_space<semaphore_mem>>
      %dma_start3A = arith.constant 0 : i32
      %dma_start3A_15 = tpu.memref_slice %arg9[%mul3A_2, %dma_start3A] : memref<10000x64xf32, #tpu.memory_space<vmem_shared>> -> memref<625x64xf32, #tpu.memory_space<vmem_shared>>
      tpu.enqueue_dma source(%arg6 : memref<625x64xf32, #tpu.memory_space<hbm>>) target(%dma_start3A_15 : memref<625x64xf32, #tpu.memory_space<vmem_shared>>) target_semaphore(%run_scoped3A : memref<!tpu.dma_semaphore, #tpu.memory_space<semaphore_mem>>)
      %dma_wait3A = arith.constant 0 : i32
      %dma_wait3A_16 = tpu.memref_slice %arg9[%mul3A_2, %dma_wait3A] : memref<10000x64xf32, #tpu.memory_space<vmem_shared>> -> memref<625x64xf32, #tpu.memory_space<vmem_shared>>
      tpu.wait_dma2 semaphore(%run_scoped3A : memref<!tpu.dma_semaphore, #tpu.memory_space<semaphore_mem>>) src(%arg6 : memref<625x64xf32, #tpu.memory_space<hbm>>) dst(%dma_wait3A_16 : memref<625x64xf32, #tpu.memory_space<vmem_shared>>)
      tpu.yield
    }) : () -> ()
    "tpu.region"() ({
      %run_scoped3A = tpu.sem_alloc : memref<!tpu.dma_semaphore, #tpu.memory_space<semaphore_mem>>
      %dma_start3A = arith.constant 0 : i32
      %dma_start3A_15 = tpu.memref_slice %arg10[%mul3A_2, %dma_start3A] : memref<10000x16xf32, #tpu.memory_space<vmem_shared>> -> memref<625x16xf32, #tpu.memory_space<vmem_shared>>
      tpu.enqueue_dma source(%arg7 : memref<625x16xf32, #tpu.memory_space<hbm>>) target(%dma_start3A_15 : memref<625x16xf32, #tpu.memory_space<vmem_shared>>) target_semaphore(%run_scoped3A : memref<!tpu.dma_semaphore, #tpu.memory_space<semaphore_mem>>)
      %dma_wait3A = arith.constant 0 : i32
      %dma_wait3A_16 = tpu.memref_slice %arg10[%mul3A_2, %dma_wait3A] : memref<10000x16xf32, #tpu.memory_space<vmem_shared>> -> memref<625x16xf32, #tpu.memory_space<vmem_shared>>
      tpu.wait_dma2 semaphore(%run_scoped3A : memref<!tpu.dma_semaphore, #tpu.memory_space<semaphore_mem>>) src(%arg7 : memref<625x16xf32, #tpu.memory_space<hbm>>) dst(%dma_wait3A_16 : memref<625x16xf32, #tpu.memory_space<vmem_shared>>)
      tpu.yield
    }) : () -> ()
    "tpu.region"() ({
      %run_scoped3A = tpu.sem_alloc : memref<!tpu.dma_semaphore, #tpu.memory_space<semaphore_mem>>
      tpu.enqueue_dma source(%arg5 : memref<100x16xf32, #tpu.memory_space<hbm>>) target(%arg15 : memref<100x16xf32, #tpu.memory_space<vmem>>) target_semaphore(%run_scoped3A : memref<!tpu.dma_semaphore, #tpu.memory_space<semaphore_mem>>)
      tpu.wait_dma2 semaphore(%run_scoped3A : memref<!tpu.dma_semaphore, #tpu.memory_space<semaphore_mem>>) src(%arg5 : memref<100x16xf32, #tpu.memory_space<hbm>>) dst(%arg15 : memref<100x16xf32, #tpu.memory_space<vmem>>)
      tpu.yield
    }) : () -> ()
    %barrier3A = arith.constant 0 : index
    tpu.barrier barrier_id(%barrier3A)
    %scan3A = arith.constant 0 : i32
    %scan3A_3 = arith.constant 0 : i32
    %scan3A_4 = arith.constant 10 : i32
    %scan3A_5 = arith.addi %scan3A_3, %scan3A_4 : i32
    %scan3A_6 = arith.constant 1 : i32
    scf.for %scan3A_15 = %scan3A_3 to %scan3A_5 step %scan3A_6  : i32 {
      %mul3A_16 = arith.constant 200 : i32
      %mul3A_17 = arith.muli %arg1, %mul3A_16 : i32
      %mul3A_18 = arith.constant 20 : i32
      %mul3A_19 = arith.muli %scan3A_15, %mul3A_18 : i32
      %add3A = arith.addi %mul3A_17, %mul3A_19 : i32
      "tpu.region"() ({
        %run_scoped3A_417 = tpu.sem_alloc : memref<!tpu.dma_semaphore, #tpu.memory_space<semaphore_mem>>
        %dma_start3A_418 = arith.constant 0 : i32
        %dma_start3A_419 = tpu.memref_slice %arg3[%add3A, %dma_start3A_418] : memref<3200x100xi32, #tpu.memory_space<hbm>> -> memref<20x100xi32, #tpu.memory_space<hbm>>
        %dma_start3A_420 = arith.constant 0 : i32
        %dma_start3A_421 = tpu.memref_slice %arg3[%add3A, %dma_start3A_420] : memref<3200x100xi32, #tpu.memory_space<hbm>> -> memref<20x100xi32, #tpu.memory_space<hbm>>
        tpu.enqueue_dma source(%dma_start3A_421 : memref<20x100xi32, #tpu.memory_space<hbm>>) target(%arg11 : memref<20x100xi32, #tpu.memory_space<vmem>>) target_semaphore(%run_scoped3A_417 : memref<!tpu.dma_semaphore, #tpu.memory_space<semaphore_mem>>)
        %dma_wait3A_422 = arith.constant 0 : i32
        %dma_wait3A_423 = tpu.memref_slice %arg3[%add3A, %dma_wait3A_422] : memref<3200x100xi32, #tpu.memory_space<hbm>> -> memref<20x100xi32, #tpu.memory_space<hbm>>
        %dma_wait3A_424 = arith.constant 0 : i32
        %dma_wait3A_425 = tpu.memref_slice %arg3[%add3A, %dma_wait3A_424] : memref<3200x100xi32, #tpu.memory_space<hbm>> -> memref<20x100xi32, #tpu.memory_space<hbm>>
        tpu.wait_dma2 semaphore(%run_scoped3A_417 : memref<!tpu.dma_semaphore, #tpu.memory_space<semaphore_mem>>) src(%dma_wait3A_425 : memref<20x100xi32, #tpu.memory_space<hbm>>) dst(%arg11 : memref<20x100xi32, #tpu.memory_space<vmem>>)
        tpu.yield
      }) : () -> ()
      "tpu.region"() ({
        %run_scoped3A_417 = tpu.sem_alloc : memref<!tpu.dma_semaphore, #tpu.memory_space<semaphore_mem>>
        %dma_start3A_418 = arith.constant 0 : i32
        %dma_start3A_419 = tpu.memref_slice %arg4[%add3A, %dma_start3A_418] : memref<3200x100xi32, #tpu.memory_space<hbm>> -> memref<20x100xi32, #tpu.memory_space<hbm>>
        %dma_start3A_420 = arith.constant 0 : i32
        %dma_start3A_421 = tpu.memref_slice %arg4[%add3A, %dma_start3A_420] : memref<3200x100xi32, #tpu.memory_space<hbm>> -> memref<20x100xi32, #tpu.memory_space<hbm>>
        tpu.enqueue_dma source(%dma_start3A_421 : memref<20x100xi32, #tpu.memory_space<hbm>>) target(%arg12 : memref<20x100xi32, #tpu.memory_space<vmem>>) target_semaphore(%run_scoped3A_417 : memref<!tpu.dma_semaphore, #tpu.memory_space<semaphore_mem>>)
        %dma_wait3A_422 = arith.constant 0 : i32
        %dma_wait3A_423 = tpu.memref_slice %arg4[%add3A, %dma_wait3A_422] : memref<3200x100xi32, #tpu.memory_space<hbm>> -> memref<20x100xi32, #tpu.memory_space<hbm>>
        %dma_wait3A_424 = arith.constant 0 : i32
        %dma_wait3A_425 = tpu.memref_slice %arg4[%add3A, %dma_wait3A_424] : memref<3200x100xi32, #tpu.memory_space<hbm>> -> memref<20x100xi32, #tpu.memory_space<hbm>>
        tpu.wait_dma2 semaphore(%run_scoped3A_417 : memref<!tpu.dma_semaphore, #tpu.memory_space<semaphore_mem>>) src(%dma_wait3A_425 : memref<20x100xi32, #tpu.memory_space<hbm>>) dst(%arg12 : memref<20x100xi32, #tpu.memory_space<vmem>>)
        tpu.yield
      }) : () -> ()
      %dma_start3A = arith.constant 0 : i32
      %dma_start3A_20 = arith.constant 0 : i32
      %dma_start3A_21 = tpu.memref_slice %arg11[%dma_start3A, %dma_start3A_20] : memref<20x100xi32, #tpu.memory_space<vmem>> -> memref<1x100xi32, #tpu.memory_space<vmem>>
      %dma_start3A_22 = tpu.memref_squeeze %dma_start3A_21 : memref<1x100xi32, #tpu.memory_space<vmem>> -> memref<100xi32, #tpu.memory_space<vmem>>
      %dma_start3A_23 = arith.constant 0 : i32
      %dma_start3A_24 = tpu.memref_slice %arg2[%mul3A_0, %dma_start3A_23] : memref<20000x64xf32, #tpu.memory_space<hbm>> -> memref<10000x64xf32, #tpu.memory_space<hbm>>
      %dma_start3A_25 = arith.constant 0 : i32
      %dma_start3A_26 = arith.constant 0 : i32
      %dma_start3A_27 = tpu.memref_slice %dma_start3A_24[%dma_start3A_25, %dma_start3A_26] : memref<10000x64xf32, #tpu.memory_space<hbm>> -> memref<10000x64xf32, #tpu.memory_space<hbm>>
      tpu.enqueue_indirect_dma source(%dma_start3A_27 : memref<10000x64xf32, #tpu.memory_space<hbm>>) target(%arg13 : memref<100x64xf32, #tpu.memory_space<vmem>>) offsets(%dma_start3A_22 : memref<100xi32, #tpu.memory_space<vmem>>) semaphore(%arg20 : memref<!tpu.dma_semaphore, #tpu.memory_space<semaphore_mem>>)
      %dma_wait3A = arith.constant 0 : i32
      %dma_wait3A_28 = arith.constant 0 : i32
      %dma_wait3A_29 = tpu.memref_slice %arg11[%dma_wait3A, %dma_wait3A_28] : memref<20x100xi32, #tpu.memory_space<vmem>> -> memref<1x100xi32, #tpu.memory_space<vmem>>
      %dma_wait3A_30 = tpu.memref_squeeze %dma_wait3A_29 : memref<1x100xi32, #tpu.memory_space<vmem>> -> memref<100xi32, #tpu.memory_space<vmem>>
      %dma_wait3A_31 = arith.constant 0 : i32
      %dma_wait3A_32 = tpu.memref_slice %arg2[%mul3A_0, %dma_wait3A_31] : memref<20000x64xf32, #tpu.memory_space<hbm>> -> memref<10000x64xf32, #tpu.memory_space<hbm>>
      %dma_wait3A_33 = arith.constant 0 : i32
      %dma_wait3A_34 = arith.constant 0 : i32
      %dma_wait3A_35 = tpu.memref_slice %dma_wait3A_32[%dma_wait3A_33, %dma_wait3A_34] : memref<10000x64xf32, #tpu.memory_space<hbm>> -> memref<10000x64xf32, #tpu.memory_space<hbm>>
      tpu.wait_indirect_dma semaphore(%arg20 : memref<!tpu.dma_semaphore, #tpu.memory_space<semaphore_mem>>) src(%dma_wait3A_35 : memref<10000x64xf32, #tpu.memory_space<hbm>>) dst(%arg13 : memref<100x64xf32, #tpu.memory_space<vmem>>)
      %dma_start3A_36 = arith.constant 1 : i32
      %dma_start3A_37 = arith.constant 0 : i32
      %dma_start3A_38 = tpu.memref_slice %arg11[%dma_start3A_36, %dma_start3A_37] : memref<20x100xi32, #tpu.memory_space<vmem>> -> memref<1x100xi32, #tpu.memory_space<vmem>>
      %dma_start3A_39 = tpu.memref_squeeze %dma_start3A_38 : memref<1x100xi32, #tpu.memory_space<vmem>> -> memref<100xi32, #tpu.memory_space<vmem>>
      %dma_start3A_40 = arith.constant 0 : i32
      %dma_start3A_41 = tpu.memref_slice %arg2[%mul3A_0, %dma_start3A_40] : memref<20000x64xf32, #tpu.memory_space<hbm>> -> memref<10000x64xf32, #tpu.memory_space<hbm>>
      %dma_start3A_42 = arith.constant 0 : i32
      %dma_start3A_43 = arith.constant 0 : i32
      %dma_start3A_44 = tpu.memref_slice %dma_start3A_41[%dma_start3A_42, %dma_start3A_43] : memref<10000x64xf32, #tpu.memory_space<hbm>> -> memref<10000x64xf32, #tpu.memory_space<hbm>>
      tpu.enqueue_indirect_dma source(%dma_start3A_44 : memref<10000x64xf32, #tpu.memory_space<hbm>>) target(%arg14 : memref<100x64xf32, #tpu.memory_space<vmem>>) offsets(%dma_start3A_39 : memref<100xi32, #tpu.memory_space<vmem>>) semaphore(%arg21 : memref<!tpu.dma_semaphore, #tpu.memory_space<semaphore_mem>>)
      %run_scoped3A = arith.constant 0 : i32
      "tpu.region"() ({
        %run_scoped3A_417 = tpu.sem_alloc : memref<!tpu.dma_semaphore, #tpu.memory_space<semaphore_mem>>
        %dma_start3A_418 = arith.constant 0 : i32
        %dma_start3A_419 = tpu.memref_slice %arg12[%run_scoped3A, %dma_start3A_418] : memref<20x100xi32, #tpu.memory_space<vmem>> -> memref<1x100xi32, #tpu.memory_space<vmem>>
        %dma_start3A_420 = tpu.memref_squeeze %dma_start3A_419 : memref<1x100xi32, #tpu.memory_space<vmem>> -> memref<100xi32, #tpu.memory_space<vmem>>
        %dma_start3A_421 = arith.constant 0 : i32
        %dma_start3A_422 = arith.constant 0 : i32
        %dma_start3A_423 = tpu.memref_slice %arg9[%dma_start3A_421, %dma_start3A_422] : memref<10000x64xf32, #tpu.memory_space<vmem_shared>> -> memref<10000x64xf32, #tpu.memory_space<vmem_shared>>
        tpu.enqueue_indirect_dma source(%arg13 : memref<100x64xf32, #tpu.memory_space<vmem>>) target(%dma_start3A_423 : memref<10000x64xf32, #tpu.memory_space<vmem_shared>>) offsets(%dma_start3A_420 : memref<100xi32, #tpu.memory_space<vmem>>) semaphore(%run_scoped3A_417 : memref<!tpu.dma_semaphore, #tpu.memory_space<semaphore_mem>>) {add = true}
        %dma_wait3A_424 = arith.constant 0 : i32
        %dma_wait3A_425 = tpu.memref_slice %arg12[%run_scoped3A, %dma_wait3A_424] : memref<20x100xi32, #tpu.memory_space<vmem>> -> memref<1x100xi32, #tpu.memory_space<vmem>>
        %dma_wait3A_426 = tpu.memref_squeeze %dma_wait3A_425 : memref<1x100xi32, #tpu.memory_space<vmem>> -> memref<100xi32, #tpu.memory_space<vmem>>
        %dma_wait3A_427 = arith.constant 0 : i32
        %dma_wait3A_428 = arith.constant 0 : i32
        %dma_wait3A_429 = tpu.memref_slice %arg9[%dma_wait3A_427, %dma_wait3A_428] : memref<10000x64xf32, #tpu.memory_space<vmem_shared>> -> memref<10000x64xf32, #tpu.memory_space<vmem_shared>>
        tpu.wait_indirect_dma semaphore(%run_scoped3A_417 : memref<!tpu.dma_semaphore, #tpu.memory_space<semaphore_mem>>) src(%arg13 : memref<100x64xf32, #tpu.memory_space<vmem>>) dst(%dma_wait3A_429 : memref<10000x64xf32, #tpu.memory_space<vmem_shared>>)
        tpu.yield
      }) : () -> ()
      %run_scoped3A_45 = arith.constant 0 : i32
      "tpu.region"() ({
        %run_scoped3A_417 = tpu.sem_alloc : memref<!tpu.dma_semaphore, #tpu.memory_space<semaphore_mem>>
        %dma_start3A_418 = arith.constant 0 : i32
        %dma_start3A_419 = tpu.memref_slice %arg12[%run_scoped3A_45, %dma_start3A_418] : memref<20x100xi32, #tpu.memory_space<vmem>> -> memref<1x100xi32, #tpu.memory_space<vmem>>
        %dma_start3A_420 = tpu.memref_squeeze %dma_start3A_419 : memref<1x100xi32, #tpu.memory_space<vmem>> -> memref<100xi32, #tpu.memory_space<vmem>>
        %dma_start3A_421 = arith.constant 0 : i32
        %dma_start3A_422 = arith.constant 0 : i32
        %dma_start3A_423 = tpu.memref_slice %arg10[%dma_start3A_421, %dma_start3A_422] : memref<10000x16xf32, #tpu.memory_space<vmem_shared>> -> memref<10000x16xf32, #tpu.memory_space<vmem_shared>>
        tpu.enqueue_indirect_dma source(%arg15 : memref<100x16xf32, #tpu.memory_space<vmem>>) target(%dma_start3A_423 : memref<10000x16xf32, #tpu.memory_space<vmem_shared>>) offsets(%dma_start3A_420 : memref<100xi32, #tpu.memory_space<vmem>>) semaphore(%run_scoped3A_417 : memref<!tpu.dma_semaphore, #tpu.memory_space<semaphore_mem>>) {add = true}
        %dma_wait3A_424 = arith.constant 0 : i32
        %dma_wait3A_425 = tpu.memref_slice %arg12[%run_scoped3A_45, %dma_wait3A_424] : memref<20x100xi32, #tpu.memory_space<vmem>> -> memref<1x100xi32, #tpu.memory_space<vmem>>
        %dma_wait3A_426 = tpu.memref_squeeze %dma_wait3A_425 : memref<1x100xi32, #tpu.memory_space<vmem>> -> memref<100xi32, #tpu.memory_space<vmem>>
        %dma_wait3A_427 = arith.constant 0 : i32
        %dma_wait3A_428 = arith.constant 0 : i32
        %dma_wait3A_429 = tpu.memref_slice %arg10[%dma_wait3A_427, %dma_wait3A_428] : memref<10000x16xf32, #tpu.memory_space<vmem_shared>> -> memref<10000x16xf32, #tpu.memory_space<vmem_shared>>
        tpu.wait_indirect_dma semaphore(%run_scoped3A_417 : memref<!tpu.dma_semaphore, #tpu.memory_space<semaphore_mem>>) src(%arg15 : memref<100x16xf32, #tpu.memory_space<vmem>>) dst(%dma_wait3A_429 : memref<10000x16xf32, #tpu.memory_space<vmem_shared>>)
        tpu.yield
      }) : () -> ()
      %dma_wait3A_46 = arith.constant 1 : i32
      %dma_wait3A_47 = arith.constant 0 : i32
      %dma_wait3A_48 = tpu.memref_slice %arg11[%dma_wait3A_46, %dma_wait3A_47] : memref<20x100xi32, #tpu.memory_space<vmem>> -> memref<1x100xi32, #tpu.memory_space<vmem>>
      %dma_wait3A_49 = tpu.memref_squeeze %dma_wait3A_48 : memref<1x100xi32, #tpu.memory_space<vmem>> -> memref<100xi32, #tpu.memory_space<vmem>>
      %dma_wait3A_50 = arith.constant 0 : i32
      %dma_wait3A_51 = tpu.memref_slice %arg2[%mul3A_0, %dma_wait3A_50] : memref<20000x64xf32, #tpu.memory_space<hbm>> -> memref<10000x64xf32, #tpu.memory_space<hbm>>
      %dma_wait3A_52 = arith.constant 0 : i32
      %dma_wait3A_53 = arith.constant 0 : i32
      %dma_wait3A_54 = tpu.memref_slice %dma_wait3A_51[%dma_wait3A_52, %dma_wait3A_53] : memref<10000x64xf32, #tpu.memory_space<hbm>> -> memref<10000x64xf32, #tpu.memory_space<hbm>>
      tpu.wait_indirect_dma semaphore(%arg21 : memref<!tpu.dma_semaphore, #tpu.memory_space<semaphore_mem>>) src(%dma_wait3A_54 : memref<10000x64xf32, #tpu.memory_space<hbm>>) dst(%arg14 : memref<100x64xf32, #tpu.memory_space<vmem>>)
      %dma_start3A_55 = arith.constant 2 : i32
      %dma_start3A_56 = arith.constant 0 : i32
      %dma_start3A_57 = tpu.memref_slice %arg11[%dma_start3A_55, %dma_start3A_56] : memref<20x100xi32, #tpu.memory_space<vmem>> -> memref<1x100xi32, #tpu.memory_space<vmem>>
      %dma_start3A_58 = tpu.memref_squeeze %dma_start3A_57 : memref<1x100xi32, #tpu.memory_space<vmem>> -> memref<100xi32, #tpu.memory_space<vmem>>
      %dma_start3A_59 = arith.constant 0 : i32
      %dma_start3A_60 = tpu.memref_slice %arg2[%mul3A_0, %dma_start3A_59] : memref<20000x64xf32, #tpu.memory_space<hbm>> -> memref<10000x64xf32, #tpu.memory_space<hbm>>
      %dma_start3A_61 = arith.constant 0 : i32
      %dma_start3A_62 = arith.constant 0 : i32
      %dma_start3A_63 = tpu.memref_slice %dma_start3A_60[%dma_start3A_61, %dma_start3A_62] : memref<10000x64xf32, #tpu.memory_space<hbm>> -> memref<10000x64xf32, #tpu.memory_space<hbm>>
      tpu.enqueue_indirect_dma source(%dma_start3A_63 : memref<10000x64xf32, #tpu.memory_space<hbm>>) target(%arg13 : memref<100x64xf32, #tpu.memory_space<vmem>>) offsets(%dma_start3A_58 : memref<100xi32, #tpu.memory_space<vmem>>) semaphore(%arg20 : memref<!tpu.dma_semaphore, #tpu.memory_space<semaphore_mem>>)
      %run_scoped3A_64 = arith.constant 1 : i32
      "tpu.region"() ({
        %run_scoped3A_417 = tpu.sem_alloc : memref<!tpu.dma_semaphore, #tpu.memory_space<semaphore_mem>>
        %dma_start3A_418 = arith.constant 0 : i32
        %dma_start3A_419 = tpu.memref_slice %arg12[%run_scoped3A_64, %dma_start3A_418] : memref<20x100xi32, #tpu.memory_space<vmem>> -> memref<1x100xi32, #tpu.memory_space<vmem>>
        %dma_start3A_420 = tpu.memref_squeeze %dma_start3A_419 : memref<1x100xi32, #tpu.memory_space<vmem>> -> memref<100xi32, #tpu.memory_space<vmem>>
        %dma_start3A_421 = arith.constant 0 : i32
        %dma_start3A_422 = arith.constant 0 : i32
        %dma_start3A_423 = tpu.memref_slice %arg9[%dma_start3A_421, %dma_start3A_422] : memref<10000x64xf32, #tpu.memory_space<vmem_shared>> -> memref<10000x64xf32, #tpu.memory_space<vmem_shared>>
        tpu.enqueue_indirect_dma source(%arg14 : memref<100x64xf32, #tpu.memory_space<vmem>>) target(%dma_start3A_423 : memref<10000x64xf32, #tpu.memory_space<vmem_shared>>) offsets(%dma_start3A_420 : memref<100xi32, #tpu.memory_space<vmem>>) semaphore(%run_scoped3A_417 : memref<!tpu.dma_semaphore, #tpu.memory_space<semaphore_mem>>) {add = true}
        %dma_wait3A_424 = arith.constant 0 : i32
        %dma_wait3A_425 = tpu.memref_slice %arg12[%run_scoped3A_64, %dma_wait3A_424] : memref<20x100xi32, #tpu.memory_space<vmem>> -> memref<1x100xi32, #tpu.memory_space<vmem>>
        %dma_wait3A_426 = tpu.memref_squeeze %dma_wait3A_425 : memref<1x100xi32, #tpu.memory_space<vmem>> -> memref<100xi32, #tpu.memory_space<vmem>>
        %dma_wait3A_427 = arith.constant 0 : i32
        %dma_wait3A_428 = arith.constant 0 : i32
        %dma_wait3A_429 = tpu.memref_slice %arg9[%dma_wait3A_427, %dma_wait3A_428] : memref<10000x64xf32, #tpu.memory_space<vmem_shared>> -> memref<10000x64xf32, #tpu.memory_space<vmem_shared>>
        tpu.wait_indirect_dma semaphore(%run_scoped3A_417 : memref<!tpu.dma_semaphore, #tpu.memory_space<semaphore_mem>>) src(%arg14 : memref<100x64xf32, #tpu.memory_space<vmem>>) dst(%dma_wait3A_429 : memref<10000x64xf32, #tpu.memory_space<vmem_shared>>)
        tpu.yield
      }) : () -> ()
      %run_scoped3A_65 = arith.constant 1 : i32
      "tpu.region"() ({
        %run_scoped3A_417 = tpu.sem_alloc : memref<!tpu.dma_semaphore, #tpu.memory_space<semaphore_mem>>
        %dma_start3A_418 = arith.constant 0 : i32
        %dma_start3A_419 = tpu.memref_slice %arg12[%run_scoped3A_65, %dma_start3A_418] : memref<20x100xi32, #tpu.memory_space<vmem>> -> memref<1x100xi32, #tpu.memory_space<vmem>>
        %dma_start3A_420 = tpu.memref_squeeze %dma_start3A_419 : memref<1x100xi32, #tpu.memory_space<vmem>> -> memref<100xi32, #tpu.memory_space<vmem>>
        %dma_start3A_421 = arith.constant 0 : i32
        %dma_start3A_422 = arith.constant 0 : i32
        %dma_start3A_423 = tpu.memref_slice %arg10[%dma_start3A_421, %dma_start3A_422] : memref<10000x16xf32, #tpu.memory_space<vmem_shared>> -> memref<10000x16xf32, #tpu.memory_space<vmem_shared>>
        tpu.enqueue_indirect_dma source(%arg15 : memref<100x16xf32, #tpu.memory_space<vmem>>) target(%dma_start3A_423 : memref<10000x16xf32, #tpu.memory_space<vmem_shared>>) offsets(%dma_start3A_420 : memref<100xi32, #tpu.memory_space<vmem>>) semaphore(%run_scoped3A_417 : memref<!tpu.dma_semaphore, #tpu.memory_space<semaphore_mem>>) {add = true}
        %dma_wait3A_424 = arith.constant 0 : i32
        %dma_wait3A_425 = tpu.memref_slice %arg12[%run_scoped3A_65, %dma_wait3A_424] : memref<20x100xi32, #tpu.memory_space<vmem>> -> memref<1x100xi32, #tpu.memory_space<vmem>>
        %dma_wait3A_426 = tpu.memref_squeeze %dma_wait3A_425 : memref<1x100xi32, #tpu.memory_space<vmem>> -> memref<100xi32, #tpu.memory_space<vmem>>
        %dma_wait3A_427 = arith.constant 0 : i32
        %dma_wait3A_428 = arith.constant 0 : i32
        %dma_wait3A_429 = tpu.memref_slice %arg10[%dma_wait3A_427, %dma_wait3A_428] : memref<10000x16xf32, #tpu.memory_space<vmem_shared>> -> memref<10000x16xf32, #tpu.memory_space<vmem_shared>>
        tpu.wait_indirect_dma semaphore(%run_scoped3A_417 : memref<!tpu.dma_semaphore, #tpu.memory_space<semaphore_mem>>) src(%arg15 : memref<100x16xf32, #tpu.memory_space<vmem>>) dst(%dma_wait3A_429 : memref<10000x16xf32, #tpu.memory_space<vmem_shared>>)
        tpu.yield
      }) : () -> ()
      %dma_wait3A_66 = arith.constant 2 : i32
      %dma_wait3A_67 = arith.constant 0 : i32
      %dma_wait3A_68 = tpu.memref_slice %arg11[%dma_wait3A_66, %dma_wait3A_67] : memref<20x100xi32, #tpu.memory_space<vmem>> -> memref<1x100xi32, #tpu.memory_space<vmem>>
      %dma_wait3A_69 = tpu.memref_squeeze %dma_wait3A_68 : memref<1x100xi32, #tpu.memory_space<vmem>> -> memref<100xi32, #tpu.memory_space<vmem>>
      %dma_wait3A_70 = arith.constant 0 : i32
      %dma_wait3A_71 = tpu.memref_slice %arg2[%mul3A_0, %dma_wait3A_70] : memref<20000x64xf32, #tpu.memory_space<hbm>> -> memref<10000x64xf32, #tpu.memory_space<hbm>>
      %dma_wait3A_72 = arith.constant 0 : i32
      %dma_wait3A_73 = arith.constant 0 : i32
      %dma_wait3A_74 = tpu.memref_slice %dma_wait3A_71[%dma_wait3A_72, %dma_wait3A_73] : memref<10000x64xf32, #tpu.memory_space<hbm>> -> memref<10000x64xf32, #tpu.memory_space<hbm>>
      tpu.wait_indirect_dma semaphore(%arg20 : memref<!tpu.dma_semaphore, #tpu.memory_space<semaphore_mem>>) src(%dma_wait3A_74 : memref<10000x64xf32, #tpu.memory_space<hbm>>) dst(%arg13 : memref<100x64xf32, #tpu.memory_space<vmem>>)
      %dma_start3A_75 = arith.constant 3 : i32
      %dma_start3A_76 = arith.constant 0 : i32
      %dma_start3A_77 = tpu.memref_slice %arg11[%dma_start3A_75, %dma_start3A_76] : memref<20x100xi32, #tpu.memory_space<vmem>> -> memref<1x100xi32, #tpu.memory_space<vmem>>
      %dma_start3A_78 = tpu.memref_squeeze %dma_start3A_77 : memref<1x100xi32, #tpu.memory_space<vmem>> -> memref<100xi32, #tpu.memory_space<vmem>>
      %dma_start3A_79 = arith.constant 0 : i32
      %dma_start3A_80 = tpu.memref_slice %arg2[%mul3A_0, %dma_start3A_79] : memref<20000x64xf32, #tpu.memory_space<hbm>> -> memref<10000x64xf32, #tpu.memory_space<hbm>>
      %dma_start3A_81 = arith.constant 0 : i32
      %dma_start3A_82 = arith.constant 0 : i32
      %dma_start3A_83 = tpu.memref_slice %dma_start3A_80[%dma_start3A_81, %dma_start3A_82] : memref<10000x64xf32, #tpu.memory_space<hbm>> -> memref<10000x64xf32, #tpu.memory_space<hbm>>
      tpu.enqueue_indirect_dma source(%dma_start3A_83 : memref<10000x64xf32, #tpu.memory_space<hbm>>) target(%arg14 : memref<100x64xf32, #tpu.memory_space<vmem>>) offsets(%dma_start3A_78 : memref<100xi32, #tpu.memory_space<vmem>>) semaphore(%arg21 : memref<!tpu.dma_semaphore, #tpu.memory_space<semaphore_mem>>)
      %run_scoped3A_84 = arith.constant 2 : i32
      "tpu.region"() ({
        %run_scoped3A_417 = tpu.sem_alloc : memref<!tpu.dma_semaphore, #tpu.memory_space<semaphore_mem>>
        %dma_start3A_418 = arith.constant 0 : i32
        %dma_start3A_419 = tpu.memref_slice %arg12[%run_scoped3A_84, %dma_start3A_418] : memref<20x100xi32, #tpu.memory_space<vmem>> -> memref<1x100xi32, #tpu.memory_space<vmem>>
        %dma_start3A_420 = tpu.memref_squeeze %dma_start3A_419 : memref<1x100xi32, #tpu.memory_space<vmem>> -> memref<100xi32, #tpu.memory_space<vmem>>
        %dma_start3A_421 = arith.constant 0 : i32
        %dma_start3A_422 = arith.constant 0 : i32
        %dma_start3A_423 = tpu.memref_slice %arg9[%dma_start3A_421, %dma_start3A_422] : memref<10000x64xf32, #tpu.memory_space<vmem_shared>> -> memref<10000x64xf32, #tpu.memory_space<vmem_shared>>
        tpu.enqueue_indirect_dma source(%arg13 : memref<100x64xf32, #tpu.memory_space<vmem>>) target(%dma_start3A_423 : memref<10000x64xf32, #tpu.memory_space<vmem_shared>>) offsets(%dma_start3A_420 : memref<100xi32, #tpu.memory_space<vmem>>) semaphore(%run_scoped3A_417 : memref<!tpu.dma_semaphore, #tpu.memory_space<semaphore_mem>>) {add = true}
        %dma_wait3A_424 = arith.constant 0 : i32
        %dma_wait3A_425 = tpu.memref_slice %arg12[%run_scoped3A_84, %dma_wait3A_424] : memref<20x100xi32, #tpu.memory_space<vmem>> -> memref<1x100xi32, #tpu.memory_space<vmem>>
        %dma_wait3A_426 = tpu.memref_squeeze %dma_wait3A_425 : memref<1x100xi32, #tpu.memory_space<vmem>> -> memref<100xi32, #tpu.memory_space<vmem>>
        %dma_wait3A_427 = arith.constant 0 : i32
        %dma_wait3A_428 = arith.constant 0 : i32
        %dma_wait3A_429 = tpu.memref_slice %arg9[%dma_wait3A_427, %dma_wait3A_428] : memref<10000x64xf32, #tpu.memory_space<vmem_shared>> -> memref<10000x64xf32, #tpu.memory_space<vmem_shared>>
        tpu.wait_indirect_dma semaphore(%run_scoped3A_417 : memref<!tpu.dma_semaphore, #tpu.memory_space<semaphore_mem>>) src(%arg13 : memref<100x64xf32, #tpu.memory_space<vmem>>) dst(%dma_wait3A_429 : memref<10000x64xf32, #tpu.memory_space<vmem_shared>>)
        tpu.yield
      }) : () -> ()
      %run_scoped3A_85 = arith.constant 2 : i32
      "tpu.region"() ({
        %run_scoped3A_417 = tpu.sem_alloc : memref<!tpu.dma_semaphore, #tpu.memory_space<semaphore_mem>>
        %dma_start3A_418 = arith.constant 0 : i32
        %dma_start3A_419 = tpu.memref_slice %arg12[%run_scoped3A_85, %dma_start3A_418] : memref<20x100xi32, #tpu.memory_space<vmem>> -> memref<1x100xi32, #tpu.memory_space<vmem>>
        %dma_start3A_420 = tpu.memref_squeeze %dma_start3A_419 : memref<1x100xi32, #tpu.memory_space<vmem>> -> memref<100xi32, #tpu.memory_space<vmem>>
        %dma_start3A_421 = arith.constant 0 : i32
        %dma_start3A_422 = arith.constant 0 : i32
        %dma_start3A_423 = tpu.memref_slice %arg10[%dma_start3A_421, %dma_start3A_422] : memref<10000x16xf32, #tpu.memory_space<vmem_shared>> -> memref<10000x16xf32, #tpu.memory_space<vmem_shared>>
        tpu.enqueue_indirect_dma source(%arg15 : memref<100x16xf32, #tpu.memory_space<vmem>>) target(%dma_start3A_423 : memref<10000x16xf32, #tpu.memory_space<vmem_shared>>) offsets(%dma_start3A_420 : memref<100xi32, #tpu.memory_space<vmem>>) semaphore(%run_scoped3A_417 : memref<!tpu.dma_semaphore, #tpu.memory_space<semaphore_mem>>) {add = true}
        %dma_wait3A_424 = arith.constant 0 : i32
        %dma_wait3A_425 = tpu.memref_slice %arg12[%run_scoped3A_85, %dma_wait3A_424] : memref<20x100xi32, #tpu.memory_space<vmem>> -> memref<1x100xi32, #tpu.memory_space<vmem>>
        %dma_wait3A_426 = tpu.memref_squeeze %dma_wait3A_425 : memref<1x100xi32, #tpu.memory_space<vmem>> -> memref<100xi32, #tpu.memory_space<vmem>>
        %dma_wait3A_427 = arith.constant 0 : i32
        %dma_wait3A_428 = arith.constant 0 : i32
        %dma_wait3A_429 = tpu.memref_slice %arg10[%dma_wait3A_427, %dma_wait3A_428] : memref<10000x16xf32, #tpu.memory_space<vmem_shared>> -> memref<10000x16xf32, #tpu.memory_space<vmem_shared>>
        tpu.wait_indirect_dma semaphore(%run_scoped3A_417 : memref<!tpu.dma_semaphore, #tpu.memory_space<semaphore_mem>>) src(%arg15 : memref<100x16xf32, #tpu.memory_space<vmem>>) dst(%dma_wait3A_429 : memref<10000x16xf32, #tpu.memory_space<vmem_shared>>)
        tpu.yield
      }) : () -> ()
      %dma_wait3A_86 = arith.constant 3 : i32
      %dma_wait3A_87 = arith.constant 0 : i32
      %dma_wait3A_88 = tpu.memref_slice %arg11[%dma_wait3A_86, %dma_wait3A_87] : memref<20x100xi32, #tpu.memory_space<vmem>> -> memref<1x100xi32, #tpu.memory_space<vmem>>
      %dma_wait3A_89 = tpu.memref_squeeze %dma_wait3A_88 : memref<1x100xi32, #tpu.memory_space<vmem>> -> memref<100xi32, #tpu.memory_space<vmem>>
      %dma_wait3A_90 = arith.constant 0 : i32
      %dma_wait3A_91 = tpu.memref_slice %arg2[%mul3A_0, %dma_wait3A_90] : memref<20000x64xf32, #tpu.memory_space<hbm>> -> memref<10000x64xf32, #tpu.memory_space<hbm>>
      %dma_wait3A_92 = arith.constant 0 : i32
      %dma_wait3A_93 = arith.constant 0 : i32
      %dma_wait3A_94 = tpu.memref_slice %dma_wait3A_91[%dma_wait3A_92, %dma_wait3A_93] : memref<10000x64xf32, #tpu.memory_space<hbm>> -> memref<10000x64xf32, #tpu.memory_space<hbm>>
      tpu.wait_indirect_dma semaphore(%arg21 : memref<!tpu.dma_semaphore, #tpu.memory_space<semaphore_mem>>) src(%dma_wait3A_94 : memref<10000x64xf32, #tpu.memory_space<hbm>>) dst(%arg14 : memref<100x64xf32, #tpu.memory_space<vmem>>)
      %dma_start3A_95 = arith.constant 4 : i32
      %dma_start3A_96 = arith.constant 0 : i32
      %dma_start3A_97 = tpu.memref_slice %arg11[%dma_start3A_95, %dma_start3A_96] : memref<20x100xi32, #tpu.memory_space<vmem>> -> memref<1x100xi32, #tpu.memory_space<vmem>>
      %dma_start3A_98 = tpu.memref_squeeze %dma_start3A_97 : memref<1x100xi32, #tpu.memory_space<vmem>> -> memref<100xi32, #tpu.memory_space<vmem>>
      %dma_start3A_99 = arith.constant 0 : i32
      %dma_start3A_100 = tpu.memref_slice %arg2[%mul3A_0, %dma_start3A_99] : memref<20000x64xf32, #tpu.memory_space<hbm>> -> memref<10000x64xf32, #tpu.memory_space<hbm>>
      %dma_start3A_101 = arith.constant 0 : i32
      %dma_start3A_102 = arith.constant 0 : i32
      %dma_start3A_103 = tpu.memref_slice %dma_start3A_100[%dma_start3A_101, %dma_start3A_102] : memref<10000x64xf32, #tpu.memory_space<hbm>> -> memref<10000x64xf32, #tpu.memory_space<hbm>>
      tpu.enqueue_indirect_dma source(%dma_start3A_103 : memref<10000x64xf32, #tpu.memory_space<hbm>>) target(%arg13 : memref<100x64xf32, #tpu.memory_space<vmem>>) offsets(%dma_start3A_98 : memref<100xi32, #tpu.memory_space<vmem>>) semaphore(%arg20 : memref<!tpu.dma_semaphore, #tpu.memory_space<semaphore_mem>>)
      %run_scoped3A_104 = arith.constant 3 : i32
      "tpu.region"() ({
        %run_scoped3A_417 = tpu.sem_alloc : memref<!tpu.dma_semaphore, #tpu.memory_space<semaphore_mem>>
        %dma_start3A_418 = arith.constant 0 : i32
        %dma_start3A_419 = tpu.memref_slice %arg12[%run_scoped3A_104, %dma_start3A_418] : memref<20x100xi32, #tpu.memory_space<vmem>> -> memref<1x100xi32, #tpu.memory_space<vmem>>
        %dma_start3A_420 = tpu.memref_squeeze %dma_start3A_419 : memref<1x100xi32, #tpu.memory_space<vmem>> -> memref<100xi32, #tpu.memory_space<vmem>>
        %dma_start3A_421 = arith.constant 0 : i32
        %dma_start3A_422 = arith.constant 0 : i32
        %dma_start3A_423 = tpu.memref_slice %arg9[%dma_start3A_421, %dma_start3A_422] : memref<10000x64xf32, #tpu.memory_space<vmem_shared>> -> memref<10000x64xf32, #tpu.memory_space<vmem_shared>>
        tpu.enqueue_indirect_dma source(%arg14 : memref<100x64xf32, #tpu.memory_space<vmem>>) target(%dma_start3A_423 : memref<10000x64xf32, #tpu.memory_space<vmem_shared>>) offsets(%dma_start3A_420 : memref<100xi32, #tpu.memory_space<vmem>>) semaphore(%run_scoped3A_417 : memref<!tpu.dma_semaphore, #tpu.memory_space<semaphore_mem>>) {add = true}
        %dma_wait3A_424 = arith.constant 0 : i32
        %dma_wait3A_425 = tpu.memref_slice %arg12[%run_scoped3A_104, %dma_wait3A_424] : memref<20x100xi32, #tpu.memory_space<vmem>> -> memref<1x100xi32, #tpu.memory_space<vmem>>
        %dma_wait3A_426 = tpu.memref_squeeze %dma_wait3A_425 : memref<1x100xi32, #tpu.memory_space<vmem>> -> memref<100xi32, #tpu.memory_space<vmem>>
        %dma_wait3A_427 = arith.constant 0 : i32
        %dma_wait3A_428 = arith.constant 0 : i32
        %dma_wait3A_429 = tpu.memref_slice %arg9[%dma_wait3A_427, %dma_wait3A_428] : memref<10000x64xf32, #tpu.memory_space<vmem_shared>> -> memref<10000x64xf32, #tpu.memory_space<vmem_shared>>
        tpu.wait_indirect_dma semaphore(%run_scoped3A_417 : memref<!tpu.dma_semaphore, #tpu.memory_space<semaphore_mem>>) src(%arg14 : memref<100x64xf32, #tpu.memory_space<vmem>>) dst(%dma_wait3A_429 : memref<10000x64xf32, #tpu.memory_space<vmem_shared>>)
        tpu.yield
      }) : () -> ()
      %run_scoped3A_105 = arith.constant 3 : i32
      "tpu.region"() ({
        %run_scoped3A_417 = tpu.sem_alloc : memref<!tpu.dma_semaphore, #tpu.memory_space<semaphore_mem>>
        %dma_start3A_418 = arith.constant 0 : i32
        %dma_start3A_419 = tpu.memref_slice %arg12[%run_scoped3A_105, %dma_start3A_418] : memref<20x100xi32, #tpu.memory_space<vmem>> -> memref<1x100xi32, #tpu.memory_space<vmem>>
        %dma_start3A_420 = tpu.memref_squeeze %dma_start3A_419 : memref<1x100xi32, #tpu.memory_space<vmem>> -> memref<100xi32, #tpu.memory_space<vmem>>
        %dma_start3A_421 = arith.constant 0 : i32
        %dma_start3A_422 = arith.constant 0 : i32
        %dma_start3A_423 = tpu.memref_slice %arg10[%dma_start3A_421, %dma_start3A_422] : memref<10000x16xf32, #tpu.memory_space<vmem_shared>> -> memref<10000x16xf32, #tpu.memory_space<vmem_shared>>
        tpu.enqueue_indirect_dma source(%arg15 : memref<100x16xf32, #tpu.memory_space<vmem>>) target(%dma_start3A_423 : memref<10000x16xf32, #tpu.memory_space<vmem_shared>>) offsets(%dma_start3A_420 : memref<100xi32, #tpu.memory_space<vmem>>) semaphore(%run_scoped3A_417 : memref<!tpu.dma_semaphore, #tpu.memory_space<semaphore_mem>>) {add = true}
        %dma_wait3A_424 = arith.constant 0 : i32
        %dma_wait3A_425 = tpu.memref_slice %arg12[%run_scoped3A_105, %dma_wait3A_424] : memref<20x100xi32, #tpu.memory_space<vmem>> -> memref<1x100xi32, #tpu.memory_space<vmem>>
        %dma_wait3A_426 = tpu.memref_squeeze %dma_wait3A_425 : memref<1x100xi32, #tpu.memory_space<vmem>> -> memref<100xi32, #tpu.memory_space<vmem>>
        %dma_wait3A_427 = arith.constant 0 : i32
        %dma_wait3A_428 = arith.constant 0 : i32
        %dma_wait3A_429 = tpu.memref_slice %arg10[%dma_wait3A_427, %dma_wait3A_428] : memref<10000x16xf32, #tpu.memory_space<vmem_shared>> -> memref<10000x16xf32, #tpu.memory_space<vmem_shared>>
        tpu.wait_indirect_dma semaphore(%run_scoped3A_417 : memref<!tpu.dma_semaphore, #tpu.memory_space<semaphore_mem>>) src(%arg15 : memref<100x16xf32, #tpu.memory_space<vmem>>) dst(%dma_wait3A_429 : memref<10000x16xf32, #tpu.memory_space<vmem_shared>>)
        tpu.yield
      }) : () -> ()
      %dma_wait3A_106 = arith.constant 4 : i32
      %dma_wait3A_107 = arith.constant 0 : i32
      %dma_wait3A_108 = tpu.memref_slice %arg11[%dma_wait3A_106, %dma_wait3A_107] : memref<20x100xi32, #tpu.memory_space<vmem>> -> memref<1x100xi32, #tpu.memory_space<vmem>>
      %dma_wait3A_109 = tpu.memref_squeeze %dma_wait3A_108 : memref<1x100xi32, #tpu.memory_space<vmem>> -> memref<100xi32, #tpu.memory_space<vmem>>
      %dma_wait3A_110 = arith.constant 0 : i32
      %dma_wait3A_111 = tpu.memref_slice %arg2[%mul3A_0, %dma_wait3A_110] : memref<20000x64xf32, #tpu.memory_space<hbm>> -> memref<10000x64xf32, #tpu.memory_space<hbm>>
      %dma_wait3A_112 = arith.constant 0 : i32
      %dma_wait3A_113 = arith.constant 0 : i32
      %dma_wait3A_114 = tpu.memref_slice %dma_wait3A_111[%dma_wait3A_112, %dma_wait3A_113] : memref<10000x64xf32, #tpu.memory_space<hbm>> -> memref<10000x64xf32, #tpu.memory_space<hbm>>
      tpu.wait_indirect_dma semaphore(%arg20 : memref<!tpu.dma_semaphore, #tpu.memory_space<semaphore_mem>>) src(%dma_wait3A_114 : memref<10000x64xf32, #tpu.memory_space<hbm>>) dst(%arg13 : memref<100x64xf32, #tpu.memory_space<vmem>>)
      %dma_start3A_115 = arith.constant 5 : i32
      %dma_start3A_116 = arith.constant 0 : i32
      %dma_start3A_117 = tpu.memref_slice %arg11[%dma_start3A_115, %dma_start3A_116] : memref<20x100xi32, #tpu.memory_space<vmem>> -> memref<1x100xi32, #tpu.memory_space<vmem>>
      %dma_start3A_118 = tpu.memref_squeeze %dma_start3A_117 : memref<1x100xi32, #tpu.memory_space<vmem>> -> memref<100xi32, #tpu.memory_space<vmem>>
      %dma_start3A_119 = arith.constant 0 : i32
      %dma_start3A_120 = tpu.memref_slice %arg2[%mul3A_0, %dma_start3A_119] : memref<20000x64xf32, #tpu.memory_space<hbm>> -> memref<10000x64xf32, #tpu.memory_space<hbm>>
      %dma_start3A_121 = arith.constant 0 : i32
      %dma_start3A_122 = arith.constant 0 : i32
      %dma_start3A_123 = tpu.memref_slice %dma_start3A_120[%dma_start3A_121, %dma_start3A_122] : memref<10000x64xf32, #tpu.memory_space<hbm>> -> memref<10000x64xf32, #tpu.memory_space<hbm>>
      tpu.enqueue_indirect_dma source(%dma_start3A_123 : memref<10000x64xf32, #tpu.memory_space<hbm>>) target(%arg14 : memref<100x64xf32, #tpu.memory_space<vmem>>) offsets(%dma_start3A_118 : memref<100xi32, #tpu.memory_space<vmem>>) semaphore(%arg21 : memref<!tpu.dma_semaphore, #tpu.memory_space<semaphore_mem>>)
      %run_scoped3A_124 = arith.constant 4 : i32
      "tpu.region"() ({
        %run_scoped3A_417 = tpu.sem_alloc : memref<!tpu.dma_semaphore, #tpu.memory_space<semaphore_mem>>
        %dma_start3A_418 = arith.constant 0 : i32
        %dma_start3A_419 = tpu.memref_slice %arg12[%run_scoped3A_124, %dma_start3A_418] : memref<20x100xi32, #tpu.memory_space<vmem>> -> memref<1x100xi32, #tpu.memory_space<vmem>>
        %dma_start3A_420 = tpu.memref_squeeze %dma_start3A_419 : memref<1x100xi32, #tpu.memory_space<vmem>> -> memref<100xi32, #tpu.memory_space<vmem>>
        %dma_start3A_421 = arith.constant 0 : i32
        %dma_start3A_422 = arith.constant 0 : i32
        %dma_start3A_423 = tpu.memref_slice %arg9[%dma_start3A_421, %dma_start3A_422] : memref<10000x64xf32, #tpu.memory_space<vmem_shared>> -> memref<10000x64xf32, #tpu.memory_space<vmem_shared>>
        tpu.enqueue_indirect_dma source(%arg13 : memref<100x64xf32, #tpu.memory_space<vmem>>) target(%dma_start3A_423 : memref<10000x64xf32, #tpu.memory_space<vmem_shared>>) offsets(%dma_start3A_420 : memref<100xi32, #tpu.memory_space<vmem>>) semaphore(%run_scoped3A_417 : memref<!tpu.dma_semaphore, #tpu.memory_space<semaphore_mem>>) {add = true}
        %dma_wait3A_424 = arith.constant 0 : i32
        %dma_wait3A_425 = tpu.memref_slice %arg12[%run_scoped3A_124, %dma_wait3A_424] : memref<20x100xi32, #tpu.memory_space<vmem>> -> memref<1x100xi32, #tpu.memory_space<vmem>>
        %dma_wait3A_426 = tpu.memref_squeeze %dma_wait3A_425 : memref<1x100xi32, #tpu.memory_space<vmem>> -> memref<100xi32, #tpu.memory_space<vmem>>
        %dma_wait3A_427 = arith.constant 0 : i32
        %dma_wait3A_428 = arith.constant 0 : i32
        %dma_wait3A_429 = tpu.memref_slice %arg9[%dma_wait3A_427, %dma_wait3A_428] : memref<10000x64xf32, #tpu.memory_space<vmem_shared>> -> memref<10000x64xf32, #tpu.memory_space<vmem_shared>>
        tpu.wait_indirect_dma semaphore(%run_scoped3A_417 : memref<!tpu.dma_semaphore, #tpu.memory_space<semaphore_mem>>) src(%arg13 : memref<100x64xf32, #tpu.memory_space<vmem>>) dst(%dma_wait3A_429 : memref<10000x64xf32, #tpu.memory_space<vmem_shared>>)
        tpu.yield
      }) : () -> ()
      %run_scoped3A_125 = arith.constant 4 : i32
      "tpu.region"() ({
        %run_scoped3A_417 = tpu.sem_alloc : memref<!tpu.dma_semaphore, #tpu.memory_space<semaphore_mem>>
        %dma_start3A_418 = arith.constant 0 : i32
        %dma_start3A_419 = tpu.memref_slice %arg12[%run_scoped3A_125, %dma_start3A_418] : memref<20x100xi32, #tpu.memory_space<vmem>> -> memref<1x100xi32, #tpu.memory_space<vmem>>
        %dma_start3A_420 = tpu.memref_squeeze %dma_start3A_419 : memref<1x100xi32, #tpu.memory_space<vmem>> -> memref<100xi32, #tpu.memory_space<vmem>>
        %dma_start3A_421 = arith.constant 0 : i32
        %dma_start3A_422 = arith.constant 0 : i32
        %dma_start3A_423 = tpu.memref_slice %arg10[%dma_start3A_421, %dma_start3A_422] : memref<10000x16xf32, #tpu.memory_space<vmem_shared>> -> memref<10000x16xf32, #tpu.memory_space<vmem_shared>>
        tpu.enqueue_indirect_dma source(%arg15 : memref<100x16xf32, #tpu.memory_space<vmem>>) target(%dma_start3A_423 : memref<10000x16xf32, #tpu.memory_space<vmem_shared>>) offsets(%dma_start3A_420 : memref<100xi32, #tpu.memory_space<vmem>>) semaphore(%run_scoped3A_417 : memref<!tpu.dma_semaphore, #tpu.memory_space<semaphore_mem>>) {add = true}
        %dma_wait3A_424 = arith.constant 0 : i32
        %dma_wait3A_425 = tpu.memref_slice %arg12[%run_scoped3A_125, %dma_wait3A_424] : memref<20x100xi32, #tpu.memory_space<vmem>> -> memref<1x100xi32, #tpu.memory_space<vmem>>
        %dma_wait3A_426 = tpu.memref_squeeze %dma_wait3A_425 : memref<1x100xi32, #tpu.memory_space<vmem>> -> memref<100xi32, #tpu.memory_space<vmem>>
        %dma_wait3A_427 = arith.constant 0 : i32
        %dma_wait3A_428 = arith.constant 0 : i32
        %dma_wait3A_429 = tpu.memref_slice %arg10[%dma_wait3A_427, %dma_wait3A_428] : memref<10000x16xf32, #tpu.memory_space<vmem_shared>> -> memref<10000x16xf32, #tpu.memory_space<vmem_shared>>
        tpu.wait_indirect_dma semaphore(%run_scoped3A_417 : memref<!tpu.dma_semaphore, #tpu.memory_space<semaphore_mem>>) src(%arg15 : memref<100x16xf32, #tpu.memory_space<vmem>>) dst(%dma_wait3A_429 : memref<10000x16xf32, #tpu.memory_space<vmem_shared>>)
        tpu.yield
      }) : () -> ()
      %dma_wait3A_126 = arith.constant 5 : i32
      %dma_wait3A_127 = arith.constant 0 : i32
      %dma_wait3A_128 = tpu.memref_slice %arg11[%dma_wait3A_126, %dma_wait3A_127] : memref<20x100xi32, #tpu.memory_space<vmem>> -> memref<1x100xi32, #tpu.memory_space<vmem>>
      %dma_wait3A_129 = tpu.memref_squeeze %dma_wait3A_128 : memref<1x100xi32, #tpu.memory_space<vmem>> -> memref<100xi32, #tpu.memory_space<vmem>>
      %dma_wait3A_130 = arith.constant 0 : i32
      %dma_wait3A_131 = tpu.memref_slice %arg2[%mul3A_0, %dma_wait3A_130] : memref<20000x64xf32, #tpu.memory_space<hbm>> -> memref<10000x64xf32, #tpu.memory_space<hbm>>
      %dma_wait3A_132 = arith.constant 0 : i32
      %dma_wait3A_133 = arith.constant 0 : i32
      %dma_wait3A_134 = tpu.memref_slice %dma_wait3A_131[%dma_wait3A_132, %dma_wait3A_133] : memref<10000x64xf32, #tpu.memory_space<hbm>> -> memref<10000x64xf32, #tpu.memory_space<hbm>>
      tpu.wait_indirect_dma semaphore(%arg21 : memref<!tpu.dma_semaphore, #tpu.memory_space<semaphore_mem>>) src(%dma_wait3A_134 : memref<10000x64xf32, #tpu.memory_space<hbm>>) dst(%arg14 : memref<100x64xf32, #tpu.memory_space<vmem>>)
      %dma_start3A_135 = arith.constant 6 : i32
      %dma_start3A_136 = arith.constant 0 : i32
      %dma_start3A_137 = tpu.memref_slice %arg11[%dma_start3A_135, %dma_start3A_136] : memref<20x100xi32, #tpu.memory_space<vmem>> -> memref<1x100xi32, #tpu.memory_space<vmem>>
      %dma_start3A_138 = tpu.memref_squeeze %dma_start3A_137 : memref<1x100xi32, #tpu.memory_space<vmem>> -> memref<100xi32, #tpu.memory_space<vmem>>
      %dma_start3A_139 = arith.constant 0 : i32
      %dma_start3A_140 = tpu.memref_slice %arg2[%mul3A_0, %dma_start3A_139] : memref<20000x64xf32, #tpu.memory_space<hbm>> -> memref<10000x64xf32, #tpu.memory_space<hbm>>
      %dma_start3A_141 = arith.constant 0 : i32
      %dma_start3A_142 = arith.constant 0 : i32
      %dma_start3A_143 = tpu.memref_slice %dma_start3A_140[%dma_start3A_141, %dma_start3A_142] : memref<10000x64xf32, #tpu.memory_space<hbm>> -> memref<10000x64xf32, #tpu.memory_space<hbm>>
      tpu.enqueue_indirect_dma source(%dma_start3A_143 : memref<10000x64xf32, #tpu.memory_space<hbm>>) target(%arg13 : memref<100x64xf32, #tpu.memory_space<vmem>>) offsets(%dma_start3A_138 : memref<100xi32, #tpu.memory_space<vmem>>) semaphore(%arg20 : memref<!tpu.dma_semaphore, #tpu.memory_space<semaphore_mem>>)
      %run_scoped3A_144 = arith.constant 5 : i32
      "tpu.region"() ({
        %run_scoped3A_417 = tpu.sem_alloc : memref<!tpu.dma_semaphore, #tpu.memory_space<semaphore_mem>>
        %dma_start3A_418 = arith.constant 0 : i32
        %dma_start3A_419 = tpu.memref_slice %arg12[%run_scoped3A_144, %dma_start3A_418] : memref<20x100xi32, #tpu.memory_space<vmem>> -> memref<1x100xi32, #tpu.memory_space<vmem>>
        %dma_start3A_420 = tpu.memref_squeeze %dma_start3A_419 : memref<1x100xi32, #tpu.memory_space<vmem>> -> memref<100xi32, #tpu.memory_space<vmem>>
        %dma_start3A_421 = arith.constant 0 : i32
        %dma_start3A_422 = arith.constant 0 : i32
        %dma_start3A_423 = tpu.memref_slice %arg9[%dma_start3A_421, %dma_start3A_422] : memref<10000x64xf32, #tpu.memory_space<vmem_shared>> -> memref<10000x64xf32, #tpu.memory_space<vmem_shared>>
        tpu.enqueue_indirect_dma source(%arg14 : memref<100x64xf32, #tpu.memory_space<vmem>>) target(%dma_start3A_423 : memref<10000x64xf32, #tpu.memory_space<vmem_shared>>) offsets(%dma_start3A_420 : memref<100xi32, #tpu.memory_space<vmem>>) semaphore(%run_scoped3A_417 : memref<!tpu.dma_semaphore, #tpu.memory_space<semaphore_mem>>) {add = true}
        %dma_wait3A_424 = arith.constant 0 : i32
        %dma_wait3A_425 = tpu.memref_slice %arg12[%run_scoped3A_144, %dma_wait3A_424] : memref<20x100xi32, #tpu.memory_space<vmem>> -> memref<1x100xi32, #tpu.memory_space<vmem>>
        %dma_wait3A_426 = tpu.memref_squeeze %dma_wait3A_425 : memref<1x100xi32, #tpu.memory_space<vmem>> -> memref<100xi32, #tpu.memory_space<vmem>>
        %dma_wait3A_427 = arith.constant 0 : i32
        %dma_wait3A_428 = arith.constant 0 : i32
        %dma_wait3A_429 = tpu.memref_slice %arg9[%dma_wait3A_427, %dma_wait3A_428] : memref<10000x64xf32, #tpu.memory_space<vmem_shared>> -> memref<10000x64xf32, #tpu.memory_space<vmem_shared>>
        tpu.wait_indirect_dma semaphore(%run_scoped3A_417 : memref<!tpu.dma_semaphore, #tpu.memory_space<semaphore_mem>>) src(%arg14 : memref<100x64xf32, #tpu.memory_space<vmem>>) dst(%dma_wait3A_429 : memref<10000x64xf32, #tpu.memory_space<vmem_shared>>)
        tpu.yield
      }) : () -> ()
      %run_scoped3A_145 = arith.constant 5 : i32
      "tpu.region"() ({
        %run_scoped3A_417 = tpu.sem_alloc : memref<!tpu.dma_semaphore, #tpu.memory_space<semaphore_mem>>
        %dma_start3A_418 = arith.constant 0 : i32
        %dma_start3A_419 = tpu.memref_slice %arg12[%run_scoped3A_145, %dma_start3A_418] : memref<20x100xi32, #tpu.memory_space<vmem>> -> memref<1x100xi32, #tpu.memory_space<vmem>>
        %dma_start3A_420 = tpu.memref_squeeze %dma_start3A_419 : memref<1x100xi32, #tpu.memory_space<vmem>> -> memref<100xi32, #tpu.memory_space<vmem>>
        %dma_start3A_421 = arith.constant 0 : i32
        %dma_start3A_422 = arith.constant 0 : i32
        %dma_start3A_423 = tpu.memref_slice %arg10[%dma_start3A_421, %dma_start3A_422] : memref<10000x16xf32, #tpu.memory_space<vmem_shared>> -> memref<10000x16xf32, #tpu.memory_space<vmem_shared>>
        tpu.enqueue_indirect_dma source(%arg15 : memref<100x16xf32, #tpu.memory_space<vmem>>) target(%dma_start3A_423 : memref<10000x16xf32, #tpu.memory_space<vmem_shared>>) offsets(%dma_start3A_420 : memref<100xi32, #tpu.memory_space<vmem>>) semaphore(%run_scoped3A_417 : memref<!tpu.dma_semaphore, #tpu.memory_space<semaphore_mem>>) {add = true}
        %dma_wait3A_424 = arith.constant 0 : i32
        %dma_wait3A_425 = tpu.memref_slice %arg12[%run_scoped3A_145, %dma_wait3A_424] : memref<20x100xi32, #tpu.memory_space<vmem>> -> memref<1x100xi32, #tpu.memory_space<vmem>>
        %dma_wait3A_426 = tpu.memref_squeeze %dma_wait3A_425 : memref<1x100xi32, #tpu.memory_space<vmem>> -> memref<100xi32, #tpu.memory_space<vmem>>
        %dma_wait3A_427 = arith.constant 0 : i32
        %dma_wait3A_428 = arith.constant 0 : i32
        %dma_wait3A_429 = tpu.memref_slice %arg10[%dma_wait3A_427, %dma_wait3A_428] : memref<10000x16xf32, #tpu.memory_space<vmem_shared>> -> memref<10000x16xf32, #tpu.memory_space<vmem_shared>>
        tpu.wait_indirect_dma semaphore(%run_scoped3A_417 : memref<!tpu.dma_semaphore, #tpu.memory_space<semaphore_mem>>) src(%arg15 : memref<100x16xf32, #tpu.memory_space<vmem>>) dst(%dma_wait3A_429 : memref<10000x16xf32, #tpu.memory_space<vmem_shared>>)
        tpu.yield
      }) : () -> ()
      %dma_wait3A_146 = arith.constant 6 : i32
      %dma_wait3A_147 = arith.constant 0 : i32
      %dma_wait3A_148 = tpu.memref_slice %arg11[%dma_wait3A_146, %dma_wait3A_147] : memref<20x100xi32, #tpu.memory_space<vmem>> -> memref<1x100xi32, #tpu.memory_space<vmem>>
      %dma_wait3A_149 = tpu.memref_squeeze %dma_wait3A_148 : memref<1x100xi32, #tpu.memory_space<vmem>> -> memref<100xi32, #tpu.memory_space<vmem>>
      %dma_wait3A_150 = arith.constant 0 : i32
      %dma_wait3A_151 = tpu.memref_slice %arg2[%mul3A_0, %dma_wait3A_150] : memref<20000x64xf32, #tpu.memory_space<hbm>> -> memref<10000x64xf32, #tpu.memory_space<hbm>>
      %dma_wait3A_152 = arith.constant 0 : i32
      %dma_wait3A_153 = arith.constant 0 : i32
      %dma_wait3A_154 = tpu.memref_slice %dma_wait3A_151[%dma_wait3A_152, %dma_wait3A_153] : memref<10000x64xf32, #tpu.memory_space<hbm>> -> memref<10000x64xf32, #tpu.memory_space<hbm>>
      tpu.wait_indirect_dma semaphore(%arg20 : memref<!tpu.dma_semaphore, #tpu.memory_space<semaphore_mem>>) src(%dma_wait3A_154 : memref<10000x64xf32, #tpu.memory_space<hbm>>) dst(%arg13 : memref<100x64xf32, #tpu.memory_space<vmem>>)
      %dma_start3A_155 = arith.constant 7 : i32
      %dma_start3A_156 = arith.constant 0 : i32
      %dma_start3A_157 = tpu.memref_slice %arg11[%dma_start3A_155, %dma_start3A_156] : memref<20x100xi32, #tpu.memory_space<vmem>> -> memref<1x100xi32, #tpu.memory_space<vmem>>
      %dma_start3A_158 = tpu.memref_squeeze %dma_start3A_157 : memref<1x100xi32, #tpu.memory_space<vmem>> -> memref<100xi32, #tpu.memory_space<vmem>>
      %dma_start3A_159 = arith.constant 0 : i32
      %dma_start3A_160 = tpu.memref_slice %arg2[%mul3A_0, %dma_start3A_159] : memref<20000x64xf32, #tpu.memory_space<hbm>> -> memref<10000x64xf32, #tpu.memory_space<hbm>>
      %dma_start3A_161 = arith.constant 0 : i32
      %dma_start3A_162 = arith.constant 0 : i32
      %dma_start3A_163 = tpu.memref_slice %dma_start3A_160[%dma_start3A_161, %dma_start3A_162] : memref<10000x64xf32, #tpu.memory_space<hbm>> -> memref<10000x64xf32, #tpu.memory_space<hbm>>
      tpu.enqueue_indirect_dma source(%dma_start3A_163 : memref<10000x64xf32, #tpu.memory_space<hbm>>) target(%arg14 : memref<100x64xf32, #tpu.memory_space<vmem>>) offsets(%dma_start3A_158 : memref<100xi32, #tpu.memory_space<vmem>>) semaphore(%arg21 : memref<!tpu.dma_semaphore, #tpu.memory_space<semaphore_mem>>)
      %run_scoped3A_164 = arith.constant 6 : i32
      "tpu.region"() ({
        %run_scoped3A_417 = tpu.sem_alloc : memref<!tpu.dma_semaphore, #tpu.memory_space<semaphore_mem>>
        %dma_start3A_418 = arith.constant 0 : i32
        %dma_start3A_419 = tpu.memref_slice %arg12[%run_scoped3A_164, %dma_start3A_418] : memref<20x100xi32, #tpu.memory_space<vmem>> -> memref<1x100xi32, #tpu.memory_space<vmem>>
        %dma_start3A_420 = tpu.memref_squeeze %dma_start3A_419 : memref<1x100xi32, #tpu.memory_space<vmem>> -> memref<100xi32, #tpu.memory_space<vmem>>
        %dma_start3A_421 = arith.constant 0 : i32
        %dma_start3A_422 = arith.constant 0 : i32
        %dma_start3A_423 = tpu.memref_slice %arg9[%dma_start3A_421, %dma_start3A_422] : memref<10000x64xf32, #tpu.memory_space<vmem_shared>> -> memref<10000x64xf32, #tpu.memory_space<vmem_shared>>
        tpu.enqueue_indirect_dma source(%arg13 : memref<100x64xf32, #tpu.memory_space<vmem>>) target(%dma_start3A_423 : memref<10000x64xf32, #tpu.memory_space<vmem_shared>>) offsets(%dma_start3A_420 : memref<100xi32, #tpu.memory_space<vmem>>) semaphore(%run_scoped3A_417 : memref<!tpu.dma_semaphore, #tpu.memory_space<semaphore_mem>>) {add = true}
        %dma_wait3A_424 = arith.constant 0 : i32
        %dma_wait3A_425 = tpu.memref_slice %arg12[%run_scoped3A_164, %dma_wait3A_424] : memref<20x100xi32, #tpu.memory_space<vmem>> -> memref<1x100xi32, #tpu.memory_space<vmem>>
        %dma_wait3A_426 = tpu.memref_squeeze %dma_wait3A_425 : memref<1x100xi32, #tpu.memory_space<vmem>> -> memref<100xi32, #tpu.memory_space<vmem>>
        %dma_wait3A_427 = arith.constant 0 : i32
        %dma_wait3A_428 = arith.constant 0 : i32
        %dma_wait3A_429 = tpu.memref_slice %arg9[%dma_wait3A_427, %dma_wait3A_428] : memref<10000x64xf32, #tpu.memory_space<vmem_shared>> -> memref<10000x64xf32, #tpu.memory_space<vmem_shared>>
        tpu.wait_indirect_dma semaphore(%run_scoped3A_417 : memref<!tpu.dma_semaphore, #tpu.memory_space<semaphore_mem>>) src(%arg13 : memref<100x64xf32, #tpu.memory_space<vmem>>) dst(%dma_wait3A_429 : memref<10000x64xf32, #tpu.memory_space<vmem_shared>>)
        tpu.yield
      }) : () -> ()
      %run_scoped3A_165 = arith.constant 6 : i32
      "tpu.region"() ({
        %run_scoped3A_417 = tpu.sem_alloc : memref<!tpu.dma_semaphore, #tpu.memory_space<semaphore_mem>>
        %dma_start3A_418 = arith.constant 0 : i32
        %dma_start3A_419 = tpu.memref_slice %arg12[%run_scoped3A_165, %dma_start3A_418] : memref<20x100xi32, #tpu.memory_space<vmem>> -> memref<1x100xi32, #tpu.memory_space<vmem>>
        %dma_start3A_420 = tpu.memref_squeeze %dma_start3A_419 : memref<1x100xi32, #tpu.memory_space<vmem>> -> memref<100xi32, #tpu.memory_space<vmem>>
        %dma_start3A_421 = arith.constant 0 : i32
        %dma_start3A_422 = arith.constant 0 : i32
        %dma_start3A_423 = tpu.memref_slice %arg10[%dma_start3A_421, %dma_start3A_422] : memref<10000x16xf32, #tpu.memory_space<vmem_shared>> -> memref<10000x16xf32, #tpu.memory_space<vmem_shared>>
        tpu.enqueue_indirect_dma source(%arg15 : memref<100x16xf32, #tpu.memory_space<vmem>>) target(%dma_start3A_423 : memref<10000x16xf32, #tpu.memory_space<vmem_shared>>) offsets(%dma_start3A_420 : memref<100xi32, #tpu.memory_space<vmem>>) semaphore(%run_scoped3A_417 : memref<!tpu.dma_semaphore, #tpu.memory_space<semaphore_mem>>) {add = true}
        %dma_wait3A_424 = arith.constant 0 : i32
        %dma_wait3A_425 = tpu.memref_slice %arg12[%run_scoped3A_165, %dma_wait3A_424] : memref<20x100xi32, #tpu.memory_space<vmem>> -> memref<1x100xi32, #tpu.memory_space<vmem>>
        %dma_wait3A_426 = tpu.memref_squeeze %dma_wait3A_425 : memref<1x100xi32, #tpu.memory_space<vmem>> -> memref<100xi32, #tpu.memory_space<vmem>>
        %dma_wait3A_427 = arith.constant 0 : i32
        %dma_wait3A_428 = arith.constant 0 : i32
        %dma_wait3A_429 = tpu.memref_slice %arg10[%dma_wait3A_427, %dma_wait3A_428] : memref<10000x16xf32, #tpu.memory_space<vmem_shared>> -> memref<10000x16xf32, #tpu.memory_space<vmem_shared>>
        tpu.wait_indirect_dma semaphore(%run_scoped3A_417 : memref<!tpu.dma_semaphore, #tpu.memory_space<semaphore_mem>>) src(%arg15 : memref<100x16xf32, #tpu.memory_space<vmem>>) dst(%dma_wait3A_429 : memref<10000x16xf32, #tpu.memory_space<vmem_shared>>)
        tpu.yield
      }) : () -> ()
      %dma_wait3A_166 = arith.constant 7 : i32
      %dma_wait3A_167 = arith.constant 0 : i32
      %dma_wait3A_168 = tpu.memref_slice %arg11[%dma_wait3A_166, %dma_wait3A_167] : memref<20x100xi32, #tpu.memory_space<vmem>> -> memref<1x100xi32, #tpu.memory_space<vmem>>
      %dma_wait3A_169 = tpu.memref_squeeze %dma_wait3A_168 : memref<1x100xi32, #tpu.memory_space<vmem>> -> memref<100xi32, #tpu.memory_space<vmem>>
      %dma_wait3A_170 = arith.constant 0 : i32
      %dma_wait3A_171 = tpu.memref_slice %arg2[%mul3A_0, %dma_wait3A_170] : memref<20000x64xf32, #tpu.memory_space<hbm>> -> memref<10000x64xf32, #tpu.memory_space<hbm>>
      %dma_wait3A_172 = arith.constant 0 : i32
      %dma_wait3A_173 = arith.constant 0 : i32
      %dma_wait3A_174 = tpu.memref_slice %dma_wait3A_171[%dma_wait3A_172, %dma_wait3A_173] : memref<10000x64xf32, #tpu.memory_space<hbm>> -> memref<10000x64xf32, #tpu.memory_space<hbm>>
      tpu.wait_indirect_dma semaphore(%arg21 : memref<!tpu.dma_semaphore, #tpu.memory_space<semaphore_mem>>) src(%dma_wait3A_174 : memref<10000x64xf32, #tpu.memory_space<hbm>>) dst(%arg14 : memref<100x64xf32, #tpu.memory_space<vmem>>)
      %dma_start3A_175 = arith.constant 8 : i32
      %dma_start3A_176 = arith.constant 0 : i32
      %dma_start3A_177 = tpu.memref_slice %arg11[%dma_start3A_175, %dma_start3A_176] : memref<20x100xi32, #tpu.memory_space<vmem>> -> memref<1x100xi32, #tpu.memory_space<vmem>>
      %dma_start3A_178 = tpu.memref_squeeze %dma_start3A_177 : memref<1x100xi32, #tpu.memory_space<vmem>> -> memref<100xi32, #tpu.memory_space<vmem>>
      %dma_start3A_179 = arith.constant 0 : i32
      %dma_start3A_180 = tpu.memref_slice %arg2[%mul3A_0, %dma_start3A_179] : memref<20000x64xf32, #tpu.memory_space<hbm>> -> memref<10000x64xf32, #tpu.memory_space<hbm>>
      %dma_start3A_181 = arith.constant 0 : i32
      %dma_start3A_182 = arith.constant 0 : i32
      %dma_start3A_183 = tpu.memref_slice %dma_start3A_180[%dma_start3A_181, %dma_start3A_182] : memref<10000x64xf32, #tpu.memory_space<hbm>> -> memref<10000x64xf32, #tpu.memory_space<hbm>>
      tpu.enqueue_indirect_dma source(%dma_start3A_183 : memref<10000x64xf32, #tpu.memory_space<hbm>>) target(%arg13 : memref<100x64xf32, #tpu.memory_space<vmem>>) offsets(%dma_start3A_178 : memref<100xi32, #tpu.memory_space<vmem>>) semaphore(%arg20 : memref<!tpu.dma_semaphore, #tpu.memory_space<semaphore_mem>>)
      %run_scoped3A_184 = arith.constant 7 : i32
      "tpu.region"() ({
        %run_scoped3A_417 = tpu.sem_alloc : memref<!tpu.dma_semaphore, #tpu.memory_space<semaphore_mem>>
        %dma_start3A_418 = arith.constant 0 : i32
        %dma_start3A_419 = tpu.memref_slice %arg12[%run_scoped3A_184, %dma_start3A_418] : memref<20x100xi32, #tpu.memory_space<vmem>> -> memref<1x100xi32, #tpu.memory_space<vmem>>
        %dma_start3A_420 = tpu.memref_squeeze %dma_start3A_419 : memref<1x100xi32, #tpu.memory_space<vmem>> -> memref<100xi32, #tpu.memory_space<vmem>>
        %dma_start3A_421 = arith.constant 0 : i32
        %dma_start3A_422 = arith.constant 0 : i32
        %dma_start3A_423 = tpu.memref_slice %arg9[%dma_start3A_421, %dma_start3A_422] : memref<10000x64xf32, #tpu.memory_space<vmem_shared>> -> memref<10000x64xf32, #tpu.memory_space<vmem_shared>>
        tpu.enqueue_indirect_dma source(%arg14 : memref<100x64xf32, #tpu.memory_space<vmem>>) target(%dma_start3A_423 : memref<10000x64xf32, #tpu.memory_space<vmem_shared>>) offsets(%dma_start3A_420 : memref<100xi32, #tpu.memory_space<vmem>>) semaphore(%run_scoped3A_417 : memref<!tpu.dma_semaphore, #tpu.memory_space<semaphore_mem>>) {add = true}
        %dma_wait3A_424 = arith.constant 0 : i32
        %dma_wait3A_425 = tpu.memref_slice %arg12[%run_scoped3A_184, %dma_wait3A_424] : memref<20x100xi32, #tpu.memory_space<vmem>> -> memref<1x100xi32, #tpu.memory_space<vmem>>
        %dma_wait3A_426 = tpu.memref_squeeze %dma_wait3A_425 : memref<1x100xi32, #tpu.memory_space<vmem>> -> memref<100xi32, #tpu.memory_space<vmem>>
        %dma_wait3A_427 = arith.constant 0 : i32
        %dma_wait3A_428 = arith.constant 0 : i32
        %dma_wait3A_429 = tpu.memref_slice %arg9[%dma_wait3A_427, %dma_wait3A_428] : memref<10000x64xf32, #tpu.memory_space<vmem_shared>> -> memref<10000x64xf32, #tpu.memory_space<vmem_shared>>
        tpu.wait_indirect_dma semaphore(%run_scoped3A_417 : memref<!tpu.dma_semaphore, #tpu.memory_space<semaphore_mem>>) src(%arg14 : memref<100x64xf32, #tpu.memory_space<vmem>>) dst(%dma_wait3A_429 : memref<10000x64xf32, #tpu.memory_space<vmem_shared>>)
        tpu.yield
      }) : () -> ()
      %run_scoped3A_185 = arith.constant 7 : i32
      "tpu.region"() ({
        %run_scoped3A_417 = tpu.sem_alloc : memref<!tpu.dma_semaphore, #tpu.memory_space<semaphore_mem>>
        %dma_start3A_418 = arith.constant 0 : i32
        %dma_start3A_419 = tpu.memref_slice %arg12[%run_scoped3A_185, %dma_start3A_418] : memref<20x100xi32, #tpu.memory_space<vmem>> -> memref<1x100xi32, #tpu.memory_space<vmem>>
        %dma_start3A_420 = tpu.memref_squeeze %dma_start3A_419 : memref<1x100xi32, #tpu.memory_space<vmem>> -> memref<100xi32, #tpu.memory_space<vmem>>
        %dma_start3A_421 = arith.constant 0 : i32
        %dma_start3A_422 = arith.constant 0 : i32
        %dma_start3A_423 = tpu.memref_slice %arg10[%dma_start3A_421, %dma_start3A_422] : memref<10000x16xf32, #tpu.memory_space<vmem_shared>> -> memref<10000x16xf32, #tpu.memory_space<vmem_shared>>
        tpu.enqueue_indirect_dma source(%arg15 : memref<100x16xf32, #tpu.memory_space<vmem>>) target(%dma_start3A_423 : memref<10000x16xf32, #tpu.memory_space<vmem_shared>>) offsets(%dma_start3A_420 : memref<100xi32, #tpu.memory_space<vmem>>) semaphore(%run_scoped3A_417 : memref<!tpu.dma_semaphore, #tpu.memory_space<semaphore_mem>>) {add = true}
        %dma_wait3A_424 = arith.constant 0 : i32
        %dma_wait3A_425 = tpu.memref_slice %arg12[%run_scoped3A_185, %dma_wait3A_424] : memref<20x100xi32, #tpu.memory_space<vmem>> -> memref<1x100xi32, #tpu.memory_space<vmem>>
        %dma_wait3A_426 = tpu.memref_squeeze %dma_wait3A_425 : memref<1x100xi32, #tpu.memory_space<vmem>> -> memref<100xi32, #tpu.memory_space<vmem>>
        %dma_wait3A_427 = arith.constant 0 : i32
        %dma_wait3A_428 = arith.constant 0 : i32
        %dma_wait3A_429 = tpu.memref_slice %arg10[%dma_wait3A_427, %dma_wait3A_428] : memref<10000x16xf32, #tpu.memory_space<vmem_shared>> -> memref<10000x16xf32, #tpu.memory_space<vmem_shared>>
        tpu.wait_indirect_dma semaphore(%run_scoped3A_417 : memref<!tpu.dma_semaphore, #tpu.memory_space<semaphore_mem>>) src(%arg15 : memref<100x16xf32, #tpu.memory_space<vmem>>) dst(%dma_wait3A_429 : memref<10000x16xf32, #tpu.memory_space<vmem_shared>>)
        tpu.yield
      }) : () -> ()
      %dma_wait3A_186 = arith.constant 8 : i32
      %dma_wait3A_187 = arith.constant 0 : i32
      %dma_wait3A_188 = tpu.memref_slice %arg11[%dma_wait3A_186, %dma_wait3A_187] : memref<20x100xi32, #tpu.memory_space<vmem>> -> memref<1x100xi32, #tpu.memory_space<vmem>>
      %dma_wait3A_189 = tpu.memref_squeeze %dma_wait3A_188 : memref<1x100xi32, #tpu.memory_space<vmem>> -> memref<100xi32, #tpu.memory_space<vmem>>
      %dma_wait3A_190 = arith.constant 0 : i32
      %dma_wait3A_191 = tpu.memref_slice %arg2[%mul3A_0, %dma_wait3A_190] : memref<20000x64xf32, #tpu.memory_space<hbm>> -> memref<10000x64xf32, #tpu.memory_space<hbm>>
      %dma_wait3A_192 = arith.constant 0 : i32
      %dma_wait3A_193 = arith.constant 0 : i32
      %dma_wait3A_194 = tpu.memref_slice %dma_wait3A_191[%dma_wait3A_192, %dma_wait3A_193] : memref<10000x64xf32, #tpu.memory_space<hbm>> -> memref<10000x64xf32, #tpu.memory_space<hbm>>
      tpu.wait_indirect_dma semaphore(%arg20 : memref<!tpu.dma_semaphore, #tpu.memory_space<semaphore_mem>>) src(%dma_wait3A_194 : memref<10000x64xf32, #tpu.memory_space<hbm>>) dst(%arg13 : memref<100x64xf32, #tpu.memory_space<vmem>>)
      %dma_start3A_195 = arith.constant 9 : i32
      %dma_start3A_196 = arith.constant 0 : i32
      %dma_start3A_197 = tpu.memref_slice %arg11[%dma_start3A_195, %dma_start3A_196] : memref<20x100xi32, #tpu.memory_space<vmem>> -> memref<1x100xi32, #tpu.memory_space<vmem>>
      %dma_start3A_198 = tpu.memref_squeeze %dma_start3A_197 : memref<1x100xi32, #tpu.memory_space<vmem>> -> memref<100xi32, #tpu.memory_space<vmem>>
      %dma_start3A_199 = arith.constant 0 : i32
      %dma_start3A_200 = tpu.memref_slice %arg2[%mul3A_0, %dma_start3A_199] : memref<20000x64xf32, #tpu.memory_space<hbm>> -> memref<10000x64xf32, #tpu.memory_space<hbm>>
      %dma_start3A_201 = arith.constant 0 : i32
      %dma_start3A_202 = arith.constant 0 : i32
      %dma_start3A_203 = tpu.memref_slice %dma_start3A_200[%dma_start3A_201, %dma_start3A_202] : memref<10000x64xf32, #tpu.memory_space<hbm>> -> memref<10000x64xf32, #tpu.memory_space<hbm>>
      tpu.enqueue_indirect_dma source(%dma_start3A_203 : memref<10000x64xf32, #tpu.memory_space<hbm>>) target(%arg14 : memref<100x64xf32, #tpu.memory_space<vmem>>) offsets(%dma_start3A_198 : memref<100xi32, #tpu.memory_space<vmem>>) semaphore(%arg21 : memref<!tpu.dma_semaphore, #tpu.memory_space<semaphore_mem>>)
      %run_scoped3A_204 = arith.constant 8 : i32
      "tpu.region"() ({
        %run_scoped3A_417 = tpu.sem_alloc : memref<!tpu.dma_semaphore, #tpu.memory_space<semaphore_mem>>
        %dma_start3A_418 = arith.constant 0 : i32
        %dma_start3A_419 = tpu.memref_slice %arg12[%run_scoped3A_204, %dma_start3A_418] : memref<20x100xi32, #tpu.memory_space<vmem>> -> memref<1x100xi32, #tpu.memory_space<vmem>>
        %dma_start3A_420 = tpu.memref_squeeze %dma_start3A_419 : memref<1x100xi32, #tpu.memory_space<vmem>> -> memref<100xi32, #tpu.memory_space<vmem>>
        %dma_start3A_421 = arith.constant 0 : i32
        %dma_start3A_422 = arith.constant 0 : i32
        %dma_start3A_423 = tpu.memref_slice %arg9[%dma_start3A_421, %dma_start3A_422] : memref<10000x64xf32, #tpu.memory_space<vmem_shared>> -> memref<10000x64xf32, #tpu.memory_space<vmem_shared>>
        tpu.enqueue_indirect_dma source(%arg13 : memref<100x64xf32, #tpu.memory_space<vmem>>) target(%dma_start3A_423 : memref<10000x64xf32, #tpu.memory_space<vmem_shared>>) offsets(%dma_start3A_420 : memref<100xi32, #tpu.memory_space<vmem>>) semaphore(%run_scoped3A_417 : memref<!tpu.dma_semaphore, #tpu.memory_space<semaphore_mem>>) {add = true}
        %dma_wait3A_424 = arith.constant 0 : i32
        %dma_wait3A_425 = tpu.memref_slice %arg12[%run_scoped3A_204, %dma_wait3A_424] : memref<20x100xi32, #tpu.memory_space<vmem>> -> memref<1x100xi32, #tpu.memory_space<vmem>>
        %dma_wait3A_426 = tpu.memref_squeeze %dma_wait3A_425 : memref<1x100xi32, #tpu.memory_space<vmem>> -> memref<100xi32, #tpu.memory_space<vmem>>
        %dma_wait3A_427 = arith.constant 0 : i32
        %dma_wait3A_428 = arith.constant 0 : i32
        %dma_wait3A_429 = tpu.memref_slice %arg9[%dma_wait3A_427, %dma_wait3A_428] : memref<10000x64xf32, #tpu.memory_space<vmem_shared>> -> memref<10000x64xf32, #tpu.memory_space<vmem_shared>>
        tpu.wait_indirect_dma semaphore(%run_scoped3A_417 : memref<!tpu.dma_semaphore, #tpu.memory_space<semaphore_mem>>) src(%arg13 : memref<100x64xf32, #tpu.memory_space<vmem>>) dst(%dma_wait3A_429 : memref<10000x64xf32, #tpu.memory_space<vmem_shared>>)
        tpu.yield
      }) : () -> ()
      %run_scoped3A_205 = arith.constant 8 : i32
      "tpu.region"() ({
        %run_scoped3A_417 = tpu.sem_alloc : memref<!tpu.dma_semaphore, #tpu.memory_space<semaphore_mem>>
        %dma_start3A_418 = arith.constant 0 : i32
        %dma_start3A_419 = tpu.memref_slice %arg12[%run_scoped3A_205, %dma_start3A_418] : memref<20x100xi32, #tpu.memory_space<vmem>> -> memref<1x100xi32, #tpu.memory_space<vmem>>
        %dma_start3A_420 = tpu.memref_squeeze %dma_start3A_419 : memref<1x100xi32, #tpu.memory_space<vmem>> -> memref<100xi32, #tpu.memory_space<vmem>>
        %dma_start3A_421 = arith.constant 0 : i32
        %dma_start3A_422 = arith.constant 0 : i32
        %dma_start3A_423 = tpu.memref_slice %arg10[%dma_start3A_421, %dma_start3A_422] : memref<10000x16xf32, #tpu.memory_space<vmem_shared>> -> memref<10000x16xf32, #tpu.memory_space<vmem_shared>>
        tpu.enqueue_indirect_dma source(%arg15 : memref<100x16xf32, #tpu.memory_space<vmem>>) target(%dma_start3A_423 : memref<10000x16xf32, #tpu.memory_space<vmem_shared>>) offsets(%dma_start3A_420 : memref<100xi32, #tpu.memory_space<vmem>>) semaphore(%run_scoped3A_417 : memref<!tpu.dma_semaphore, #tpu.memory_space<semaphore_mem>>) {add = true}
        %dma_wait3A_424 = arith.constant 0 : i32
        %dma_wait3A_425 = tpu.memref_slice %arg12[%run_scoped3A_205, %dma_wait3A_424] : memref<20x100xi32, #tpu.memory_space<vmem>> -> memref<1x100xi32, #tpu.memory_space<vmem>>
        %dma_wait3A_426 = tpu.memref_squeeze %dma_wait3A_425 : memref<1x100xi32, #tpu.memory_space<vmem>> -> memref<100xi32, #tpu.memory_space<vmem>>
        %dma_wait3A_427 = arith.constant 0 : i32
        %dma_wait3A_428 = arith.constant 0 : i32
        %dma_wait3A_429 = tpu.memref_slice %arg10[%dma_wait3A_427, %dma_wait3A_428] : memref<10000x16xf32, #tpu.memory_space<vmem_shared>> -> memref<10000x16xf32, #tpu.memory_space<vmem_shared>>
        tpu.wait_indirect_dma semaphore(%run_scoped3A_417 : memref<!tpu.dma_semaphore, #tpu.memory_space<semaphore_mem>>) src(%arg15 : memref<100x16xf32, #tpu.memory_space<vmem>>) dst(%dma_wait3A_429 : memref<10000x16xf32, #tpu.memory_space<vmem_shared>>)
        tpu.yield
      }) : () -> ()
      %dma_wait3A_206 = arith.constant 9 : i32
      %dma_wait3A_207 = arith.constant 0 : i32
      %dma_wait3A_208 = tpu.memref_slice %arg11[%dma_wait3A_206, %dma_wait3A_207] : memref<20x100xi32, #tpu.memory_space<vmem>> -> memref<1x100xi32, #tpu.memory_space<vmem>>
      %dma_wait3A_209 = tpu.memref_squeeze %dma_wait3A_208 : memref<1x100xi32, #tpu.memory_space<vmem>> -> memref<100xi32, #tpu.memory_space<vmem>>
      %dma_wait3A_210 = arith.constant 0 : i32
      %dma_wait3A_211 = tpu.memref_slice %arg2[%mul3A_0, %dma_wait3A_210] : memref<20000x64xf32, #tpu.memory_space<hbm>> -> memref<10000x64xf32, #tpu.memory_space<hbm>>
      %dma_wait3A_212 = arith.constant 0 : i32
      %dma_wait3A_213 = arith.constant 0 : i32
      %dma_wait3A_214 = tpu.memref_slice %dma_wait3A_211[%dma_wait3A_212, %dma_wait3A_213] : memref<10000x64xf32, #tpu.memory_space<hbm>> -> memref<10000x64xf32, #tpu.memory_space<hbm>>
      tpu.wait_indirect_dma semaphore(%arg21 : memref<!tpu.dma_semaphore, #tpu.memory_space<semaphore_mem>>) src(%dma_wait3A_214 : memref<10000x64xf32, #tpu.memory_space<hbm>>) dst(%arg14 : memref<100x64xf32, #tpu.memory_space<vmem>>)
      %dma_start3A_215 = arith.constant 10 : i32
      %dma_start3A_216 = arith.constant 0 : i32
      %dma_start3A_217 = tpu.memref_slice %arg11[%dma_start3A_215, %dma_start3A_216] : memref<20x100xi32, #tpu.memory_space<vmem>> -> memref<1x100xi32, #tpu.memory_space<vmem>>
      %dma_start3A_218 = tpu.memref_squeeze %dma_start3A_217 : memref<1x100xi32, #tpu.memory_space<vmem>> -> memref<100xi32, #tpu.memory_space<vmem>>
      %dma_start3A_219 = arith.constant 0 : i32
      %dma_start3A_220 = tpu.memref_slice %arg2[%mul3A_0, %dma_start3A_219] : memref<20000x64xf32, #tpu.memory_space<hbm>> -> memref<10000x64xf32, #tpu.memory_space<hbm>>
      %dma_start3A_221 = arith.constant 0 : i32
      %dma_start3A_222 = arith.constant 0 : i32
      %dma_start3A_223 = tpu.memref_slice %dma_start3A_220[%dma_start3A_221, %dma_start3A_222] : memref<10000x64xf32, #tpu.memory_space<hbm>> -> memref<10000x64xf32, #tpu.memory_space<hbm>>
      tpu.enqueue_indirect_dma source(%dma_start3A_223 : memref<10000x64xf32, #tpu.memory_space<hbm>>) target(%arg13 : memref<100x64xf32, #tpu.memory_space<vmem>>) offsets(%dma_start3A_218 : memref<100xi32, #tpu.memory_space<vmem>>) semaphore(%arg20 : memref<!tpu.dma_semaphore, #tpu.memory_space<semaphore_mem>>)
      %run_scoped3A_224 = arith.constant 9 : i32
      "tpu.region"() ({
        %run_scoped3A_417 = tpu.sem_alloc : memref<!tpu.dma_semaphore, #tpu.memory_space<semaphore_mem>>
        %dma_start3A_418 = arith.constant 0 : i32
        %dma_start3A_419 = tpu.memref_slice %arg12[%run_scoped3A_224, %dma_start3A_418] : memref<20x100xi32, #tpu.memory_space<vmem>> -> memref<1x100xi32, #tpu.memory_space<vmem>>
        %dma_start3A_420 = tpu.memref_squeeze %dma_start3A_419 : memref<1x100xi32, #tpu.memory_space<vmem>> -> memref<100xi32, #tpu.memory_space<vmem>>
        %dma_start3A_421 = arith.constant 0 : i32
        %dma_start3A_422 = arith.constant 0 : i32
        %dma_start3A_423 = tpu.memref_slice %arg9[%dma_start3A_421, %dma_start3A_422] : memref<10000x64xf32, #tpu.memory_space<vmem_shared>> -> memref<10000x64xf32, #tpu.memory_space<vmem_shared>>
        tpu.enqueue_indirect_dma source(%arg14 : memref<100x64xf32, #tpu.memory_space<vmem>>) target(%dma_start3A_423 : memref<10000x64xf32, #tpu.memory_space<vmem_shared>>) offsets(%dma_start3A_420 : memref<100xi32, #tpu.memory_space<vmem>>) semaphore(%run_scoped3A_417 : memref<!tpu.dma_semaphore, #tpu.memory_space<semaphore_mem>>) {add = true}
        %dma_wait3A_424 = arith.constant 0 : i32
        %dma_wait3A_425 = tpu.memref_slice %arg12[%run_scoped3A_224, %dma_wait3A_424] : memref<20x100xi32, #tpu.memory_space<vmem>> -> memref<1x100xi32, #tpu.memory_space<vmem>>
        %dma_wait3A_426 = tpu.memref_squeeze %dma_wait3A_425 : memref<1x100xi32, #tpu.memory_space<vmem>> -> memref<100xi32, #tpu.memory_space<vmem>>
        %dma_wait3A_427 = arith.constant 0 : i32
        %dma_wait3A_428 = arith.constant 0 : i32
        %dma_wait3A_429 = tpu.memref_slice %arg9[%dma_wait3A_427, %dma_wait3A_428] : memref<10000x64xf32, #tpu.memory_space<vmem_shared>> -> memref<10000x64xf32, #tpu.memory_space<vmem_shared>>
        tpu.wait_indirect_dma semaphore(%run_scoped3A_417 : memref<!tpu.dma_semaphore, #tpu.memory_space<semaphore_mem>>) src(%arg14 : memref<100x64xf32, #tpu.memory_space<vmem>>) dst(%dma_wait3A_429 : memref<10000x64xf32, #tpu.memory_space<vmem_shared>>)
        tpu.yield
      }) : () -> ()
      %run_scoped3A_225 = arith.constant 9 : i32
      "tpu.region"() ({
        %run_scoped3A_417 = tpu.sem_alloc : memref<!tpu.dma_semaphore, #tpu.memory_space<semaphore_mem>>
        %dma_start3A_418 = arith.constant 0 : i32
        %dma_start3A_419 = tpu.memref_slice %arg12[%run_scoped3A_225, %dma_start3A_418] : memref<20x100xi32, #tpu.memory_space<vmem>> -> memref<1x100xi32, #tpu.memory_space<vmem>>
        %dma_start3A_420 = tpu.memref_squeeze %dma_start3A_419 : memref<1x100xi32, #tpu.memory_space<vmem>> -> memref<100xi32, #tpu.memory_space<vmem>>
        %dma_start3A_421 = arith.constant 0 : i32
        %dma_start3A_422 = arith.constant 0 : i32
        %dma_start3A_423 = tpu.memref_slice %arg10[%dma_start3A_421, %dma_start3A_422] : memref<10000x16xf32, #tpu.memory_space<vmem_shared>> -> memref<10000x16xf32, #tpu.memory_space<vmem_shared>>
        tpu.enqueue_indirect_dma source(%arg15 : memref<100x16xf32, #tpu.memory_space<vmem>>) target(%dma_start3A_423 : memref<10000x16xf32, #tpu.memory_space<vmem_shared>>) offsets(%dma_start3A_420 : memref<100xi32, #tpu.memory_space<vmem>>) semaphore(%run_scoped3A_417 : memref<!tpu.dma_semaphore, #tpu.memory_space<semaphore_mem>>) {add = true}
        %dma_wait3A_424 = arith.constant 0 : i32
        %dma_wait3A_425 = tpu.memref_slice %arg12[%run_scoped3A_225, %dma_wait3A_424] : memref<20x100xi32, #tpu.memory_space<vmem>> -> memref<1x100xi32, #tpu.memory_space<vmem>>
        %dma_wait3A_426 = tpu.memref_squeeze %dma_wait3A_425 : memref<1x100xi32, #tpu.memory_space<vmem>> -> memref<100xi32, #tpu.memory_space<vmem>>
        %dma_wait3A_427 = arith.constant 0 : i32
        %dma_wait3A_428 = arith.constant 0 : i32
        %dma_wait3A_429 = tpu.memref_slice %arg10[%dma_wait3A_427, %dma_wait3A_428] : memref<10000x16xf32, #tpu.memory_space<vmem_shared>> -> memref<10000x16xf32, #tpu.memory_space<vmem_shared>>
        tpu.wait_indirect_dma semaphore(%run_scoped3A_417 : memref<!tpu.dma_semaphore, #tpu.memory_space<semaphore_mem>>) src(%arg15 : memref<100x16xf32, #tpu.memory_space<vmem>>) dst(%dma_wait3A_429 : memref<10000x16xf32, #tpu.memory_space<vmem_shared>>)
        tpu.yield
      }) : () -> ()
      %dma_wait3A_226 = arith.constant 10 : i32
      %dma_wait3A_227 = arith.constant 0 : i32
      %dma_wait3A_228 = tpu.memref_slice %arg11[%dma_wait3A_226, %dma_wait3A_227] : memref<20x100xi32, #tpu.memory_space<vmem>> -> memref<1x100xi32, #tpu.memory_space<vmem>>
      %dma_wait3A_229 = tpu.memref_squeeze %dma_wait3A_228 : memref<1x100xi32, #tpu.memory_space<vmem>> -> memref<100xi32, #tpu.memory_space<vmem>>
      %dma_wait3A_230 = arith.constant 0 : i32
      %dma_wait3A_231 = tpu.memref_slice %arg2[%mul3A_0, %dma_wait3A_230] : memref<20000x64xf32, #tpu.memory_space<hbm>> -> memref<10000x64xf32, #tpu.memory_space<hbm>>
      %dma_wait3A_232 = arith.constant 0 : i32
      %dma_wait3A_233 = arith.constant 0 : i32
      %dma_wait3A_234 = tpu.memref_slice %dma_wait3A_231[%dma_wait3A_232, %dma_wait3A_233] : memref<10000x64xf32, #tpu.memory_space<hbm>> -> memref<10000x64xf32, #tpu.memory_space<hbm>>
      tpu.wait_indirect_dma semaphore(%arg20 : memref<!tpu.dma_semaphore, #tpu.memory_space<semaphore_mem>>) src(%dma_wait3A_234 : memref<10000x64xf32, #tpu.memory_space<hbm>>) dst(%arg13 : memref<100x64xf32, #tpu.memory_space<vmem>>)
      %dma_start3A_235 = arith.constant 11 : i32
      %dma_start3A_236 = arith.constant 0 : i32
      %dma_start3A_237 = tpu.memref_slice %arg11[%dma_start3A_235, %dma_start3A_236] : memref<20x100xi32, #tpu.memory_space<vmem>> -> memref<1x100xi32, #tpu.memory_space<vmem>>
      %dma_start3A_238 = tpu.memref_squeeze %dma_start3A_237 : memref<1x100xi32, #tpu.memory_space<vmem>> -> memref<100xi32, #tpu.memory_space<vmem>>
      %dma_start3A_239 = arith.constant 0 : i32
      %dma_start3A_240 = tpu.memref_slice %arg2[%mul3A_0, %dma_start3A_239] : memref<20000x64xf32, #tpu.memory_space<hbm>> -> memref<10000x64xf32, #tpu.memory_space<hbm>>
      %dma_start3A_241 = arith.constant 0 : i32
      %dma_start3A_242 = arith.constant 0 : i32
      %dma_start3A_243 = tpu.memref_slice %dma_start3A_240[%dma_start3A_241, %dma_start3A_242] : memref<10000x64xf32, #tpu.memory_space<hbm>> -> memref<10000x64xf32, #tpu.memory_space<hbm>>
      tpu.enqueue_indirect_dma source(%dma_start3A_243 : memref<10000x64xf32, #tpu.memory_space<hbm>>) target(%arg14 : memref<100x64xf32, #tpu.memory_space<vmem>>) offsets(%dma_start3A_238 : memref<100xi32, #tpu.memory_space<vmem>>) semaphore(%arg21 : memref<!tpu.dma_semaphore, #tpu.memory_space<semaphore_mem>>)
      %run_scoped3A_244 = arith.constant 10 : i32
      "tpu.region"() ({
        %run_scoped3A_417 = tpu.sem_alloc : memref<!tpu.dma_semaphore, #tpu.memory_space<semaphore_mem>>
        %dma_start3A_418 = arith.constant 0 : i32
        %dma_start3A_419 = tpu.memref_slice %arg12[%run_scoped3A_244, %dma_start3A_418] : memref<20x100xi32, #tpu.memory_space<vmem>> -> memref<1x100xi32, #tpu.memory_space<vmem>>
        %dma_start3A_420 = tpu.memref_squeeze %dma_start3A_419 : memref<1x100xi32, #tpu.memory_space<vmem>> -> memref<100xi32, #tpu.memory_space<vmem>>
        %dma_start3A_421 = arith.constant 0 : i32
        %dma_start3A_422 = arith.constant 0 : i32
        %dma_start3A_423 = tpu.memref_slice %arg9[%dma_start3A_421, %dma_start3A_422] : memref<10000x64xf32, #tpu.memory_space<vmem_shared>> -> memref<10000x64xf32, #tpu.memory_space<vmem_shared>>
        tpu.enqueue_indirect_dma source(%arg13 : memref<100x64xf32, #tpu.memory_space<vmem>>) target(%dma_start3A_423 : memref<10000x64xf32, #tpu.memory_space<vmem_shared>>) offsets(%dma_start3A_420 : memref<100xi32, #tpu.memory_space<vmem>>) semaphore(%run_scoped3A_417 : memref<!tpu.dma_semaphore, #tpu.memory_space<semaphore_mem>>) {add = true}
        %dma_wait3A_424 = arith.constant 0 : i32
        %dma_wait3A_425 = tpu.memref_slice %arg12[%run_scoped3A_244, %dma_wait3A_424] : memref<20x100xi32, #tpu.memory_space<vmem>> -> memref<1x100xi32, #tpu.memory_space<vmem>>
        %dma_wait3A_426 = tpu.memref_squeeze %dma_wait3A_425 : memref<1x100xi32, #tpu.memory_space<vmem>> -> memref<100xi32, #tpu.memory_space<vmem>>
        %dma_wait3A_427 = arith.constant 0 : i32
        %dma_wait3A_428 = arith.constant 0 : i32
        %dma_wait3A_429 = tpu.memref_slice %arg9[%dma_wait3A_427, %dma_wait3A_428] : memref<10000x64xf32, #tpu.memory_space<vmem_shared>> -> memref<10000x64xf32, #tpu.memory_space<vmem_shared>>
        tpu.wait_indirect_dma semaphore(%run_scoped3A_417 : memref<!tpu.dma_semaphore, #tpu.memory_space<semaphore_mem>>) src(%arg13 : memref<100x64xf32, #tpu.memory_space<vmem>>) dst(%dma_wait3A_429 : memref<10000x64xf32, #tpu.memory_space<vmem_shared>>)
        tpu.yield
      }) : () -> ()
      %run_scoped3A_245 = arith.constant 10 : i32
      "tpu.region"() ({
        %run_scoped3A_417 = tpu.sem_alloc : memref<!tpu.dma_semaphore, #tpu.memory_space<semaphore_mem>>
        %dma_start3A_418 = arith.constant 0 : i32
        %dma_start3A_419 = tpu.memref_slice %arg12[%run_scoped3A_245, %dma_start3A_418] : memref<20x100xi32, #tpu.memory_space<vmem>> -> memref<1x100xi32, #tpu.memory_space<vmem>>
        %dma_start3A_420 = tpu.memref_squeeze %dma_start3A_419 : memref<1x100xi32, #tpu.memory_space<vmem>> -> memref<100xi32, #tpu.memory_space<vmem>>
        %dma_start3A_421 = arith.constant 0 : i32
        %dma_start3A_422 = arith.constant 0 : i32
        %dma_start3A_423 = tpu.memref_slice %arg10[%dma_start3A_421, %dma_start3A_422] : memref<10000x16xf32, #tpu.memory_space<vmem_shared>> -> memref<10000x16xf32, #tpu.memory_space<vmem_shared>>
        tpu.enqueue_indirect_dma source(%arg15 : memref<100x16xf32, #tpu.memory_space<vmem>>) target(%dma_start3A_423 : memref<10000x16xf32, #tpu.memory_space<vmem_shared>>) offsets(%dma_start3A_420 : memref<100xi32, #tpu.memory_space<vmem>>) semaphore(%run_scoped3A_417 : memref<!tpu.dma_semaphore, #tpu.memory_space<semaphore_mem>>) {add = true}
        %dma_wait3A_424 = arith.constant 0 : i32
        %dma_wait3A_425 = tpu.memref_slice %arg12[%run_scoped3A_245, %dma_wait3A_424] : memref<20x100xi32, #tpu.memory_space<vmem>> -> memref<1x100xi32, #tpu.memory_space<vmem>>
        %dma_wait3A_426 = tpu.memref_squeeze %dma_wait3A_425 : memref<1x100xi32, #tpu.memory_space<vmem>> -> memref<100xi32, #tpu.memory_space<vmem>>
        %dma_wait3A_427 = arith.constant 0 : i32
        %dma_wait3A_428 = arith.constant 0 : i32
        %dma_wait3A_429 = tpu.memref_slice %arg10[%dma_wait3A_427, %dma_wait3A_428] : memref<10000x16xf32, #tpu.memory_space<vmem_shared>> -> memref<10000x16xf32, #tpu.memory_space<vmem_shared>>
        tpu.wait_indirect_dma semaphore(%run_scoped3A_417 : memref<!tpu.dma_semaphore, #tpu.memory_space<semaphore_mem>>) src(%arg15 : memref<100x16xf32, #tpu.memory_space<vmem>>) dst(%dma_wait3A_429 : memref<10000x16xf32, #tpu.memory_space<vmem_shared>>)
        tpu.yield
      }) : () -> ()
      %dma_wait3A_246 = arith.constant 11 : i32
      %dma_wait3A_247 = arith.constant 0 : i32
      %dma_wait3A_248 = tpu.memref_slice %arg11[%dma_wait3A_246, %dma_wait3A_247] : memref<20x100xi32, #tpu.memory_space<vmem>> -> memref<1x100xi32, #tpu.memory_space<vmem>>
      %dma_wait3A_249 = tpu.memref_squeeze %dma_wait3A_248 : memref<1x100xi32, #tpu.memory_space<vmem>> -> memref<100xi32, #tpu.memory_space<vmem>>
      %dma_wait3A_250 = arith.constant 0 : i32
      %dma_wait3A_251 = tpu.memref_slice %arg2[%mul3A_0, %dma_wait3A_250] : memref<20000x64xf32, #tpu.memory_space<hbm>> -> memref<10000x64xf32, #tpu.memory_space<hbm>>
      %dma_wait3A_252 = arith.constant 0 : i32
      %dma_wait3A_253 = arith.constant 0 : i32
      %dma_wait3A_254 = tpu.memref_slice %dma_wait3A_251[%dma_wait3A_252, %dma_wait3A_253] : memref<10000x64xf32, #tpu.memory_space<hbm>> -> memref<10000x64xf32, #tpu.memory_space<hbm>>
      tpu.wait_indirect_dma semaphore(%arg21 : memref<!tpu.dma_semaphore, #tpu.memory_space<semaphore_mem>>) src(%dma_wait3A_254 : memref<10000x64xf32, #tpu.memory_space<hbm>>) dst(%arg14 : memref<100x64xf32, #tpu.memory_space<vmem>>)
      %dma_start3A_255 = arith.constant 12 : i32
      %dma_start3A_256 = arith.constant 0 : i32
      %dma_start3A_257 = tpu.memref_slice %arg11[%dma_start3A_255, %dma_start3A_256] : memref<20x100xi32, #tpu.memory_space<vmem>> -> memref<1x100xi32, #tpu.memory_space<vmem>>
      %dma_start3A_258 = tpu.memref_squeeze %dma_start3A_257 : memref<1x100xi32, #tpu.memory_space<vmem>> -> memref<100xi32, #tpu.memory_space<vmem>>
      %dma_start3A_259 = arith.constant 0 : i32
      %dma_start3A_260 = tpu.memref_slice %arg2[%mul3A_0, %dma_start3A_259] : memref<20000x64xf32, #tpu.memory_space<hbm>> -> memref<10000x64xf32, #tpu.memory_space<hbm>>
      %dma_start3A_261 = arith.constant 0 : i32
      %dma_start3A_262 = arith.constant 0 : i32
      %dma_start3A_263 = tpu.memref_slice %dma_start3A_260[%dma_start3A_261, %dma_start3A_262] : memref<10000x64xf32, #tpu.memory_space<hbm>> -> memref<10000x64xf32, #tpu.memory_space<hbm>>
      tpu.enqueue_indirect_dma source(%dma_start3A_263 : memref<10000x64xf32, #tpu.memory_space<hbm>>) target(%arg13 : memref<100x64xf32, #tpu.memory_space<vmem>>) offsets(%dma_start3A_258 : memref<100xi32, #tpu.memory_space<vmem>>) semaphore(%arg20 : memref<!tpu.dma_semaphore, #tpu.memory_space<semaphore_mem>>)
      %run_scoped3A_264 = arith.constant 11 : i32
      "tpu.region"() ({
        %run_scoped3A_417 = tpu.sem_alloc : memref<!tpu.dma_semaphore, #tpu.memory_space<semaphore_mem>>
        %dma_start3A_418 = arith.constant 0 : i32
        %dma_start3A_419 = tpu.memref_slice %arg12[%run_scoped3A_264, %dma_start3A_418] : memref<20x100xi32, #tpu.memory_space<vmem>> -> memref<1x100xi32, #tpu.memory_space<vmem>>
        %dma_start3A_420 = tpu.memref_squeeze %dma_start3A_419 : memref<1x100xi32, #tpu.memory_space<vmem>> -> memref<100xi32, #tpu.memory_space<vmem>>
        %dma_start3A_421 = arith.constant 0 : i32
        %dma_start3A_422 = arith.constant 0 : i32
        %dma_start3A_423 = tpu.memref_slice %arg9[%dma_start3A_421, %dma_start3A_422] : memref<10000x64xf32, #tpu.memory_space<vmem_shared>> -> memref<10000x64xf32, #tpu.memory_space<vmem_shared>>
        tpu.enqueue_indirect_dma source(%arg14 : memref<100x64xf32, #tpu.memory_space<vmem>>) target(%dma_start3A_423 : memref<10000x64xf32, #tpu.memory_space<vmem_shared>>) offsets(%dma_start3A_420 : memref<100xi32, #tpu.memory_space<vmem>>) semaphore(%run_scoped3A_417 : memref<!tpu.dma_semaphore, #tpu.memory_space<semaphore_mem>>) {add = true}
        %dma_wait3A_424 = arith.constant 0 : i32
        %dma_wait3A_425 = tpu.memref_slice %arg12[%run_scoped3A_264, %dma_wait3A_424] : memref<20x100xi32, #tpu.memory_space<vmem>> -> memref<1x100xi32, #tpu.memory_space<vmem>>
        %dma_wait3A_426 = tpu.memref_squeeze %dma_wait3A_425 : memref<1x100xi32, #tpu.memory_space<vmem>> -> memref<100xi32, #tpu.memory_space<vmem>>
        %dma_wait3A_427 = arith.constant 0 : i32
        %dma_wait3A_428 = arith.constant 0 : i32
        %dma_wait3A_429 = tpu.memref_slice %arg9[%dma_wait3A_427, %dma_wait3A_428] : memref<10000x64xf32, #tpu.memory_space<vmem_shared>> -> memref<10000x64xf32, #tpu.memory_space<vmem_shared>>
        tpu.wait_indirect_dma semaphore(%run_scoped3A_417 : memref<!tpu.dma_semaphore, #tpu.memory_space<semaphore_mem>>) src(%arg14 : memref<100x64xf32, #tpu.memory_space<vmem>>) dst(%dma_wait3A_429 : memref<10000x64xf32, #tpu.memory_space<vmem_shared>>)
        tpu.yield
      }) : () -> ()
      %run_scoped3A_265 = arith.constant 11 : i32
      "tpu.region"() ({
        %run_scoped3A_417 = tpu.sem_alloc : memref<!tpu.dma_semaphore, #tpu.memory_space<semaphore_mem>>
        %dma_start3A_418 = arith.constant 0 : i32
        %dma_start3A_419 = tpu.memref_slice %arg12[%run_scoped3A_265, %dma_start3A_418] : memref<20x100xi32, #tpu.memory_space<vmem>> -> memref<1x100xi32, #tpu.memory_space<vmem>>
        %dma_start3A_420 = tpu.memref_squeeze %dma_start3A_419 : memref<1x100xi32, #tpu.memory_space<vmem>> -> memref<100xi32, #tpu.memory_space<vmem>>
        %dma_start3A_421 = arith.constant 0 : i32
        %dma_start3A_422 = arith.constant 0 : i32
        %dma_start3A_423 = tpu.memref_slice %arg10[%dma_start3A_421, %dma_start3A_422] : memref<10000x16xf32, #tpu.memory_space<vmem_shared>> -> memref<10000x16xf32, #tpu.memory_space<vmem_shared>>
        tpu.enqueue_indirect_dma source(%arg15 : memref<100x16xf32, #tpu.memory_space<vmem>>) target(%dma_start3A_423 : memref<10000x16xf32, #tpu.memory_space<vmem_shared>>) offsets(%dma_start3A_420 : memref<100xi32, #tpu.memory_space<vmem>>) semaphore(%run_scoped3A_417 : memref<!tpu.dma_semaphore, #tpu.memory_space<semaphore_mem>>) {add = true}
        %dma_wait3A_424 = arith.constant 0 : i32
        %dma_wait3A_425 = tpu.memref_slice %arg12[%run_scoped3A_265, %dma_wait3A_424] : memref<20x100xi32, #tpu.memory_space<vmem>> -> memref<1x100xi32, #tpu.memory_space<vmem>>
        %dma_wait3A_426 = tpu.memref_squeeze %dma_wait3A_425 : memref<1x100xi32, #tpu.memory_space<vmem>> -> memref<100xi32, #tpu.memory_space<vmem>>
        %dma_wait3A_427 = arith.constant 0 : i32
        %dma_wait3A_428 = arith.constant 0 : i32
        %dma_wait3A_429 = tpu.memref_slice %arg10[%dma_wait3A_427, %dma_wait3A_428] : memref<10000x16xf32, #tpu.memory_space<vmem_shared>> -> memref<10000x16xf32, #tpu.memory_space<vmem_shared>>
        tpu.wait_indirect_dma semaphore(%run_scoped3A_417 : memref<!tpu.dma_semaphore, #tpu.memory_space<semaphore_mem>>) src(%arg15 : memref<100x16xf32, #tpu.memory_space<vmem>>) dst(%dma_wait3A_429 : memref<10000x16xf32, #tpu.memory_space<vmem_shared>>)
        tpu.yield
      }) : () -> ()
      %dma_wait3A_266 = arith.constant 12 : i32
      %dma_wait3A_267 = arith.constant 0 : i32
      %dma_wait3A_268 = tpu.memref_slice %arg11[%dma_wait3A_266, %dma_wait3A_267] : memref<20x100xi32, #tpu.memory_space<vmem>> -> memref<1x100xi32, #tpu.memory_space<vmem>>
      %dma_wait3A_269 = tpu.memref_squeeze %dma_wait3A_268 : memref<1x100xi32, #tpu.memory_space<vmem>> -> memref<100xi32, #tpu.memory_space<vmem>>
      %dma_wait3A_270 = arith.constant 0 : i32
      %dma_wait3A_271 = tpu.memref_slice %arg2[%mul3A_0, %dma_wait3A_270] : memref<20000x64xf32, #tpu.memory_space<hbm>> -> memref<10000x64xf32, #tpu.memory_space<hbm>>
      %dma_wait3A_272 = arith.constant 0 : i32
      %dma_wait3A_273 = arith.constant 0 : i32
      %dma_wait3A_274 = tpu.memref_slice %dma_wait3A_271[%dma_wait3A_272, %dma_wait3A_273] : memref<10000x64xf32, #tpu.memory_space<hbm>> -> memref<10000x64xf32, #tpu.memory_space<hbm>>
      tpu.wait_indirect_dma semaphore(%arg20 : memref<!tpu.dma_semaphore, #tpu.memory_space<semaphore_mem>>) src(%dma_wait3A_274 : memref<10000x64xf32, #tpu.memory_space<hbm>>) dst(%arg13 : memref<100x64xf32, #tpu.memory_space<vmem>>)
      %dma_start3A_275 = arith.constant 13 : i32
      %dma_start3A_276 = arith.constant 0 : i32
      %dma_start3A_277 = tpu.memref_slice %arg11[%dma_start3A_275, %dma_start3A_276] : memref<20x100xi32, #tpu.memory_space<vmem>> -> memref<1x100xi32, #tpu.memory_space<vmem>>
      %dma_start3A_278 = tpu.memref_squeeze %dma_start3A_277 : memref<1x100xi32, #tpu.memory_space<vmem>> -> memref<100xi32, #tpu.memory_space<vmem>>
      %dma_start3A_279 = arith.constant 0 : i32
      %dma_start3A_280 = tpu.memref_slice %arg2[%mul3A_0, %dma_start3A_279] : memref<20000x64xf32, #tpu.memory_space<hbm>> -> memref<10000x64xf32, #tpu.memory_space<hbm>>
      %dma_start3A_281 = arith.constant 0 : i32
      %dma_start3A_282 = arith.constant 0 : i32
      %dma_start3A_283 = tpu.memref_slice %dma_start3A_280[%dma_start3A_281, %dma_start3A_282] : memref<10000x64xf32, #tpu.memory_space<hbm>> -> memref<10000x64xf32, #tpu.memory_space<hbm>>
      tpu.enqueue_indirect_dma source(%dma_start3A_283 : memref<10000x64xf32, #tpu.memory_space<hbm>>) target(%arg14 : memref<100x64xf32, #tpu.memory_space<vmem>>) offsets(%dma_start3A_278 : memref<100xi32, #tpu.memory_space<vmem>>) semaphore(%arg21 : memref<!tpu.dma_semaphore, #tpu.memory_space<semaphore_mem>>)
      %run_scoped3A_284 = arith.constant 12 : i32
      "tpu.region"() ({
        %run_scoped3A_417 = tpu.sem_alloc : memref<!tpu.dma_semaphore, #tpu.memory_space<semaphore_mem>>
        %dma_start3A_418 = arith.constant 0 : i32
        %dma_start3A_419 = tpu.memref_slice %arg12[%run_scoped3A_284, %dma_start3A_418] : memref<20x100xi32, #tpu.memory_space<vmem>> -> memref<1x100xi32, #tpu.memory_space<vmem>>
        %dma_start3A_420 = tpu.memref_squeeze %dma_start3A_419 : memref<1x100xi32, #tpu.memory_space<vmem>> -> memref<100xi32, #tpu.memory_space<vmem>>
        %dma_start3A_421 = arith.constant 0 : i32
        %dma_start3A_422 = arith.constant 0 : i32
        %dma_start3A_423 = tpu.memref_slice %arg9[%dma_start3A_421, %dma_start3A_422] : memref<10000x64xf32, #tpu.memory_space<vmem_shared>> -> memref<10000x64xf32, #tpu.memory_space<vmem_shared>>
        tpu.enqueue_indirect_dma source(%arg13 : memref<100x64xf32, #tpu.memory_space<vmem>>) target(%dma_start3A_423 : memref<10000x64xf32, #tpu.memory_space<vmem_shared>>) offsets(%dma_start3A_420 : memref<100xi32, #tpu.memory_space<vmem>>) semaphore(%run_scoped3A_417 : memref<!tpu.dma_semaphore, #tpu.memory_space<semaphore_mem>>) {add = true}
        %dma_wait3A_424 = arith.constant 0 : i32
        %dma_wait3A_425 = tpu.memref_slice %arg12[%run_scoped3A_284, %dma_wait3A_424] : memref<20x100xi32, #tpu.memory_space<vmem>> -> memref<1x100xi32, #tpu.memory_space<vmem>>
        %dma_wait3A_426 = tpu.memref_squeeze %dma_wait3A_425 : memref<1x100xi32, #tpu.memory_space<vmem>> -> memref<100xi32, #tpu.memory_space<vmem>>
        %dma_wait3A_427 = arith.constant 0 : i32
        %dma_wait3A_428 = arith.constant 0 : i32
        %dma_wait3A_429 = tpu.memref_slice %arg9[%dma_wait3A_427, %dma_wait3A_428] : memref<10000x64xf32, #tpu.memory_space<vmem_shared>> -> memref<10000x64xf32, #tpu.memory_space<vmem_shared>>
        tpu.wait_indirect_dma semaphore(%run_scoped3A_417 : memref<!tpu.dma_semaphore, #tpu.memory_space<semaphore_mem>>) src(%arg13 : memref<100x64xf32, #tpu.memory_space<vmem>>) dst(%dma_wait3A_429 : memref<10000x64xf32, #tpu.memory_space<vmem_shared>>)
        tpu.yield
      }) : () -> ()
      %run_scoped3A_285 = arith.constant 12 : i32
      "tpu.region"() ({
        %run_scoped3A_417 = tpu.sem_alloc : memref<!tpu.dma_semaphore, #tpu.memory_space<semaphore_mem>>
        %dma_start3A_418 = arith.constant 0 : i32
        %dma_start3A_419 = tpu.memref_slice %arg12[%run_scoped3A_285, %dma_start3A_418] : memref<20x100xi32, #tpu.memory_space<vmem>> -> memref<1x100xi32, #tpu.memory_space<vmem>>
        %dma_start3A_420 = tpu.memref_squeeze %dma_start3A_419 : memref<1x100xi32, #tpu.memory_space<vmem>> -> memref<100xi32, #tpu.memory_space<vmem>>
        %dma_start3A_421 = arith.constant 0 : i32
        %dma_start3A_422 = arith.constant 0 : i32
        %dma_start3A_423 = tpu.memref_slice %arg10[%dma_start3A_421, %dma_start3A_422] : memref<10000x16xf32, #tpu.memory_space<vmem_shared>> -> memref<10000x16xf32, #tpu.memory_space<vmem_shared>>
        tpu.enqueue_indirect_dma source(%arg15 : memref<100x16xf32, #tpu.memory_space<vmem>>) target(%dma_start3A_423 : memref<10000x16xf32, #tpu.memory_space<vmem_shared>>) offsets(%dma_start3A_420 : memref<100xi32, #tpu.memory_space<vmem>>) semaphore(%run_scoped3A_417 : memref<!tpu.dma_semaphore, #tpu.memory_space<semaphore_mem>>) {add = true}
        %dma_wait3A_424 = arith.constant 0 : i32
        %dma_wait3A_425 = tpu.memref_slice %arg12[%run_scoped3A_285, %dma_wait3A_424] : memref<20x100xi32, #tpu.memory_space<vmem>> -> memref<1x100xi32, #tpu.memory_space<vmem>>
        %dma_wait3A_426 = tpu.memref_squeeze %dma_wait3A_425 : memref<1x100xi32, #tpu.memory_space<vmem>> -> memref<100xi32, #tpu.memory_space<vmem>>
        %dma_wait3A_427 = arith.constant 0 : i32
        %dma_wait3A_428 = arith.constant 0 : i32
        %dma_wait3A_429 = tpu.memref_slice %arg10[%dma_wait3A_427, %dma_wait3A_428] : memref<10000x16xf32, #tpu.memory_space<vmem_shared>> -> memref<10000x16xf32, #tpu.memory_space<vmem_shared>>
        tpu.wait_indirect_dma semaphore(%run_scoped3A_417 : memref<!tpu.dma_semaphore, #tpu.memory_space<semaphore_mem>>) src(%arg15 : memref<100x16xf32, #tpu.memory_space<vmem>>) dst(%dma_wait3A_429 : memref<10000x16xf32, #tpu.memory_space<vmem_shared>>)
        tpu.yield
      }) : () -> ()
      %dma_wait3A_286 = arith.constant 13 : i32
      %dma_wait3A_287 = arith.constant 0 : i32
      %dma_wait3A_288 = tpu.memref_slice %arg11[%dma_wait3A_286, %dma_wait3A_287] : memref<20x100xi32, #tpu.memory_space<vmem>> -> memref<1x100xi32, #tpu.memory_space<vmem>>
      %dma_wait3A_289 = tpu.memref_squeeze %dma_wait3A_288 : memref<1x100xi32, #tpu.memory_space<vmem>> -> memref<100xi32, #tpu.memory_space<vmem>>
      %dma_wait3A_290 = arith.constant 0 : i32
      %dma_wait3A_291 = tpu.memref_slice %arg2[%mul3A_0, %dma_wait3A_290] : memref<20000x64xf32, #tpu.memory_space<hbm>> -> memref<10000x64xf32, #tpu.memory_space<hbm>>
      %dma_wait3A_292 = arith.constant 0 : i32
      %dma_wait3A_293 = arith.constant 0 : i32
      %dma_wait3A_294 = tpu.memref_slice %dma_wait3A_291[%dma_wait3A_292, %dma_wait3A_293] : memref<10000x64xf32, #tpu.memory_space<hbm>> -> memref<10000x64xf32, #tpu.memory_space<hbm>>
      tpu.wait_indirect_dma semaphore(%arg21 : memref<!tpu.dma_semaphore, #tpu.memory_space<semaphore_mem>>) src(%dma_wait3A_294 : memref<10000x64xf32, #tpu.memory_space<hbm>>) dst(%arg14 : memref<100x64xf32, #tpu.memory_space<vmem>>)
      %dma_start3A_295 = arith.constant 14 : i32
      %dma_start3A_296 = arith.constant 0 : i32
      %dma_start3A_297 = tpu.memref_slice %arg11[%dma_start3A_295, %dma_start3A_296] : memref<20x100xi32, #tpu.memory_space<vmem>> -> memref<1x100xi32, #tpu.memory_space<vmem>>
      %dma_start3A_298 = tpu.memref_squeeze %dma_start3A_297 : memref<1x100xi32, #tpu.memory_space<vmem>> -> memref<100xi32, #tpu.memory_space<vmem>>
      %dma_start3A_299 = arith.constant 0 : i32
      %dma_start3A_300 = tpu.memref_slice %arg2[%mul3A_0, %dma_start3A_299] : memref<20000x64xf32, #tpu.memory_space<hbm>> -> memref<10000x64xf32, #tpu.memory_space<hbm>>
      %dma_start3A_301 = arith.constant 0 : i32
      %dma_start3A_302 = arith.constant 0 : i32
      %dma_start3A_303 = tpu.memref_slice %dma_start3A_300[%dma_start3A_301, %dma_start3A_302] : memref<10000x64xf32, #tpu.memory_space<hbm>> -> memref<10000x64xf32, #tpu.memory_space<hbm>>
      tpu.enqueue_indirect_dma source(%dma_start3A_303 : memref<10000x64xf32, #tpu.memory_space<hbm>>) target(%arg13 : memref<100x64xf32, #tpu.memory_space<vmem>>) offsets(%dma_start3A_298 : memref<100xi32, #tpu.memory_space<vmem>>) semaphore(%arg20 : memref<!tpu.dma_semaphore, #tpu.memory_space<semaphore_mem>>)
      %run_scoped3A_304 = arith.constant 13 : i32
      "tpu.region"() ({
        %run_scoped3A_417 = tpu.sem_alloc : memref<!tpu.dma_semaphore, #tpu.memory_space<semaphore_mem>>
        %dma_start3A_418 = arith.constant 0 : i32
        %dma_start3A_419 = tpu.memref_slice %arg12[%run_scoped3A_304, %dma_start3A_418] : memref<20x100xi32, #tpu.memory_space<vmem>> -> memref<1x100xi32, #tpu.memory_space<vmem>>
        %dma_start3A_420 = tpu.memref_squeeze %dma_start3A_419 : memref<1x100xi32, #tpu.memory_space<vmem>> -> memref<100xi32, #tpu.memory_space<vmem>>
        %dma_start3A_421 = arith.constant 0 : i32
        %dma_start3A_422 = arith.constant 0 : i32
        %dma_start3A_423 = tpu.memref_slice %arg9[%dma_start3A_421, %dma_start3A_422] : memref<10000x64xf32, #tpu.memory_space<vmem_shared>> -> memref<10000x64xf32, #tpu.memory_space<vmem_shared>>
        tpu.enqueue_indirect_dma source(%arg14 : memref<100x64xf32, #tpu.memory_space<vmem>>) target(%dma_start3A_423 : memref<10000x64xf32, #tpu.memory_space<vmem_shared>>) offsets(%dma_start3A_420 : memref<100xi32, #tpu.memory_space<vmem>>) semaphore(%run_scoped3A_417 : memref<!tpu.dma_semaphore, #tpu.memory_space<semaphore_mem>>) {add = true}
        %dma_wait3A_424 = arith.constant 0 : i32
        %dma_wait3A_425 = tpu.memref_slice %arg12[%run_scoped3A_304, %dma_wait3A_424] : memref<20x100xi32, #tpu.memory_space<vmem>> -> memref<1x100xi32, #tpu.memory_space<vmem>>
        %dma_wait3A_426 = tpu.memref_squeeze %dma_wait3A_425 : memref<1x100xi32, #tpu.memory_space<vmem>> -> memref<100xi32, #tpu.memory_space<vmem>>
        %dma_wait3A_427 = arith.constant 0 : i32
        %dma_wait3A_428 = arith.constant 0 : i32
        %dma_wait3A_429 = tpu.memref_slice %arg9[%dma_wait3A_427, %dma_wait3A_428] : memref<10000x64xf32, #tpu.memory_space<vmem_shared>> -> memref<10000x64xf32, #tpu.memory_space<vmem_shared>>
        tpu.wait_indirect_dma semaphore(%run_scoped3A_417 : memref<!tpu.dma_semaphore, #tpu.memory_space<semaphore_mem>>) src(%arg14 : memref<100x64xf32, #tpu.memory_space<vmem>>) dst(%dma_wait3A_429 : memref<10000x64xf32, #tpu.memory_space<vmem_shared>>)
        tpu.yield
      }) : () -> ()
      %run_scoped3A_305 = arith.constant 13 : i32
      "tpu.region"() ({
        %run_scoped3A_417 = tpu.sem_alloc : memref<!tpu.dma_semaphore, #tpu.memory_space<semaphore_mem>>
        %dma_start3A_418 = arith.constant 0 : i32
        %dma_start3A_419 = tpu.memref_slice %arg12[%run_scoped3A_305, %dma_start3A_418] : memref<20x100xi32, #tpu.memory_space<vmem>> -> memref<1x100xi32, #tpu.memory_space<vmem>>
        %dma_start3A_420 = tpu.memref_squeeze %dma_start3A_419 : memref<1x100xi32, #tpu.memory_space<vmem>> -> memref<100xi32, #tpu.memory_space<vmem>>
        %dma_start3A_421 = arith.constant 0 : i32
        %dma_start3A_422 = arith.constant 0 : i32
        %dma_start3A_423 = tpu.memref_slice %arg10[%dma_start3A_421, %dma_start3A_422] : memref<10000x16xf32, #tpu.memory_space<vmem_shared>> -> memref<10000x16xf32, #tpu.memory_space<vmem_shared>>
        tpu.enqueue_indirect_dma source(%arg15 : memref<100x16xf32, #tpu.memory_space<vmem>>) target(%dma_start3A_423 : memref<10000x16xf32, #tpu.memory_space<vmem_shared>>) offsets(%dma_start3A_420 : memref<100xi32, #tpu.memory_space<vmem>>) semaphore(%run_scoped3A_417 : memref<!tpu.dma_semaphore, #tpu.memory_space<semaphore_mem>>) {add = true}
        %dma_wait3A_424 = arith.constant 0 : i32
        %dma_wait3A_425 = tpu.memref_slice %arg12[%run_scoped3A_305, %dma_wait3A_424] : memref<20x100xi32, #tpu.memory_space<vmem>> -> memref<1x100xi32, #tpu.memory_space<vmem>>
        %dma_wait3A_426 = tpu.memref_squeeze %dma_wait3A_425 : memref<1x100xi32, #tpu.memory_space<vmem>> -> memref<100xi32, #tpu.memory_space<vmem>>
        %dma_wait3A_427 = arith.constant 0 : i32
        %dma_wait3A_428 = arith.constant 0 : i32
        %dma_wait3A_429 = tpu.memref_slice %arg10[%dma_wait3A_427, %dma_wait3A_428] : memref<10000x16xf32, #tpu.memory_space<vmem_shared>> -> memref<10000x16xf32, #tpu.memory_space<vmem_shared>>
        tpu.wait_indirect_dma semaphore(%run_scoped3A_417 : memref<!tpu.dma_semaphore, #tpu.memory_space<semaphore_mem>>) src(%arg15 : memref<100x16xf32, #tpu.memory_space<vmem>>) dst(%dma_wait3A_429 : memref<10000x16xf32, #tpu.memory_space<vmem_shared>>)
        tpu.yield
      }) : () -> ()
      %dma_wait3A_306 = arith.constant 14 : i32
      %dma_wait3A_307 = arith.constant 0 : i32
      %dma_wait3A_308 = tpu.memref_slice %arg11[%dma_wait3A_306, %dma_wait3A_307] : memref<20x100xi32, #tpu.memory_space<vmem>> -> memref<1x100xi32, #tpu.memory_space<vmem>>
      %dma_wait3A_309 = tpu.memref_squeeze %dma_wait3A_308 : memref<1x100xi32, #tpu.memory_space<vmem>> -> memref<100xi32, #tpu.memory_space<vmem>>
      %dma_wait3A_310 = arith.constant 0 : i32
      %dma_wait3A_311 = tpu.memref_slice %arg2[%mul3A_0, %dma_wait3A_310] : memref<20000x64xf32, #tpu.memory_space<hbm>> -> memref<10000x64xf32, #tpu.memory_space<hbm>>
      %dma_wait3A_312 = arith.constant 0 : i32
      %dma_wait3A_313 = arith.constant 0 : i32
      %dma_wait3A_314 = tpu.memref_slice %dma_wait3A_311[%dma_wait3A_312, %dma_wait3A_313] : memref<10000x64xf32, #tpu.memory_space<hbm>> -> memref<10000x64xf32, #tpu.memory_space<hbm>>
      tpu.wait_indirect_dma semaphore(%arg20 : memref<!tpu.dma_semaphore, #tpu.memory_space<semaphore_mem>>) src(%dma_wait3A_314 : memref<10000x64xf32, #tpu.memory_space<hbm>>) dst(%arg13 : memref<100x64xf32, #tpu.memory_space<vmem>>)
      %dma_start3A_315 = arith.constant 15 : i32
      %dma_start3A_316 = arith.constant 0 : i32
      %dma_start3A_317 = tpu.memref_slice %arg11[%dma_start3A_315, %dma_start3A_316] : memref<20x100xi32, #tpu.memory_space<vmem>> -> memref<1x100xi32, #tpu.memory_space<vmem>>
      %dma_start3A_318 = tpu.memref_squeeze %dma_start3A_317 : memref<1x100xi32, #tpu.memory_space<vmem>> -> memref<100xi32, #tpu.memory_space<vmem>>
      %dma_start3A_319 = arith.constant 0 : i32
      %dma_start3A_320 = tpu.memref_slice %arg2[%mul3A_0, %dma_start3A_319] : memref<20000x64xf32, #tpu.memory_space<hbm>> -> memref<10000x64xf32, #tpu.memory_space<hbm>>
      %dma_start3A_321 = arith.constant 0 : i32
      %dma_start3A_322 = arith.constant 0 : i32
      %dma_start3A_323 = tpu.memref_slice %dma_start3A_320[%dma_start3A_321, %dma_start3A_322] : memref<10000x64xf32, #tpu.memory_space<hbm>> -> memref<10000x64xf32, #tpu.memory_space<hbm>>
      tpu.enqueue_indirect_dma source(%dma_start3A_323 : memref<10000x64xf32, #tpu.memory_space<hbm>>) target(%arg14 : memref<100x64xf32, #tpu.memory_space<vmem>>) offsets(%dma_start3A_318 : memref<100xi32, #tpu.memory_space<vmem>>) semaphore(%arg21 : memref<!tpu.dma_semaphore, #tpu.memory_space<semaphore_mem>>)
      %run_scoped3A_324 = arith.constant 14 : i32
      "tpu.region"() ({
        %run_scoped3A_417 = tpu.sem_alloc : memref<!tpu.dma_semaphore, #tpu.memory_space<semaphore_mem>>
        %dma_start3A_418 = arith.constant 0 : i32
        %dma_start3A_419 = tpu.memref_slice %arg12[%run_scoped3A_324, %dma_start3A_418] : memref<20x100xi32, #tpu.memory_space<vmem>> -> memref<1x100xi32, #tpu.memory_space<vmem>>
        %dma_start3A_420 = tpu.memref_squeeze %dma_start3A_419 : memref<1x100xi32, #tpu.memory_space<vmem>> -> memref<100xi32, #tpu.memory_space<vmem>>
        %dma_start3A_421 = arith.constant 0 : i32
        %dma_start3A_422 = arith.constant 0 : i32
        %dma_start3A_423 = tpu.memref_slice %arg9[%dma_start3A_421, %dma_start3A_422] : memref<10000x64xf32, #tpu.memory_space<vmem_shared>> -> memref<10000x64xf32, #tpu.memory_space<vmem_shared>>
        tpu.enqueue_indirect_dma source(%arg13 : memref<100x64xf32, #tpu.memory_space<vmem>>) target(%dma_start3A_423 : memref<10000x64xf32, #tpu.memory_space<vmem_shared>>) offsets(%dma_start3A_420 : memref<100xi32, #tpu.memory_space<vmem>>) semaphore(%run_scoped3A_417 : memref<!tpu.dma_semaphore, #tpu.memory_space<semaphore_mem>>) {add = true}
        %dma_wait3A_424 = arith.constant 0 : i32
        %dma_wait3A_425 = tpu.memref_slice %arg12[%run_scoped3A_324, %dma_wait3A_424] : memref<20x100xi32, #tpu.memory_space<vmem>> -> memref<1x100xi32, #tpu.memory_space<vmem>>
        %dma_wait3A_426 = tpu.memref_squeeze %dma_wait3A_425 : memref<1x100xi32, #tpu.memory_space<vmem>> -> memref<100xi32, #tpu.memory_space<vmem>>
        %dma_wait3A_427 = arith.constant 0 : i32
        %dma_wait3A_428 = arith.constant 0 : i32
        %dma_wait3A_429 = tpu.memref_slice %arg9[%dma_wait3A_427, %dma_wait3A_428] : memref<10000x64xf32, #tpu.memory_space<vmem_shared>> -> memref<10000x64xf32, #tpu.memory_space<vmem_shared>>
        tpu.wait_indirect_dma semaphore(%run_scoped3A_417 : memref<!tpu.dma_semaphore, #tpu.memory_space<semaphore_mem>>) src(%arg13 : memref<100x64xf32, #tpu.memory_space<vmem>>) dst(%dma_wait3A_429 : memref<10000x64xf32, #tpu.memory_space<vmem_shared>>)
        tpu.yield
      }) : () -> ()
      %run_scoped3A_325 = arith.constant 14 : i32
      "tpu.region"() ({
        %run_scoped3A_417 = tpu.sem_alloc : memref<!tpu.dma_semaphore, #tpu.memory_space<semaphore_mem>>
        %dma_start3A_418 = arith.constant 0 : i32
        %dma_start3A_419 = tpu.memref_slice %arg12[%run_scoped3A_325, %dma_start3A_418] : memref<20x100xi32, #tpu.memory_space<vmem>> -> memref<1x100xi32, #tpu.memory_space<vmem>>
        %dma_start3A_420 = tpu.memref_squeeze %dma_start3A_419 : memref<1x100xi32, #tpu.memory_space<vmem>> -> memref<100xi32, #tpu.memory_space<vmem>>
        %dma_start3A_421 = arith.constant 0 : i32
        %dma_start3A_422 = arith.constant 0 : i32
        %dma_start3A_423 = tpu.memref_slice %arg10[%dma_start3A_421, %dma_start3A_422] : memref<10000x16xf32, #tpu.memory_space<vmem_shared>> -> memref<10000x16xf32, #tpu.memory_space<vmem_shared>>
        tpu.enqueue_indirect_dma source(%arg15 : memref<100x16xf32, #tpu.memory_space<vmem>>) target(%dma_start3A_423 : memref<10000x16xf32, #tpu.memory_space<vmem_shared>>) offsets(%dma_start3A_420 : memref<100xi32, #tpu.memory_space<vmem>>) semaphore(%run_scoped3A_417 : memref<!tpu.dma_semaphore, #tpu.memory_space<semaphore_mem>>) {add = true}
        %dma_wait3A_424 = arith.constant 0 : i32
        %dma_wait3A_425 = tpu.memref_slice %arg12[%run_scoped3A_325, %dma_wait3A_424] : memref<20x100xi32, #tpu.memory_space<vmem>> -> memref<1x100xi32, #tpu.memory_space<vmem>>
        %dma_wait3A_426 = tpu.memref_squeeze %dma_wait3A_425 : memref<1x100xi32, #tpu.memory_space<vmem>> -> memref<100xi32, #tpu.memory_space<vmem>>
        %dma_wait3A_427 = arith.constant 0 : i32
        %dma_wait3A_428 = arith.constant 0 : i32
        %dma_wait3A_429 = tpu.memref_slice %arg10[%dma_wait3A_427, %dma_wait3A_428] : memref<10000x16xf32, #tpu.memory_space<vmem_shared>> -> memref<10000x16xf32, #tpu.memory_space<vmem_shared>>
        tpu.wait_indirect_dma semaphore(%run_scoped3A_417 : memref<!tpu.dma_semaphore, #tpu.memory_space<semaphore_mem>>) src(%arg15 : memref<100x16xf32, #tpu.memory_space<vmem>>) dst(%dma_wait3A_429 : memref<10000x16xf32, #tpu.memory_space<vmem_shared>>)
        tpu.yield
      }) : () -> ()
      %dma_wait3A_326 = arith.constant 15 : i32
      %dma_wait3A_327 = arith.constant 0 : i32
      %dma_wait3A_328 = tpu.memref_slice %arg11[%dma_wait3A_326, %dma_wait3A_327] : memref<20x100xi32, #tpu.memory_space<vmem>> -> memref<1x100xi32, #tpu.memory_space<vmem>>
      %dma_wait3A_329 = tpu.memref_squeeze %dma_wait3A_328 : memref<1x100xi32, #tpu.memory_space<vmem>> -> memref<100xi32, #tpu.memory_space<vmem>>
      %dma_wait3A_330 = arith.constant 0 : i32
      %dma_wait3A_331 = tpu.memref_slice %arg2[%mul3A_0, %dma_wait3A_330] : memref<20000x64xf32, #tpu.memory_space<hbm>> -> memref<10000x64xf32, #tpu.memory_space<hbm>>
      %dma_wait3A_332 = arith.constant 0 : i32
      %dma_wait3A_333 = arith.constant 0 : i32
      %dma_wait3A_334 = tpu.memref_slice %dma_wait3A_331[%dma_wait3A_332, %dma_wait3A_333] : memref<10000x64xf32, #tpu.memory_space<hbm>> -> memref<10000x64xf32, #tpu.memory_space<hbm>>
      tpu.wait_indirect_dma semaphore(%arg21 : memref<!tpu.dma_semaphore, #tpu.memory_space<semaphore_mem>>) src(%dma_wait3A_334 : memref<10000x64xf32, #tpu.memory_space<hbm>>) dst(%arg14 : memref<100x64xf32, #tpu.memory_space<vmem>>)
      %dma_start3A_335 = arith.constant 16 : i32
      %dma_start3A_336 = arith.constant 0 : i32
      %dma_start3A_337 = tpu.memref_slice %arg11[%dma_start3A_335, %dma_start3A_336] : memref<20x100xi32, #tpu.memory_space<vmem>> -> memref<1x100xi32, #tpu.memory_space<vmem>>
      %dma_start3A_338 = tpu.memref_squeeze %dma_start3A_337 : memref<1x100xi32, #tpu.memory_space<vmem>> -> memref<100xi32, #tpu.memory_space<vmem>>
      %dma_start3A_339 = arith.constant 0 : i32
      %dma_start3A_340 = tpu.memref_slice %arg2[%mul3A_0, %dma_start3A_339] : memref<20000x64xf32, #tpu.memory_space<hbm>> -> memref<10000x64xf32, #tpu.memory_space<hbm>>
      %dma_start3A_341 = arith.constant 0 : i32
      %dma_start3A_342 = arith.constant 0 : i32
      %dma_start3A_343 = tpu.memref_slice %dma_start3A_340[%dma_start3A_341, %dma_start3A_342] : memref<10000x64xf32, #tpu.memory_space<hbm>> -> memref<10000x64xf32, #tpu.memory_space<hbm>>
      tpu.enqueue_indirect_dma source(%dma_start3A_343 : memref<10000x64xf32, #tpu.memory_space<hbm>>) target(%arg13 : memref<100x64xf32, #tpu.memory_space<vmem>>) offsets(%dma_start3A_338 : memref<100xi32, #tpu.memory_space<vmem>>) semaphore(%arg20 : memref<!tpu.dma_semaphore, #tpu.memory_space<semaphore_mem>>)
      %run_scoped3A_344 = arith.constant 15 : i32
      "tpu.region"() ({
        %run_scoped3A_417 = tpu.sem_alloc : memref<!tpu.dma_semaphore, #tpu.memory_space<semaphore_mem>>
        %dma_start3A_418 = arith.constant 0 : i32
        %dma_start3A_419 = tpu.memref_slice %arg12[%run_scoped3A_344, %dma_start3A_418] : memref<20x100xi32, #tpu.memory_space<vmem>> -> memref<1x100xi32, #tpu.memory_space<vmem>>
        %dma_start3A_420 = tpu.memref_squeeze %dma_start3A_419 : memref<1x100xi32, #tpu.memory_space<vmem>> -> memref<100xi32, #tpu.memory_space<vmem>>
        %dma_start3A_421 = arith.constant 0 : i32
        %dma_start3A_422 = arith.constant 0 : i32
        %dma_start3A_423 = tpu.memref_slice %arg9[%dma_start3A_421, %dma_start3A_422] : memref<10000x64xf32, #tpu.memory_space<vmem_shared>> -> memref<10000x64xf32, #tpu.memory_space<vmem_shared>>
        tpu.enqueue_indirect_dma source(%arg14 : memref<100x64xf32, #tpu.memory_space<vmem>>) target(%dma_start3A_423 : memref<10000x64xf32, #tpu.memory_space<vmem_shared>>) offsets(%dma_start3A_420 : memref<100xi32, #tpu.memory_space<vmem>>) semaphore(%run_scoped3A_417 : memref<!tpu.dma_semaphore, #tpu.memory_space<semaphore_mem>>) {add = true}
        %dma_wait3A_424 = arith.constant 0 : i32
        %dma_wait3A_425 = tpu.memref_slice %arg12[%run_scoped3A_344, %dma_wait3A_424] : memref<20x100xi32, #tpu.memory_space<vmem>> -> memref<1x100xi32, #tpu.memory_space<vmem>>
        %dma_wait3A_426 = tpu.memref_squeeze %dma_wait3A_425 : memref<1x100xi32, #tpu.memory_space<vmem>> -> memref<100xi32, #tpu.memory_space<vmem>>
        %dma_wait3A_427 = arith.constant 0 : i32
        %dma_wait3A_428 = arith.constant 0 : i32
        %dma_wait3A_429 = tpu.memref_slice %arg9[%dma_wait3A_427, %dma_wait3A_428] : memref<10000x64xf32, #tpu.memory_space<vmem_shared>> -> memref<10000x64xf32, #tpu.memory_space<vmem_shared>>
        tpu.wait_indirect_dma semaphore(%run_scoped3A_417 : memref<!tpu.dma_semaphore, #tpu.memory_space<semaphore_mem>>) src(%arg14 : memref<100x64xf32, #tpu.memory_space<vmem>>) dst(%dma_wait3A_429 : memref<10000x64xf32, #tpu.memory_space<vmem_shared>>)
        tpu.yield
      }) : () -> ()
      %run_scoped3A_345 = arith.constant 15 : i32
      "tpu.region"() ({
        %run_scoped3A_417 = tpu.sem_alloc : memref<!tpu.dma_semaphore, #tpu.memory_space<semaphore_mem>>
        %dma_start3A_418 = arith.constant 0 : i32
        %dma_start3A_419 = tpu.memref_slice %arg12[%run_scoped3A_345, %dma_start3A_418] : memref<20x100xi32, #tpu.memory_space<vmem>> -> memref<1x100xi32, #tpu.memory_space<vmem>>
        %dma_start3A_420 = tpu.memref_squeeze %dma_start3A_419 : memref<1x100xi32, #tpu.memory_space<vmem>> -> memref<100xi32, #tpu.memory_space<vmem>>
        %dma_start3A_421 = arith.constant 0 : i32
        %dma_start3A_422 = arith.constant 0 : i32
        %dma_start3A_423 = tpu.memref_slice %arg10[%dma_start3A_421, %dma_start3A_422] : memref<10000x16xf32, #tpu.memory_space<vmem_shared>> -> memref<10000x16xf32, #tpu.memory_space<vmem_shared>>
        tpu.enqueue_indirect_dma source(%arg15 : memref<100x16xf32, #tpu.memory_space<vmem>>) target(%dma_start3A_423 : memref<10000x16xf32, #tpu.memory_space<vmem_shared>>) offsets(%dma_start3A_420 : memref<100xi32, #tpu.memory_space<vmem>>) semaphore(%run_scoped3A_417 : memref<!tpu.dma_semaphore, #tpu.memory_space<semaphore_mem>>) {add = true}
        %dma_wait3A_424 = arith.constant 0 : i32
        %dma_wait3A_425 = tpu.memref_slice %arg12[%run_scoped3A_345, %dma_wait3A_424] : memref<20x100xi32, #tpu.memory_space<vmem>> -> memref<1x100xi32, #tpu.memory_space<vmem>>
        %dma_wait3A_426 = tpu.memref_squeeze %dma_wait3A_425 : memref<1x100xi32, #tpu.memory_space<vmem>> -> memref<100xi32, #tpu.memory_space<vmem>>
        %dma_wait3A_427 = arith.constant 0 : i32
        %dma_wait3A_428 = arith.constant 0 : i32
        %dma_wait3A_429 = tpu.memref_slice %arg10[%dma_wait3A_427, %dma_wait3A_428] : memref<10000x16xf32, #tpu.memory_space<vmem_shared>> -> memref<10000x16xf32, #tpu.memory_space<vmem_shared>>
        tpu.wait_indirect_dma semaphore(%run_scoped3A_417 : memref<!tpu.dma_semaphore, #tpu.memory_space<semaphore_mem>>) src(%arg15 : memref<100x16xf32, #tpu.memory_space<vmem>>) dst(%dma_wait3A_429 : memref<10000x16xf32, #tpu.memory_space<vmem_shared>>)
        tpu.yield
      }) : () -> ()
      %dma_wait3A_346 = arith.constant 16 : i32
      %dma_wait3A_347 = arith.constant 0 : i32
      %dma_wait3A_348 = tpu.memref_slice %arg11[%dma_wait3A_346, %dma_wait3A_347] : memref<20x100xi32, #tpu.memory_space<vmem>> -> memref<1x100xi32, #tpu.memory_space<vmem>>
      %dma_wait3A_349 = tpu.memref_squeeze %dma_wait3A_348 : memref<1x100xi32, #tpu.memory_space<vmem>> -> memref<100xi32, #tpu.memory_space<vmem>>
      %dma_wait3A_350 = arith.constant 0 : i32
      %dma_wait3A_351 = tpu.memref_slice %arg2[%mul3A_0, %dma_wait3A_350] : memref<20000x64xf32, #tpu.memory_space<hbm>> -> memref<10000x64xf32, #tpu.memory_space<hbm>>
      %dma_wait3A_352 = arith.constant 0 : i32
      %dma_wait3A_353 = arith.constant 0 : i32
      %dma_wait3A_354 = tpu.memref_slice %dma_wait3A_351[%dma_wait3A_352, %dma_wait3A_353] : memref<10000x64xf32, #tpu.memory_space<hbm>> -> memref<10000x64xf32, #tpu.memory_space<hbm>>
      tpu.wait_indirect_dma semaphore(%arg20 : memref<!tpu.dma_semaphore, #tpu.memory_space<semaphore_mem>>) src(%dma_wait3A_354 : memref<10000x64xf32, #tpu.memory_space<hbm>>) dst(%arg13 : memref<100x64xf32, #tpu.memory_space<vmem>>)
      %dma_start3A_355 = arith.constant 17 : i32
      %dma_start3A_356 = arith.constant 0 : i32
      %dma_start3A_357 = tpu.memref_slice %arg11[%dma_start3A_355, %dma_start3A_356] : memref<20x100xi32, #tpu.memory_space<vmem>> -> memref<1x100xi32, #tpu.memory_space<vmem>>
      %dma_start3A_358 = tpu.memref_squeeze %dma_start3A_357 : memref<1x100xi32, #tpu.memory_space<vmem>> -> memref<100xi32, #tpu.memory_space<vmem>>
      %dma_start3A_359 = arith.constant 0 : i32
      %dma_start3A_360 = tpu.memref_slice %arg2[%mul3A_0, %dma_start3A_359] : memref<20000x64xf32, #tpu.memory_space<hbm>> -> memref<10000x64xf32, #tpu.memory_space<hbm>>
      %dma_start3A_361 = arith.constant 0 : i32
      %dma_start3A_362 = arith.constant 0 : i32
      %dma_start3A_363 = tpu.memref_slice %dma_start3A_360[%dma_start3A_361, %dma_start3A_362] : memref<10000x64xf32, #tpu.memory_space<hbm>> -> memref<10000x64xf32, #tpu.memory_space<hbm>>
      tpu.enqueue_indirect_dma source(%dma_start3A_363 : memref<10000x64xf32, #tpu.memory_space<hbm>>) target(%arg14 : memref<100x64xf32, #tpu.memory_space<vmem>>) offsets(%dma_start3A_358 : memref<100xi32, #tpu.memory_space<vmem>>) semaphore(%arg21 : memref<!tpu.dma_semaphore, #tpu.memory_space<semaphore_mem>>)
      %run_scoped3A_364 = arith.constant 16 : i32
      "tpu.region"() ({
        %run_scoped3A_417 = tpu.sem_alloc : memref<!tpu.dma_semaphore, #tpu.memory_space<semaphore_mem>>
        %dma_start3A_418 = arith.constant 0 : i32
        %dma_start3A_419 = tpu.memref_slice %arg12[%run_scoped3A_364, %dma_start3A_418] : memref<20x100xi32, #tpu.memory_space<vmem>> -> memref<1x100xi32, #tpu.memory_space<vmem>>
        %dma_start3A_420 = tpu.memref_squeeze %dma_start3A_419 : memref<1x100xi32, #tpu.memory_space<vmem>> -> memref<100xi32, #tpu.memory_space<vmem>>
        %dma_start3A_421 = arith.constant 0 : i32
        %dma_start3A_422 = arith.constant 0 : i32
        %dma_start3A_423 = tpu.memref_slice %arg9[%dma_start3A_421, %dma_start3A_422] : memref<10000x64xf32, #tpu.memory_space<vmem_shared>> -> memref<10000x64xf32, #tpu.memory_space<vmem_shared>>
        tpu.enqueue_indirect_dma source(%arg13 : memref<100x64xf32, #tpu.memory_space<vmem>>) target(%dma_start3A_423 : memref<10000x64xf32, #tpu.memory_space<vmem_shared>>) offsets(%dma_start3A_420 : memref<100xi32, #tpu.memory_space<vmem>>) semaphore(%run_scoped3A_417 : memref<!tpu.dma_semaphore, #tpu.memory_space<semaphore_mem>>) {add = true}
        %dma_wait3A_424 = arith.constant 0 : i32
        %dma_wait3A_425 = tpu.memref_slice %arg12[%run_scoped3A_364, %dma_wait3A_424] : memref<20x100xi32, #tpu.memory_space<vmem>> -> memref<1x100xi32, #tpu.memory_space<vmem>>
        %dma_wait3A_426 = tpu.memref_squeeze %dma_wait3A_425 : memref<1x100xi32, #tpu.memory_space<vmem>> -> memref<100xi32, #tpu.memory_space<vmem>>
        %dma_wait3A_427 = arith.constant 0 : i32
        %dma_wait3A_428 = arith.constant 0 : i32
        %dma_wait3A_429 = tpu.memref_slice %arg9[%dma_wait3A_427, %dma_wait3A_428] : memref<10000x64xf32, #tpu.memory_space<vmem_shared>> -> memref<10000x64xf32, #tpu.memory_space<vmem_shared>>
        tpu.wait_indirect_dma semaphore(%run_scoped3A_417 : memref<!tpu.dma_semaphore, #tpu.memory_space<semaphore_mem>>) src(%arg13 : memref<100x64xf32, #tpu.memory_space<vmem>>) dst(%dma_wait3A_429 : memref<10000x64xf32, #tpu.memory_space<vmem_shared>>)
        tpu.yield
      }) : () -> ()
      %run_scoped3A_365 = arith.constant 16 : i32
      "tpu.region"() ({
        %run_scoped3A_417 = tpu.sem_alloc : memref<!tpu.dma_semaphore, #tpu.memory_space<semaphore_mem>>
        %dma_start3A_418 = arith.constant 0 : i32
        %dma_start3A_419 = tpu.memref_slice %arg12[%run_scoped3A_365, %dma_start3A_418] : memref<20x100xi32, #tpu.memory_space<vmem>> -> memref<1x100xi32, #tpu.memory_space<vmem>>
        %dma_start3A_420 = tpu.memref_squeeze %dma_start3A_419 : memref<1x100xi32, #tpu.memory_space<vmem>> -> memref<100xi32, #tpu.memory_space<vmem>>
        %dma_start3A_421 = arith.constant 0 : i32
        %dma_start3A_422 = arith.constant 0 : i32
        %dma_start3A_423 = tpu.memref_slice %arg10[%dma_start3A_421, %dma_start3A_422] : memref<10000x16xf32, #tpu.memory_space<vmem_shared>> -> memref<10000x16xf32, #tpu.memory_space<vmem_shared>>
        tpu.enqueue_indirect_dma source(%arg15 : memref<100x16xf32, #tpu.memory_space<vmem>>) target(%dma_start3A_423 : memref<10000x16xf32, #tpu.memory_space<vmem_shared>>) offsets(%dma_start3A_420 : memref<100xi32, #tpu.memory_space<vmem>>) semaphore(%run_scoped3A_417 : memref<!tpu.dma_semaphore, #tpu.memory_space<semaphore_mem>>) {add = true}
        %dma_wait3A_424 = arith.constant 0 : i32
        %dma_wait3A_425 = tpu.memref_slice %arg12[%run_scoped3A_365, %dma_wait3A_424] : memref<20x100xi32, #tpu.memory_space<vmem>> -> memref<1x100xi32, #tpu.memory_space<vmem>>
        %dma_wait3A_426 = tpu.memref_squeeze %dma_wait3A_425 : memref<1x100xi32, #tpu.memory_space<vmem>> -> memref<100xi32, #tpu.memory_space<vmem>>
        %dma_wait3A_427 = arith.constant 0 : i32
        %dma_wait3A_428 = arith.constant 0 : i32
        %dma_wait3A_429 = tpu.memref_slice %arg10[%dma_wait3A_427, %dma_wait3A_428] : memref<10000x16xf32, #tpu.memory_space<vmem_shared>> -> memref<10000x16xf32, #tpu.memory_space<vmem_shared>>
        tpu.wait_indirect_dma semaphore(%run_scoped3A_417 : memref<!tpu.dma_semaphore, #tpu.memory_space<semaphore_mem>>) src(%arg15 : memref<100x16xf32, #tpu.memory_space<vmem>>) dst(%dma_wait3A_429 : memref<10000x16xf32, #tpu.memory_space<vmem_shared>>)
        tpu.yield
      }) : () -> ()
      %dma_wait3A_366 = arith.constant 17 : i32
      %dma_wait3A_367 = arith.constant 0 : i32
      %dma_wait3A_368 = tpu.memref_slice %arg11[%dma_wait3A_366, %dma_wait3A_367] : memref<20x100xi32, #tpu.memory_space<vmem>> -> memref<1x100xi32, #tpu.memory_space<vmem>>
      %dma_wait3A_369 = tpu.memref_squeeze %dma_wait3A_368 : memref<1x100xi32, #tpu.memory_space<vmem>> -> memref<100xi32, #tpu.memory_space<vmem>>
      %dma_wait3A_370 = arith.constant 0 : i32
      %dma_wait3A_371 = tpu.memref_slice %arg2[%mul3A_0, %dma_wait3A_370] : memref<20000x64xf32, #tpu.memory_space<hbm>> -> memref<10000x64xf32, #tpu.memory_space<hbm>>
      %dma_wait3A_372 = arith.constant 0 : i32
      %dma_wait3A_373 = arith.constant 0 : i32
      %dma_wait3A_374 = tpu.memref_slice %dma_wait3A_371[%dma_wait3A_372, %dma_wait3A_373] : memref<10000x64xf32, #tpu.memory_space<hbm>> -> memref<10000x64xf32, #tpu.memory_space<hbm>>
      tpu.wait_indirect_dma semaphore(%arg21 : memref<!tpu.dma_semaphore, #tpu.memory_space<semaphore_mem>>) src(%dma_wait3A_374 : memref<10000x64xf32, #tpu.memory_space<hbm>>) dst(%arg14 : memref<100x64xf32, #tpu.memory_space<vmem>>)
      %dma_start3A_375 = arith.constant 18 : i32
      %dma_start3A_376 = arith.constant 0 : i32
      %dma_start3A_377 = tpu.memref_slice %arg11[%dma_start3A_375, %dma_start3A_376] : memref<20x100xi32, #tpu.memory_space<vmem>> -> memref<1x100xi32, #tpu.memory_space<vmem>>
      %dma_start3A_378 = tpu.memref_squeeze %dma_start3A_377 : memref<1x100xi32, #tpu.memory_space<vmem>> -> memref<100xi32, #tpu.memory_space<vmem>>
      %dma_start3A_379 = arith.constant 0 : i32
      %dma_start3A_380 = tpu.memref_slice %arg2[%mul3A_0, %dma_start3A_379] : memref<20000x64xf32, #tpu.memory_space<hbm>> -> memref<10000x64xf32, #tpu.memory_space<hbm>>
      %dma_start3A_381 = arith.constant 0 : i32
      %dma_start3A_382 = arith.constant 0 : i32
      %dma_start3A_383 = tpu.memref_slice %dma_start3A_380[%dma_start3A_381, %dma_start3A_382] : memref<10000x64xf32, #tpu.memory_space<hbm>> -> memref<10000x64xf32, #tpu.memory_space<hbm>>
      tpu.enqueue_indirect_dma source(%dma_start3A_383 : memref<10000x64xf32, #tpu.memory_space<hbm>>) target(%arg13 : memref<100x64xf32, #tpu.memory_space<vmem>>) offsets(%dma_start3A_378 : memref<100xi32, #tpu.memory_space<vmem>>) semaphore(%arg20 : memref<!tpu.dma_semaphore, #tpu.memory_space<semaphore_mem>>)
      %run_scoped3A_384 = arith.constant 17 : i32
      "tpu.region"() ({
        %run_scoped3A_417 = tpu.sem_alloc : memref<!tpu.dma_semaphore, #tpu.memory_space<semaphore_mem>>
        %dma_start3A_418 = arith.constant 0 : i32
        %dma_start3A_419 = tpu.memref_slice %arg12[%run_scoped3A_384, %dma_start3A_418] : memref<20x100xi32, #tpu.memory_space<vmem>> -> memref<1x100xi32, #tpu.memory_space<vmem>>
        %dma_start3A_420 = tpu.memref_squeeze %dma_start3A_419 : memref<1x100xi32, #tpu.memory_space<vmem>> -> memref<100xi32, #tpu.memory_space<vmem>>
        %dma_start3A_421 = arith.constant 0 : i32
        %dma_start3A_422 = arith.constant 0 : i32
        %dma_start3A_423 = tpu.memref_slice %arg9[%dma_start3A_421, %dma_start3A_422] : memref<10000x64xf32, #tpu.memory_space<vmem_shared>> -> memref<10000x64xf32, #tpu.memory_space<vmem_shared>>
        tpu.enqueue_indirect_dma source(%arg14 : memref<100x64xf32, #tpu.memory_space<vmem>>) target(%dma_start3A_423 : memref<10000x64xf32, #tpu.memory_space<vmem_shared>>) offsets(%dma_start3A_420 : memref<100xi32, #tpu.memory_space<vmem>>) semaphore(%run_scoped3A_417 : memref<!tpu.dma_semaphore, #tpu.memory_space<semaphore_mem>>) {add = true}
        %dma_wait3A_424 = arith.constant 0 : i32
        %dma_wait3A_425 = tpu.memref_slice %arg12[%run_scoped3A_384, %dma_wait3A_424] : memref<20x100xi32, #tpu.memory_space<vmem>> -> memref<1x100xi32, #tpu.memory_space<vmem>>
        %dma_wait3A_426 = tpu.memref_squeeze %dma_wait3A_425 : memref<1x100xi32, #tpu.memory_space<vmem>> -> memref<100xi32, #tpu.memory_space<vmem>>
        %dma_wait3A_427 = arith.constant 0 : i32
        %dma_wait3A_428 = arith.constant 0 : i32
        %dma_wait3A_429 = tpu.memref_slice %arg9[%dma_wait3A_427, %dma_wait3A_428] : memref<10000x64xf32, #tpu.memory_space<vmem_shared>> -> memref<10000x64xf32, #tpu.memory_space<vmem_shared>>
        tpu.wait_indirect_dma semaphore(%run_scoped3A_417 : memref<!tpu.dma_semaphore, #tpu.memory_space<semaphore_mem>>) src(%arg14 : memref<100x64xf32, #tpu.memory_space<vmem>>) dst(%dma_wait3A_429 : memref<10000x64xf32, #tpu.memory_space<vmem_shared>>)
        tpu.yield
      }) : () -> ()
      %run_scoped3A_385 = arith.constant 17 : i32
      "tpu.region"() ({
        %run_scoped3A_417 = tpu.sem_alloc : memref<!tpu.dma_semaphore, #tpu.memory_space<semaphore_mem>>
        %dma_start3A_418 = arith.constant 0 : i32
        %dma_start3A_419 = tpu.memref_slice %arg12[%run_scoped3A_385, %dma_start3A_418] : memref<20x100xi32, #tpu.memory_space<vmem>> -> memref<1x100xi32, #tpu.memory_space<vmem>>
        %dma_start3A_420 = tpu.memref_squeeze %dma_start3A_419 : memref<1x100xi32, #tpu.memory_space<vmem>> -> memref<100xi32, #tpu.memory_space<vmem>>
        %dma_start3A_421 = arith.constant 0 : i32
        %dma_start3A_422 = arith.constant 0 : i32
        %dma_start3A_423 = tpu.memref_slice %arg10[%dma_start3A_421, %dma_start3A_422] : memref<10000x16xf32, #tpu.memory_space<vmem_shared>> -> memref<10000x16xf32, #tpu.memory_space<vmem_shared>>
        tpu.enqueue_indirect_dma source(%arg15 : memref<100x16xf32, #tpu.memory_space<vmem>>) target(%dma_start3A_423 : memref<10000x16xf32, #tpu.memory_space<vmem_shared>>) offsets(%dma_start3A_420 : memref<100xi32, #tpu.memory_space<vmem>>) semaphore(%run_scoped3A_417 : memref<!tpu.dma_semaphore, #tpu.memory_space<semaphore_mem>>) {add = true}
        %dma_wait3A_424 = arith.constant 0 : i32
        %dma_wait3A_425 = tpu.memref_slice %arg12[%run_scoped3A_385, %dma_wait3A_424] : memref<20x100xi32, #tpu.memory_space<vmem>> -> memref<1x100xi32, #tpu.memory_space<vmem>>
        %dma_wait3A_426 = tpu.memref_squeeze %dma_wait3A_425 : memref<1x100xi32, #tpu.memory_space<vmem>> -> memref<100xi32, #tpu.memory_space<vmem>>
        %dma_wait3A_427 = arith.constant 0 : i32
        %dma_wait3A_428 = arith.constant 0 : i32
        %dma_wait3A_429 = tpu.memref_slice %arg10[%dma_wait3A_427, %dma_wait3A_428] : memref<10000x16xf32, #tpu.memory_space<vmem_shared>> -> memref<10000x16xf32, #tpu.memory_space<vmem_shared>>
        tpu.wait_indirect_dma semaphore(%run_scoped3A_417 : memref<!tpu.dma_semaphore, #tpu.memory_space<semaphore_mem>>) src(%arg15 : memref<100x16xf32, #tpu.memory_space<vmem>>) dst(%dma_wait3A_429 : memref<10000x16xf32, #tpu.memory_space<vmem_shared>>)
        tpu.yield
      }) : () -> ()
      %dma_wait3A_386 = arith.constant 18 : i32
      %dma_wait3A_387 = arith.constant 0 : i32
      %dma_wait3A_388 = tpu.memref_slice %arg11[%dma_wait3A_386, %dma_wait3A_387] : memref<20x100xi32, #tpu.memory_space<vmem>> -> memref<1x100xi32, #tpu.memory_space<vmem>>
      %dma_wait3A_389 = tpu.memref_squeeze %dma_wait3A_388 : memref<1x100xi32, #tpu.memory_space<vmem>> -> memref<100xi32, #tpu.memory_space<vmem>>
      %dma_wait3A_390 = arith.constant 0 : i32
      %dma_wait3A_391 = tpu.memref_slice %arg2[%mul3A_0, %dma_wait3A_390] : memref<20000x64xf32, #tpu.memory_space<hbm>> -> memref<10000x64xf32, #tpu.memory_space<hbm>>
      %dma_wait3A_392 = arith.constant 0 : i32
      %dma_wait3A_393 = arith.constant 0 : i32
      %dma_wait3A_394 = tpu.memref_slice %dma_wait3A_391[%dma_wait3A_392, %dma_wait3A_393] : memref<10000x64xf32, #tpu.memory_space<hbm>> -> memref<10000x64xf32, #tpu.memory_space<hbm>>
      tpu.wait_indirect_dma semaphore(%arg20 : memref<!tpu.dma_semaphore, #tpu.memory_space<semaphore_mem>>) src(%dma_wait3A_394 : memref<10000x64xf32, #tpu.memory_space<hbm>>) dst(%arg13 : memref<100x64xf32, #tpu.memory_space<vmem>>)
      %dma_start3A_395 = arith.constant 19 : i32
      %dma_start3A_396 = arith.constant 0 : i32
      %dma_start3A_397 = tpu.memref_slice %arg11[%dma_start3A_395, %dma_start3A_396] : memref<20x100xi32, #tpu.memory_space<vmem>> -> memref<1x100xi32, #tpu.memory_space<vmem>>
      %dma_start3A_398 = tpu.memref_squeeze %dma_start3A_397 : memref<1x100xi32, #tpu.memory_space<vmem>> -> memref<100xi32, #tpu.memory_space<vmem>>
      %dma_start3A_399 = arith.constant 0 : i32
      %dma_start3A_400 = tpu.memref_slice %arg2[%mul3A_0, %dma_start3A_399] : memref<20000x64xf32, #tpu.memory_space<hbm>> -> memref<10000x64xf32, #tpu.memory_space<hbm>>
      %dma_start3A_401 = arith.constant 0 : i32
      %dma_start3A_402 = arith.constant 0 : i32
      %dma_start3A_403 = tpu.memref_slice %dma_start3A_400[%dma_start3A_401, %dma_start3A_402] : memref<10000x64xf32, #tpu.memory_space<hbm>> -> memref<10000x64xf32, #tpu.memory_space<hbm>>
      tpu.enqueue_indirect_dma source(%dma_start3A_403 : memref<10000x64xf32, #tpu.memory_space<hbm>>) target(%arg14 : memref<100x64xf32, #tpu.memory_space<vmem>>) offsets(%dma_start3A_398 : memref<100xi32, #tpu.memory_space<vmem>>) semaphore(%arg21 : memref<!tpu.dma_semaphore, #tpu.memory_space<semaphore_mem>>)
      %run_scoped3A_404 = arith.constant 18 : i32
      "tpu.region"() ({
        %run_scoped3A_417 = tpu.sem_alloc : memref<!tpu.dma_semaphore, #tpu.memory_space<semaphore_mem>>
        %dma_start3A_418 = arith.constant 0 : i32
        %dma_start3A_419 = tpu.memref_slice %arg12[%run_scoped3A_404, %dma_start3A_418] : memref<20x100xi32, #tpu.memory_space<vmem>> -> memref<1x100xi32, #tpu.memory_space<vmem>>
        %dma_start3A_420 = tpu.memref_squeeze %dma_start3A_419 : memref<1x100xi32, #tpu.memory_space<vmem>> -> memref<100xi32, #tpu.memory_space<vmem>>
        %dma_start3A_421 = arith.constant 0 : i32
        %dma_start3A_422 = arith.constant 0 : i32
        %dma_start3A_423 = tpu.memref_slice %arg9[%dma_start3A_421, %dma_start3A_422] : memref<10000x64xf32, #tpu.memory_space<vmem_shared>> -> memref<10000x64xf32, #tpu.memory_space<vmem_shared>>
        tpu.enqueue_indirect_dma source(%arg13 : memref<100x64xf32, #tpu.memory_space<vmem>>) target(%dma_start3A_423 : memref<10000x64xf32, #tpu.memory_space<vmem_shared>>) offsets(%dma_start3A_420 : memref<100xi32, #tpu.memory_space<vmem>>) semaphore(%run_scoped3A_417 : memref<!tpu.dma_semaphore, #tpu.memory_space<semaphore_mem>>) {add = true}
        %dma_wait3A_424 = arith.constant 0 : i32
        %dma_wait3A_425 = tpu.memref_slice %arg12[%run_scoped3A_404, %dma_wait3A_424] : memref<20x100xi32, #tpu.memory_space<vmem>> -> memref<1x100xi32, #tpu.memory_space<vmem>>
        %dma_wait3A_426 = tpu.memref_squeeze %dma_wait3A_425 : memref<1x100xi32, #tpu.memory_space<vmem>> -> memref<100xi32, #tpu.memory_space<vmem>>
        %dma_wait3A_427 = arith.constant 0 : i32
        %dma_wait3A_428 = arith.constant 0 : i32
        %dma_wait3A_429 = tpu.memref_slice %arg9[%dma_wait3A_427, %dma_wait3A_428] : memref<10000x64xf32, #tpu.memory_space<vmem_shared>> -> memref<10000x64xf32, #tpu.memory_space<vmem_shared>>
        tpu.wait_indirect_dma semaphore(%run_scoped3A_417 : memref<!tpu.dma_semaphore, #tpu.memory_space<semaphore_mem>>) src(%arg13 : memref<100x64xf32, #tpu.memory_space<vmem>>) dst(%dma_wait3A_429 : memref<10000x64xf32, #tpu.memory_space<vmem_shared>>)
        tpu.yield
      }) : () -> ()
      %run_scoped3A_405 = arith.constant 18 : i32
      "tpu.region"() ({
        %run_scoped3A_417 = tpu.sem_alloc : memref<!tpu.dma_semaphore, #tpu.memory_space<semaphore_mem>>
        %dma_start3A_418 = arith.constant 0 : i32
        %dma_start3A_419 = tpu.memref_slice %arg12[%run_scoped3A_405, %dma_start3A_418] : memref<20x100xi32, #tpu.memory_space<vmem>> -> memref<1x100xi32, #tpu.memory_space<vmem>>
        %dma_start3A_420 = tpu.memref_squeeze %dma_start3A_419 : memref<1x100xi32, #tpu.memory_space<vmem>> -> memref<100xi32, #tpu.memory_space<vmem>>
        %dma_start3A_421 = arith.constant 0 : i32
        %dma_start3A_422 = arith.constant 0 : i32
        %dma_start3A_423 = tpu.memref_slice %arg10[%dma_start3A_421, %dma_start3A_422] : memref<10000x16xf32, #tpu.memory_space<vmem_shared>> -> memref<10000x16xf32, #tpu.memory_space<vmem_shared>>
        tpu.enqueue_indirect_dma source(%arg15 : memref<100x16xf32, #tpu.memory_space<vmem>>) target(%dma_start3A_423 : memref<10000x16xf32, #tpu.memory_space<vmem_shared>>) offsets(%dma_start3A_420 : memref<100xi32, #tpu.memory_space<vmem>>) semaphore(%run_scoped3A_417 : memref<!tpu.dma_semaphore, #tpu.memory_space<semaphore_mem>>) {add = true}
        %dma_wait3A_424 = arith.constant 0 : i32
        %dma_wait3A_425 = tpu.memref_slice %arg12[%run_scoped3A_405, %dma_wait3A_424] : memref<20x100xi32, #tpu.memory_space<vmem>> -> memref<1x100xi32, #tpu.memory_space<vmem>>
        %dma_wait3A_426 = tpu.memref_squeeze %dma_wait3A_425 : memref<1x100xi32, #tpu.memory_space<vmem>> -> memref<100xi32, #tpu.memory_space<vmem>>
        %dma_wait3A_427 = arith.constant 0 : i32
        %dma_wait3A_428 = arith.constant 0 : i32
        %dma_wait3A_429 = tpu.memref_slice %arg10[%dma_wait3A_427, %dma_wait3A_428] : memref<10000x16xf32, #tpu.memory_space<vmem_shared>> -> memref<10000x16xf32, #tpu.memory_space<vmem_shared>>
        tpu.wait_indirect_dma semaphore(%run_scoped3A_417 : memref<!tpu.dma_semaphore, #tpu.memory_space<semaphore_mem>>) src(%arg15 : memref<100x16xf32, #tpu.memory_space<vmem>>) dst(%dma_wait3A_429 : memref<10000x16xf32, #tpu.memory_space<vmem_shared>>)
        tpu.yield
      }) : () -> ()
      %dma_wait3A_406 = arith.constant 19 : i32
      %dma_wait3A_407 = arith.constant 0 : i32
      %dma_wait3A_408 = tpu.memref_slice %arg11[%dma_wait3A_406, %dma_wait3A_407] : memref<20x100xi32, #tpu.memory_space<vmem>> -> memref<1x100xi32, #tpu.memory_space<vmem>>
      %dma_wait3A_409 = tpu.memref_squeeze %dma_wait3A_408 : memref<1x100xi32, #tpu.memory_space<vmem>> -> memref<100xi32, #tpu.memory_space<vmem>>
      %dma_wait3A_410 = arith.constant 0 : i32
      %dma_wait3A_411 = tpu.memref_slice %arg2[%mul3A_0, %dma_wait3A_410] : memref<20000x64xf32, #tpu.memory_space<hbm>> -> memref<10000x64xf32, #tpu.memory_space<hbm>>
      %dma_wait3A_412 = arith.constant 0 : i32
      %dma_wait3A_413 = arith.constant 0 : i32
      %dma_wait3A_414 = tpu.memref_slice %dma_wait3A_411[%dma_wait3A_412, %dma_wait3A_413] : memref<10000x64xf32, #tpu.memory_space<hbm>> -> memref<10000x64xf32, #tpu.memory_space<hbm>>
      tpu.wait_indirect_dma semaphore(%arg21 : memref<!tpu.dma_semaphore, #tpu.memory_space<semaphore_mem>>) src(%dma_wait3A_414 : memref<10000x64xf32, #tpu.memory_space<hbm>>) dst(%arg14 : memref<100x64xf32, #tpu.memory_space<vmem>>)
      %run_scoped3A_415 = arith.constant 19 : i32
      "tpu.region"() ({
        %run_scoped3A_417 = tpu.sem_alloc : memref<!tpu.dma_semaphore, #tpu.memory_space<semaphore_mem>>
        %dma_start3A_418 = arith.constant 0 : i32
        %dma_start3A_419 = tpu.memref_slice %arg12[%run_scoped3A_415, %dma_start3A_418] : memref<20x100xi32, #tpu.memory_space<vmem>> -> memref<1x100xi32, #tpu.memory_space<vmem>>
        %dma_start3A_420 = tpu.memref_squeeze %dma_start3A_419 : memref<1x100xi32, #tpu.memory_space<vmem>> -> memref<100xi32, #tpu.memory_space<vmem>>
        %dma_start3A_421 = arith.constant 0 : i32
        %dma_start3A_422 = arith.constant 0 : i32
        %dma_start3A_423 = tpu.memref_slice %arg9[%dma_start3A_421, %dma_start3A_422] : memref<10000x64xf32, #tpu.memory_space<vmem_shared>> -> memref<10000x64xf32, #tpu.memory_space<vmem_shared>>
        tpu.enqueue_indirect_dma source(%arg14 : memref<100x64xf32, #tpu.memory_space<vmem>>) target(%dma_start3A_423 : memref<10000x64xf32, #tpu.memory_space<vmem_shared>>) offsets(%dma_start3A_420 : memref<100xi32, #tpu.memory_space<vmem>>) semaphore(%run_scoped3A_417 : memref<!tpu.dma_semaphore, #tpu.memory_space<semaphore_mem>>) {add = true}
        %dma_wait3A_424 = arith.constant 0 : i32
        %dma_wait3A_425 = tpu.memref_slice %arg12[%run_scoped3A_415, %dma_wait3A_424] : memref<20x100xi32, #tpu.memory_space<vmem>> -> memref<1x100xi32, #tpu.memory_space<vmem>>
        %dma_wait3A_426 = tpu.memref_squeeze %dma_wait3A_425 : memref<1x100xi32, #tpu.memory_space<vmem>> -> memref<100xi32, #tpu.memory_space<vmem>>
        %dma_wait3A_427 = arith.constant 0 : i32
        %dma_wait3A_428 = arith.constant 0 : i32
        %dma_wait3A_429 = tpu.memref_slice %arg9[%dma_wait3A_427, %dma_wait3A_428] : memref<10000x64xf32, #tpu.memory_space<vmem_shared>> -> memref<10000x64xf32, #tpu.memory_space<vmem_shared>>
        tpu.wait_indirect_dma semaphore(%run_scoped3A_417 : memref<!tpu.dma_semaphore, #tpu.memory_space<semaphore_mem>>) src(%arg14 : memref<100x64xf32, #tpu.memory_space<vmem>>) dst(%dma_wait3A_429 : memref<10000x64xf32, #tpu.memory_space<vmem_shared>>)
        tpu.yield
      }) : () -> ()
      %run_scoped3A_416 = arith.constant 19 : i32
      "tpu.region"() ({
        %run_scoped3A_417 = tpu.sem_alloc : memref<!tpu.dma_semaphore, #tpu.memory_space<semaphore_mem>>
        %dma_start3A_418 = arith.constant 0 : i32
        %dma_start3A_419 = tpu.memref_slice %arg12[%run_scoped3A_416, %dma_start3A_418] : memref<20x100xi32, #tpu.memory_space<vmem>> -> memref<1x100xi32, #tpu.memory_space<vmem>>
        %dma_start3A_420 = tpu.memref_squeeze %dma_start3A_419 : memref<1x100xi32, #tpu.memory_space<vmem>> -> memref<100xi32, #tpu.memory_space<vmem>>
        %dma_start3A_421 = arith.constant 0 : i32
        %dma_start3A_422 = arith.constant 0 : i32
        %dma_start3A_423 = tpu.memref_slice %arg10[%dma_start3A_421, %dma_start3A_422] : memref<10000x16xf32, #tpu.memory_space<vmem_shared>> -> memref<10000x16xf32, #tpu.memory_space<vmem_shared>>
        tpu.enqueue_indirect_dma source(%arg15 : memref<100x16xf32, #tpu.memory_space<vmem>>) target(%dma_start3A_423 : memref<10000x16xf32, #tpu.memory_space<vmem_shared>>) offsets(%dma_start3A_420 : memref<100xi32, #tpu.memory_space<vmem>>) semaphore(%run_scoped3A_417 : memref<!tpu.dma_semaphore, #tpu.memory_space<semaphore_mem>>) {add = true}
        %dma_wait3A_424 = arith.constant 0 : i32
        %dma_wait3A_425 = tpu.memref_slice %arg12[%run_scoped3A_416, %dma_wait3A_424] : memref<20x100xi32, #tpu.memory_space<vmem>> -> memref<1x100xi32, #tpu.memory_space<vmem>>
        %dma_wait3A_426 = tpu.memref_squeeze %dma_wait3A_425 : memref<1x100xi32, #tpu.memory_space<vmem>> -> memref<100xi32, #tpu.memory_space<vmem>>
        %dma_wait3A_427 = arith.constant 0 : i32
        %dma_wait3A_428 = arith.constant 0 : i32
        %dma_wait3A_429 = tpu.memref_slice %arg10[%dma_wait3A_427, %dma_wait3A_428] : memref<10000x16xf32, #tpu.memory_space<vmem_shared>> -> memref<10000x16xf32, #tpu.memory_space<vmem_shared>>
        tpu.wait_indirect_dma semaphore(%run_scoped3A_417 : memref<!tpu.dma_semaphore, #tpu.memory_space<semaphore_mem>>) src(%arg15 : memref<100x16xf32, #tpu.memory_space<vmem>>) dst(%dma_wait3A_429 : memref<10000x16xf32, #tpu.memory_space<vmem_shared>>)
        tpu.yield
      }) : () -> ()
    }
    %scan3A_7 = arith.constant 10 : i32
    %barrier3A_8 = arith.constant 0 : index
    tpu.barrier barrier_id(%barrier3A_8)
    %scan3A_9 = arith.constant 0 : i32
    %scan3A_10 = arith.constant 0 : i32
    %scan3A_11 = arith.constant 5 : i32
    %scan3A_12 = arith.addi %scan3A_10, %scan3A_11 : i32
    %scan3A_13 = arith.constant 1 : i32
    scf.for %scan3A_15 = %scan3A_10 to %scan3A_12 step %scan3A_13  : i32 {
      %mul3A_16 = arith.constant 625 : i32
      %mul3A_17 = arith.muli %arg1, %mul3A_16 : i32
      %mul3A_18 = arith.constant 125 : i32
      %mul3A_19 = arith.muli %scan3A_15, %mul3A_18 : i32
      %add3A = arith.addi %mul3A_17, %mul3A_19 : i32
      "tpu.region"() ({
        %run_scoped3A = tpu.sem_alloc : memref<!tpu.dma_semaphore, #tpu.memory_space<semaphore_mem>>
        %dma_start3A = arith.constant 0 : i32
        %dma_start3A_28 = tpu.memref_slice %arg9[%add3A, %dma_start3A] : memref<10000x64xf32, #tpu.memory_space<vmem_shared>> -> memref<125x64xf32, #tpu.memory_space<vmem_shared>>
        %dma_start3A_29 = arith.constant 0 : i32
        %dma_start3A_30 = tpu.memref_slice %arg9[%add3A, %dma_start3A_29] : memref<10000x64xf32, #tpu.memory_space<vmem_shared>> -> memref<125x64xf32, #tpu.memory_space<vmem_shared>>
        tpu.enqueue_dma source(%dma_start3A_30 : memref<125x64xf32, #tpu.memory_space<vmem_shared>>) target(%arg16 : memref<125x64xf32, #tpu.memory_space<vmem>>) target_semaphore(%run_scoped3A : memref<!tpu.dma_semaphore, #tpu.memory_space<semaphore_mem>>)
        %dma_wait3A = arith.constant 0 : i32
        %dma_wait3A_31 = tpu.memref_slice %arg9[%add3A, %dma_wait3A] : memref<10000x64xf32, #tpu.memory_space<vmem_shared>> -> memref<125x64xf32, #tpu.memory_space<vmem_shared>>
        %dma_wait3A_32 = arith.constant 0 : i32
        %dma_wait3A_33 = tpu.memref_slice %arg9[%add3A, %dma_wait3A_32] : memref<10000x64xf32, #tpu.memory_space<vmem_shared>> -> memref<125x64xf32, #tpu.memory_space<vmem_shared>>
        tpu.wait_dma2 semaphore(%run_scoped3A : memref<!tpu.dma_semaphore, #tpu.memory_space<semaphore_mem>>) src(%dma_wait3A_33 : memref<125x64xf32, #tpu.memory_space<vmem_shared>>) dst(%arg16 : memref<125x64xf32, #tpu.memory_space<vmem>>)
        tpu.yield
      }) : () -> ()
      "tpu.region"() ({
        %run_scoped3A = tpu.sem_alloc : memref<!tpu.dma_semaphore, #tpu.memory_space<semaphore_mem>>
        %dma_start3A = arith.constant 0 : i32
        %dma_start3A_28 = tpu.memref_slice %arg2[%mul3A_0, %dma_start3A] : memref<20000x64xf32, #tpu.memory_space<hbm>> -> memref<10000x64xf32, #tpu.memory_space<hbm>>
        %dma_start3A_29 = arith.constant 0 : i32
        %dma_start3A_30 = tpu.memref_slice %dma_start3A_28[%add3A, %dma_start3A_29] : memref<10000x64xf32, #tpu.memory_space<hbm>> -> memref<125x64xf32, #tpu.memory_space<hbm>>
        %dma_start3A_31 = arith.constant 0 : i32
        %dma_start3A_32 = tpu.memref_slice %arg2[%mul3A_0, %dma_start3A_31] : memref<20000x64xf32, #tpu.memory_space<hbm>> -> memref<10000x64xf32, #tpu.memory_space<hbm>>
        %dma_start3A_33 = arith.constant 0 : i32
        %dma_start3A_34 = tpu.memref_slice %dma_start3A_32[%add3A, %dma_start3A_33] : memref<10000x64xf32, #tpu.memory_space<hbm>> -> memref<125x64xf32, #tpu.memory_space<hbm>>
        tpu.enqueue_dma source(%dma_start3A_34 : memref<125x64xf32, #tpu.memory_space<hbm>>) target(%arg17 : memref<125x64xf32, #tpu.memory_space<vmem>>) target_semaphore(%run_scoped3A : memref<!tpu.dma_semaphore, #tpu.memory_space<semaphore_mem>>)
        %dma_wait3A = arith.constant 0 : i32
        %dma_wait3A_35 = tpu.memref_slice %arg2[%mul3A_0, %dma_wait3A] : memref<20000x64xf32, #tpu.memory_space<hbm>> -> memref<10000x64xf32, #tpu.memory_space<hbm>>
        %dma_wait3A_36 = arith.constant 0 : i32
        %dma_wait3A_37 = tpu.memref_slice %dma_wait3A_35[%add3A, %dma_wait3A_36] : memref<10000x64xf32, #tpu.memory_space<hbm>> -> memref<125x64xf32, #tpu.memory_space<hbm>>
        %dma_wait3A_38 = arith.constant 0 : i32
        %dma_wait3A_39 = tpu.memref_slice %arg2[%mul3A_0, %dma_wait3A_38] : memref<20000x64xf32, #tpu.memory_space<hbm>> -> memref<10000x64xf32, #tpu.memory_space<hbm>>
        %dma_wait3A_40 = arith.constant 0 : i32
        %dma_wait3A_41 = tpu.memref_slice %dma_wait3A_39[%add3A, %dma_wait3A_40] : memref<10000x64xf32, #tpu.memory_space<hbm>> -> memref<125x64xf32, #tpu.memory_space<hbm>>
        tpu.wait_dma2 semaphore(%run_scoped3A : memref<!tpu.dma_semaphore, #tpu.memory_space<semaphore_mem>>) src(%dma_wait3A_41 : memref<125x64xf32, #tpu.memory_space<hbm>>) dst(%arg17 : memref<125x64xf32, #tpu.memory_space<vmem>>)
        tpu.yield
      }) : () -> ()
      "tpu.region"() ({
        %run_scoped3A = tpu.sem_alloc : memref<!tpu.dma_semaphore, #tpu.memory_space<semaphore_mem>>
        %dma_start3A = arith.constant 0 : i32
        %dma_start3A_28 = tpu.memref_slice %arg10[%add3A, %dma_start3A] : memref<10000x16xf32, #tpu.memory_space<vmem_shared>> -> memref<125x16xf32, #tpu.memory_space<vmem_shared>>
        %dma_start3A_29 = arith.constant 0 : i32
        %dma_start3A_30 = tpu.memref_slice %arg10[%add3A, %dma_start3A_29] : memref<10000x16xf32, #tpu.memory_space<vmem_shared>> -> memref<125x16xf32, #tpu.memory_space<vmem_shared>>
        tpu.enqueue_dma source(%dma_start3A_30 : memref<125x16xf32, #tpu.memory_space<vmem_shared>>) target(%arg19 : memref<125x16xf32, #tpu.memory_space<vmem>>) target_semaphore(%run_scoped3A : memref<!tpu.dma_semaphore, #tpu.memory_space<semaphore_mem>>)
        %dma_wait3A = arith.constant 0 : i32
        %dma_wait3A_31 = tpu.memref_slice %arg10[%add3A, %dma_wait3A] : memref<10000x16xf32, #tpu.memory_space<vmem_shared>> -> memref<125x16xf32, #tpu.memory_space<vmem_shared>>
        %dma_wait3A_32 = arith.constant 0 : i32
        %dma_wait3A_33 = tpu.memref_slice %arg10[%add3A, %dma_wait3A_32] : memref<10000x16xf32, #tpu.memory_space<vmem_shared>> -> memref<125x16xf32, #tpu.memory_space<vmem_shared>>
        tpu.wait_dma2 semaphore(%run_scoped3A : memref<!tpu.dma_semaphore, #tpu.memory_space<semaphore_mem>>) src(%dma_wait3A_33 : memref<125x16xf32, #tpu.memory_space<vmem_shared>>) dst(%arg19 : memref<125x16xf32, #tpu.memory_space<vmem>>)
        tpu.yield
      }) : () -> ()
      %scan3A_20 = arith.constant 0 : i32
      %scan3A_21 = arith.constant 0 : i32
      %scan3A_22 = arith.constant 125 : i32
      %scan3A_23 = arith.addi %scan3A_21, %scan3A_22 : i32
      %scan3A_24 = arith.constant 1 : i32
      scf.for %scan3A_28 = %scan3A_21 to %scan3A_23 step %scan3A_24  : i32 {
        %get3A = arith.index_cast %scan3A_28 : i32 to index
        %get3A_29 = arith.constant 0 : index
        %get3A_30 = tpu.vector_load %arg19[%get3A, %get3A_29] {strides = array<i32>} : memref<125x16xf32, #tpu.memory_space<vmem>>, vector<1x16xf32>,
        %get3A_31 = vector.shape_cast %get3A_30 : vector<1x16xf32> to vector<16xf32>
        %gt3A = arith.constant 0.000000e+00 : f32
        %gt3A_32 = vector.broadcast %gt3A : f32 to vector<16xf32>
        %gt3A_33 = arith.cmpf ogt, %get3A_31, %gt3A_32 : vector<16xf32>
        %get3A_34 = arith.index_cast %scan3A_28 : i32 to index
        %get3A_35 = arith.constant 0 : index
        %get3A_36 = tpu.vector_load %arg16[%get3A_34, %get3A_35] {strides = array<i32>} : memref<125x64xf32, #tpu.memory_space<vmem>>, vector<1x16xf32>,
        %get3A_37 = vector.shape_cast %get3A_36 : vector<1x16xf32> to vector<16xf32>
        %get3A_38 = arith.index_cast %scan3A_28 : i32 to index
        %get3A_39 = arith.constant 0 : index
        %get3A_40 = tpu.vector_load %arg17[%get3A_38, %get3A_39] {strides = array<i32>} : memref<125x64xf32, #tpu.memory_space<vmem>>, vector<1x16xf32>,
        %get3A_41 = vector.shape_cast %get3A_40 : vector<1x16xf32> to vector<16xf32>
        %select_n3A = arith.select %gt3A_33, %get3A_37, %get3A_41 : vector<16xi1>, vector<16xf32>
        %swap3A = arith.index_cast %scan3A_28 : i32 to index
        %swap3A_42 = arith.constant 0 : index
        %swap3A_43 = tpu.vector_load %arg18[%swap3A, %swap3A_42] {strides = array<i32>} : memref<125x64xf32, #tpu.memory_space<vmem>>, vector<1x16xf32>,
        %swap3A_44 = vector.shape_cast %swap3A_43 : vector<1x16xf32> to vector<16xf32>
        %swap3A_45 = vector.shape_cast %select_n3A : vector<16xf32> to vector<1x16xf32>
        tpu.vector_store %arg18[%swap3A, %swap3A_42], %swap3A_45 {strides = array<i32>} : memref<125x64xf32, #tpu.memory_space<vmem>>, vector<1x16xf32>,
        %get3A_46 = arith.index_cast %scan3A_28 : i32 to index
        %get3A_47 = arith.constant 16 : index
        %get3A_48 = tpu.vector_load %arg16[%get3A_46, %get3A_47] {strides = array<i32>} : memref<125x64xf32, #tpu.memory_space<vmem>>, vector<1x16xf32>,
        %get3A_49 = vector.shape_cast %get3A_48 : vector<1x16xf32> to vector<16xf32>
        %get3A_50 = arith.index_cast %scan3A_28 : i32 to index
        %get3A_51 = arith.constant 16 : index
        %get3A_52 = tpu.vector_load %arg17[%get3A_50, %get3A_51] {strides = array<i32>} : memref<125x64xf32, #tpu.memory_space<vmem>>, vector<1x16xf32>,
        %get3A_53 = vector.shape_cast %get3A_52 : vector<1x16xf32> to vector<16xf32>
        %select_n3A_54 = arith.select %gt3A_33, %get3A_49, %get3A_53 : vector<16xi1>, vector<16xf32>
        %swap3A_55 = arith.index_cast %scan3A_28 : i32 to index
        %swap3A_56 = arith.constant 16 : index
        %swap3A_57 = tpu.vector_load %arg18[%swap3A_55, %swap3A_56] {strides = array<i32>} : memref<125x64xf32, #tpu.memory_space<vmem>>, vector<1x16xf32>,
        %swap3A_58 = vector.shape_cast %swap3A_57 : vector<1x16xf32> to vector<16xf32>
        %swap3A_59 = vector.shape_cast %select_n3A_54 : vector<16xf32> to vector<1x16xf32>
        tpu.vector_store %arg18[%swap3A_55, %swap3A_56], %swap3A_59 {strides = array<i32>} : memref<125x64xf32, #tpu.memory_space<vmem>>, vector<1x16xf32>,
        %get3A_60 = arith.index_cast %scan3A_28 : i32 to index
        %get3A_61 = arith.constant 32 : index
        %get3A_62 = tpu.vector_load %arg16[%get3A_60, %get3A_61] {strides = array<i32>} : memref<125x64xf32, #tpu.memory_space<vmem>>, vector<1x16xf32>,
        %get3A_63 = vector.shape_cast %get3A_62 : vector<1x16xf32> to vector<16xf32>
        %get3A_64 = arith.index_cast %scan3A_28 : i32 to index
        %get3A_65 = arith.constant 32 : index
        %get3A_66 = tpu.vector_load %arg17[%get3A_64, %get3A_65] {strides = array<i32>} : memref<125x64xf32, #tpu.memory_space<vmem>>, vector<1x16xf32>,
        %get3A_67 = vector.shape_cast %get3A_66 : vector<1x16xf32> to vector<16xf32>
        %select_n3A_68 = arith.select %gt3A_33, %get3A_63, %get3A_67 : vector<16xi1>, vector<16xf32>
        %swap3A_69 = arith.index_cast %scan3A_28 : i32 to index
        %swap3A_70 = arith.constant 32 : index
        %swap3A_71 = tpu.vector_load %arg18[%swap3A_69, %swap3A_70] {strides = array<i32>} : memref<125x64xf32, #tpu.memory_space<vmem>>, vector<1x16xf32>,
        %swap3A_72 = vector.shape_cast %swap3A_71 : vector<1x16xf32> to vector<16xf32>
        %swap3A_73 = vector.shape_cast %select_n3A_68 : vector<16xf32> to vector<1x16xf32>
        tpu.vector_store %arg18[%swap3A_69, %swap3A_70], %swap3A_73 {strides = array<i32>} : memref<125x64xf32, #tpu.memory_space<vmem>>, vector<1x16xf32>,
        %get3A_74 = arith.index_cast %scan3A_28 : i32 to index
        %get3A_75 = arith.constant 48 : index
        %get3A_76 = tpu.vector_load %arg16[%get3A_74, %get3A_75] {strides = array<i32>} : memref<125x64xf32, #tpu.memory_space<vmem>>, vector<1x16xf32>,
        %get3A_77 = vector.shape_cast %get3A_76 : vector<1x16xf32> to vector<16xf32>
        %get3A_78 = arith.index_cast %scan3A_28 : i32 to index
        %get3A_79 = arith.constant 48 : index
        %get3A_80 = tpu.vector_load %arg17[%get3A_78, %get3A_79] {strides = array<i32>} : memref<125x64xf32, #tpu.memory_space<vmem>>, vector<1x16xf32>,
        %get3A_81 = vector.shape_cast %get3A_80 : vector<1x16xf32> to vector<16xf32>
        %select_n3A_82 = arith.select %gt3A_33, %get3A_77, %get3A_81 : vector<16xi1>, vector<16xf32>
        %swap3A_83 = arith.index_cast %scan3A_28 : i32 to index
        %swap3A_84 = arith.constant 48 : index
        %swap3A_85 = tpu.vector_load %arg18[%swap3A_83, %swap3A_84] {strides = array<i32>} : memref<125x64xf32, #tpu.memory_space<vmem>>, vector<1x16xf32>,
        %swap3A_86 = vector.shape_cast %swap3A_85 : vector<1x16xf32> to vector<16xf32>
        %swap3A_87 = vector.shape_cast %select_n3A_82 : vector<16xf32> to vector<1x16xf32>
        tpu.vector_store %arg18[%swap3A_83, %swap3A_84], %swap3A_87 {strides = array<i32>} : memref<125x64xf32, #tpu.memory_space<vmem>>, vector<1x16xf32>,
      }
      %scan3A_25 = arith.constant 125 : i32
      %mul3A_26 = arith.constant 64 : i32
      %mul3A_27 = arith.muli %arg0, %mul3A_26 : i32
      "tpu.region"() ({
        %run_scoped3A = tpu.sem_alloc : memref<!tpu.dma_semaphore, #tpu.memory_space<semaphore_mem>>
        %dma_start3A = tpu.memref_slice %arg8[%add3A, %mul3A_27] : memref<10000x128xf32, #tpu.memory_space<hbm>> -> memref<125x64xf32, #tpu.memory_space<hbm>>
        %dma_start3A_28 = tpu.memref_slice %arg8[%add3A, %mul3A_27] : memref<10000x128xf32, #tpu.memory_space<hbm>> -> memref<125x64xf32, #tpu.memory_space<hbm>>
        tpu.enqueue_dma source(%arg18 : memref<125x64xf32, #tpu.memory_space<vmem>>) target(%dma_start3A_28 : memref<125x64xf32, #tpu.memory_space<hbm>>) target_semaphore(%run_scoped3A : memref<!tpu.dma_semaphore, #tpu.memory_space<semaphore_mem>>)
        %dma_wait3A = tpu.memref_slice %arg8[%add3A, %mul3A_27] : memref<10000x128xf32, #tpu.memory_space<hbm>> -> memref<125x64xf32, #tpu.memory_space<hbm>>
        %dma_wait3A_29 = tpu.memref_slice %arg8[%add3A, %mul3A_27] : memref<10000x128xf32, #tpu.memory_space<hbm>> -> memref<125x64xf32, #tpu.memory_space<hbm>>
        tpu.wait_dma2 semaphore(%run_scoped3A : memref<!tpu.dma_semaphore, #tpu.memory_space<semaphore_mem>>) src(%arg18 : memref<125x64xf32, #tpu.memory_space<vmem>>) dst(%dma_wait3A_29 : memref<125x64xf32, #tpu.memory_space<hbm>>)
        tpu.yield
      }) : () -> ()
    }
    %scan3A_14 = arith.constant 5 : i32
    return
  }
}

</mosaic_0001>

<sc_bundles>
// kernel: kernel.3.cloned.1.call-start
scs
__scs_entry_jumppad:
0x0: {  	(pc) =	sbr.rel $0x88, $3  }
0x1: {  	(tag) =	ssettag $0x0;
	lr =	simm.s32 $0x1  }
0x2: {  	[smem:$0x3F9F] =	sst lr;
	_ =	strace $0xD0000000  }
0x3: {  	_ = 	snop  }
0x4: {  	_ = 	snop  }
0x5: {  	_ = 	snop  }
0x6: {  	_ = 	snop  }
0x7: {  	_ = 	snop  }
__scs_overlays_trampoline_lowered:
0x8: {  	[smem:$0x3FAE] =	sst s0  }
0x9: {  	[smem:$0x3FAF] =	sst s1  }
0xa: {  	[smem:$0x3FB0] =	sst s2  }
0xb: {  	[smem:$0x3FB1] =	sst s3  }
0xc: {  	[smem:$0x3FB2] =	sst s4  }
0xd: {  	[smem:$0x3FB3] =	sst s5  }
0xe: {  	[smem:$0x3FB4] =	sst s6  }
0xf: {  	[smem:$0x3FB5] =	sst s7  }
0x10: {  	[smem:$0x3FB6] =	sst s8  }
0x11: {  	[smem:$0x3FB7] =	sst s9;
	s0 =	simm.s32 @!p0 $0x0  }
0x12: {  	s1 =	sld [smem:$0x3F9D];
	s0 =	simm.s32 @p0 $0x1  }
0x13: {  	[smem:$0x3FB8] =	sst s0;
	s0 =	simm.s32 @!p1 $0x0  }
0x14: {  	s2 =	sld [smem:$0x3F9C];
	s0 =	simm.s32 @p1 $0x1  }
0x15: {  	[smem:$0x3FB9] =	sst s0;
	s0 =	simm.s32 @!p2 $0x0  }
0x16: {  	s3 =	sld [smem:$0x3FDB];
	s0 =	simm.s32 @p2 $0x1  }
0x17: {  	s4 =	simm.s32 $0x1BF5;
	[smem:$0x3FBB] =	sst s0  }
0x18: {  	s0 =	sld [smem:$0x3F9E];
	_ =	swait.ge [sflag:s4], $0x0  }
0x19: {  	s7 =	sld [smem:$0x3F9F]  }
0x1a: {  	s8 =	sadd.s32 $0xFFFFE003, lr  }
0x1b: {  	s9 =	sadd.s32 $0xFFFFFEF7, lr;
	s5 =	simm.s32 $0xFFFFFFFF;
	p2 =	slt.u32 s8, $0xFFFFF086  }
0x1c: {  	p1 =	slt.u32 s9, $0xF7A;
	s5 =	simm.s32 @!p2 $0x0  }
0x1d: {  	s5 =	simm.s32 @p1 $0x1;
	p0 =	seq.s32 s7, s2  }
0x1e: {  	s7 =	smul.u32 @!p0 $0xF7A, s2;
	p2 =	seq.s32 @!p0 s5, $0x0  }
0x1f: {  	s9 =	smul.u32 $0xF7A, s1;
	s8 =	simm.s32 @!p0 $0x1BF5;
	p2 =	por !p2, p0  }
0x20: {  	[sflag:s8] =	ssyncset.s32 @!p0 $0xFFFFF086;
	s6 =	sadd.s32 @!p0 s3, s7;
	s7 =	simm.s32 @!p0 $0x108  }
0x21: {  	s3 =	sadd.s32 s3, s9;
	s6 =	sadd.s32 @!p0 $0x88, s6;
	s7 =	simm.s32 @p2 $0x1082  }
0x22: {  	[simem:s7], [sflag:s8] =	dma.local @!p0 [hbm:s6], $0xF7A  }
0x23: {  	s9 =	sor.u32 $0xD0000000, s2;
	s6 =	simm.s32 $0x108;
	_ =	swait.ge @!p0 [sflag:s8], $0x0  }
0x24: {  	s3 =	sadd.s32 $0x88, s3;
	s6 =	simm.s32 @!p1 $0x1082;
	[sflag:s4] =	ssyncset.s32 $0xFFFFF086  }
0x25: {  	[simem:s6], [sflag:s4] =	dma.local [hbm:s3], $0xF7A  }
0x26: {  	[smem:$0x3F9F] =	sst s1;
	(tag) =	ssettag s2;
	_ =	strace s9  }
0x27: {  	s1 =	sld [smem:$0x3FAF]  }
0x28: {  	s2 =	sld [smem:$0x3FB0]  }
0x29: {  	s4 =	sld [smem:$0x3FB2]  }
0x2a: {  	p0 =	seq.s32 s5, $0x0;
	s5 =	sld [smem:$0x3FB3]  }
0x2b: {  	s6 =	sld [smem:$0x3FB4]  }
0x2c: {  	s7 =	sld [smem:$0x3FB5]  }
0x2d: {  	s3 =	simm.s32 $0x108;
	s8 =	sld [smem:$0x3FB6]  }
0x2e: {  	s3 =	simm.s32 @!p0 $0x1082;
	s9 =	sld [smem:$0x3FB7]  }
0x2f: {  	lr =	sadd.s32 s0, s3;
	s0 =	sld [smem:$0x3FAE]  }
0x30: {  	s3 =	sld [smem:$0x3FB1]  }
0x31: {  	[smem:$0x3FBA] =	sst s10  }
0x32: {  	s10 =	sld [smem:$0x3FB8];
	_ =	sdelay $0x3  }
0x33: {  	p0 =	seq.s32 s10, $0x1;
	s10 =	sld [smem:$0x3FBA];
	_ =	sdelay $0x3  }
0x34: {  	[smem:$0x3FBA] =	sst s10  }
0x35: {  	s10 =	sld [smem:$0x3FB9];
	_ =	sdelay $0x3  }
0x36: {  	p1 =	seq.s32 s10, $0x1;
	s10 =	sld [smem:$0x3FBA];
	_ =	sdelay $0x3  }
0x37: {  	[smem:$0x3FBA] =	sst s10  }
0x38: {  	s10 =	sld [smem:$0x3FBB]  }
0x39: {  	_ = 	snop;
	(pc) =	sbr.ind lr, $3  }
0x3a: {  	_ = 	snop  }
0x3b: {  	_ = 	snop  }
0x3c: {  	p2 =	seq.s32 s10, $0x1;
	s10 =	sld [smem:$0x3FBA]  }
0x3d: {  	_ =	shalt  }
0x3e: {  	_ =	shalt  }
0x3f: {  	_ =	shalt  }
0x40: {  	_ =	shalt  }
0x41: {  	_ =	shalt  }
0x42: {  	_ =	shalt  }
0x43: {  	_ =	shalt  }
0x44: {  	_ =	shalt  }
0x45: {  	_ =	shalt  }
0x46: {  	_ =	shalt  }
0x47: {  	_ =	shalt  }
0x48: {  	_ =	shalt  }
0x49: {  	_ =	shalt  }
0x4a: {  	_ =	shalt  }
0x4b: {  	_ =	shalt  }
0x4c: {  	_ =	shalt  }
0x4d: {  	_ =	shalt  }
0x4e: {  	_ =	shalt  }
0x4f: {  	_ =	shalt  }
0x50: {  	_ =	shalt  }
0x51: {  	_ =	shalt  }
0x52: {  	_ =	shalt  }
0x53: {  	_ =	shalt  }
0x54: {  	_ =	shalt  }
0x55: {  	_ =	shalt  }
0x56: {  	_ =	shalt  }
0x57: {  	_ =	shalt  }
0x58: {  	_ =	shalt  }
0x59: {  	_ =	shalt  }
0x5a: {  	_ =	shalt  }
0x5b: {  	_ =	shalt  }
0x5c: {  	_ =	shalt  }
0x5d: {  	_ =	shalt  }
0x5e: {  	_ =	shalt  }
0x5f: {  	_ =	shalt  }
0x60: {  	_ =	shalt  }
0x61: {  	_ =	shalt  }
0x62: {  	_ =	shalt  }
0x63: {  	_ =	shalt  }
0x64: {  	_ =	shalt  }
0x65: {  	_ =	shalt  }
0x66: {  	_ =	shalt  }
0x67: {  	_ =	shalt  }
0x68: {  	_ =	shalt  }
0x69: {  	_ =	shalt  }
0x6a: {  	_ =	shalt  }
0x6b: {  	_ =	shalt  }
0x6c: {  	_ =	shalt  }
0x6d: {  	_ =	shalt  }
0x6e: {  	_ =	shalt  }
0x6f: {  	_ =	shalt  }
0x70: {  	_ =	shalt  }
0x71: {  	_ =	shalt  }
0x72: {  	_ =	shalt  }
0x73: {  	_ =	shalt  }
0x74: {  	_ =	shalt  }
0x75: {  	_ =	shalt  }
0x76: {  	_ =	shalt  }
0x77: {  	_ =	shalt  }
0x78: {  	_ =	shalt  }
0x79: {  	_ =	shalt  }
0x7a: {  	_ =	shalt  }
0x7b: {  	_ =	shalt  }
0x7c: {  	_ =	shalt  }
0x7d: {  	_ =	shalt  }
0x7e: {  	_ =	shalt  }
0x7f: {  	_ =	shalt  }
0x80: {  	_ =	shalt  }
0x81: {  	_ =	shalt  }
0x82: {  	_ =	shalt  }
0x83: {  	_ =	shalt  }
0x84: {  	_ =	shalt  }
0x85: {  	_ =	shalt  }
0x86: {  	_ =	shalt  }
0x87: {  	_ =	shalt  }
.Lfunc_end0:
.L_simem_size_0:
called_computation_lowered:
.L_overlay_start_0:
0x88: {  	s2 =	sld [smem:$0x3FD9]  }
0x89: {  	s3 =	sld [smem:$0x3FFE];
	_ =	sdelay $0x1  }
0x8a: {  	s1 =	srdreg.scid  }
0x8b: {  	s0 =	sand.u32 $0x1, s1  }
0x8c: {  	s17 =	sshll.u32 s0, $0xA;
	s2 =	sadd.s32 s3, s2  }
0x8d: {  	s2 =	sadd.s32 s2, s17  }
0x8e: {  	[smem:$0x3FC6] =	sst s2  }
0x8f: {  	_ = 	snop  }
0x90: {  	s2 =	sld [smem:$0x3FD0];
	(tm) =	ssettm $0x1  }
0x91: {  	s18 =	sld [smem:$0x3FFB];
	_ =	sdelay $0x3  }
0x92: {  	_ =	strace s18  }
0x93: {  	s3 =	sld [smem:$0x3FFC];
	_ =	sdelay $0x3  }
0x94: {  	_ =	strace s3  }
0x95: {  	s3 =	sld [smem:$0x3FFD];
	_ =	sdelay $0x3  }
0x96: {  	_ =	strace s3  }
0x97: {  	_ =	strace $0x8FFFFFFF  }
0x98: {  	s19 =	sld [smem:$0x3FDB];
	_ =	sdelay $0x1  }
0x99: {  	s4 =	simm.s32 $_scs_section_size  }
0x9a: {  	s5 =	simm.s32 $_size__tile_overlayer_lowered;
	s6 =	simm.s32 $_tile_overlayer_lowered  }
0x9b: {  	s22 =	simm.s32 $0x1BFF;
	s21 =	sshll.u32 s6, $0x1;
	s3 =	sadd.s32 s4, s19  }
0x9c: {  	s7 =	simm.s32 $0x0;
	s20 =	sshll.u32 s5, $0x1;
	s5 =	sadd.s32 s21, s3  }
0x9d: {  	[timem:s7], [sflag:s22] =	dma.local [hbm:s5], s20  }
0x9e: {  	_ =	swait.ge [sflag:s22], s20  }
0x9f: {  	s4 =	ssub.s32 $0x0, s20;
	[sflag:s22] =	ssyncset.done $0x0  }
0xa0: {  	[sflag:s22] =	ssyncadd.s32 s4;
	_ =	sdelay $0x1  }
0xa1: {  	s23 =	simm.s32 $0x1B8B  }
0xa2: {  	_ =	swait.ge [sflag:s23], $0x1  }
0xa3: {  	[sflag:s23] =	ssyncset.done $0x0  }
0xa4: {  	s25 =	simm.s32 $0x1B8E;
	s24 =	sld [smem:$0x3FFE];
	[sflag:s23] =	ssyncadd.s32 $0xFFFFFFFF  }
0xa5: {  	s26 =	simm.s32 $execute0_lowered;
	[smem:$0x3FD2] =	sst s25  }
0xa6: {  	s5 =	sshll.u32 s26, $0x1;
	_ =	strace $0x80000046;
	[dreg:$0x1] =	wrdreg $0xFFFFFFFF  }
0xa7: {  	s28 =	simm.s32 $_size_execute0_lowered;
	s3 =	sadd.s32 s3, s5;
	[dreg:$0x0] =	wrdreg $0x0  }
0xa8: {  	s5 =	sshll.u32 s28, $0x1;
	[dreg:$0x2] =	wrdreg s3  }
0xa9: {  	[dreg:$0x3] =	wrdreg s5  }
0xaa: {  	[dreg:$0x4] =	wrdreg $0xC0  }
0xab: {  	_ =	task [dreg:s7], $0x5FFFF  }
0xac: {  	[dreg:$0x1] =	wrdreg $0xFFFFFFFF  }
0xad: {  	[dreg:$0x0] =	wrdreg $0x60  }
0xae: {  	[dreg:$0x2] =	wrdreg s24  }
0xaf: {  	[dreg:$0x3] =	wrdreg s2  }
0xb0: {  	[dreg:$0x4] =	wrdreg $0x0  }
0xb1: {  	[dreg:$0x5] =	wrdreg $0x9C400  }
0xb2: {  	[dreg:$0x6] =	wrdreg $0x9  }
0xb3: {  	_ =	task.clear_ibuf [dreg:s7], $0x7FFFF;
	_ =	strace $0x90000046  }
0xb4: {  	s29 =	simm.s32 $0x9;
	_ =	strace $0x80000048  }
0xb5: {  	_ =	swait.ge [sflag:s29], $0x1  }
0xb6: {  	[sflag:s29] =	ssyncadd.s32 $0xFFFFFFFF  }
0xb7: {  	_ =	strace $0x90000048  }
0xb8: {  	_ =	sfence  }
0xb9: {  	s30 =	sld [smem:$0x0];
	_ =	sdelay $0x2  }
0xba: {  	s31 =	sshll.u32 s1, $0xD;
	s1 =	sshrl.u32 s1, $0x2  }
0xbb: {  	s3 =	sand.u32 $0x4000, s31;
	s1 =	sadd.s32 s1, s30  }
0xbc: {  	s0 =	sor.u32 s3, s0;
	s1 =	sshll.u32 s1, $0x11  }
0xbd: {  	s0 =	sor.u32 s1, s0  }
0xbe: {  	s0 =	sadd.s32 $0x8F2B, s0  }
0xbf: {  	[sflag:s0] =	ssyncadd.remote.s32 $0x1  }
0xc0: {  	_ =	sfence.sel $0xFFFF  }
0xc1: {  	[dreg:$0x0] =	wrdreg $0xFFFFFFFF;
	(pc) =	sbr.abs _section_cstart, $3  }
0xc2: {  	[dreg:$0x1] =	wrdreg $0xFFFFFFFF  }
0xc3: {  	_ =	task.clear_ibuf [dreg:s7], $0x2FFFF;
	_ =	strace $0x9FFFFFFF  }
0xc4: {  	(tm) =	ssettm $0x7FFFFFFF  }
0xc5: {  	_ =	shalt  }
tec
execute0_lowered:
.L_overlay_start_1:
0x0: {  	(tag) =	ssettag $0x1  }
0x1: {  	s0 =	rddreg [dreg:$0x0]  }
0x2: {  	s2 =	rddreg [dreg:$0x1]  }
0x3: {  	s1 =	rddreg [dreg:$0x2]  }
0x4: {  	s3 =	rddreg [dreg:$0x3];
	s28 =	simm.s32 $0x0  }
0x5: {  	s10 =	stileid.u32;
	s5 =	srdreg.scid;
	s21 =	simm.s32 $0xC3B8  }
0x6: {  	s22 =	simm.s32 $0xC420;
	s23 =	simm.s32 $0xC488;
	s25 =	simm.s32 $0xC4F0  }
0x7: {  	s26 =	simm.s32 $0xC558;
	[smem:$0x7FF] =	sst s28;
	s8 =	sadd.s32 $0x3D400, s0  }
0x8: {  	s15 =	sadd.s32 $0x3BA00, s0;
	_ =	strace $0x80000047;
	[dreg:$0x1a] =	wrdreg s8  }
0x9: {  	s11 =	simm.s32 $0xC690;
	s9 =	sadd.s32 $0x3CE00, s0;
	[dreg:$0x1b] =	wrdreg s15  }
0xa: {  	s13 =	simm.s32 $0xC6F8;
	s29 =	simm.s32 $0xC350;
	[dreg:$0x1c] =	wrdreg s9  }
0xb: {  	s31 =	simm.s32 $0xCCA8;
	s4 =	smul.u32 $0xA28, s10;
	[dreg:$0x7] =	wrdreg s21  }
0xc: {  	s30 =	simm.s32 $0xCC40;
	s7 =	smul.u32 $0x27100, s10;
	[dreg:$0x8] =	wrdreg s22  }
0xd: {  	s5 =	sand.u32 $0x1, s5;
	s17 =	smul.u32 $0x271, s10;
	[dreg:$0x9] =	wrdreg s23  }
0xe: {  	s19 =	sshll.u32 s10, $0x6;
	s20 =	smul.u32 $0x9C40, s10;
	[dreg:$0xa] =	wrdreg s25  }
0xf: {  	s6 =	ssub.s32 $0x2, s5;
	s9 =	sor.u32 $0x1C03, s19;
	[dreg:$0xb] =	wrdreg s26  }
0x10: {  	s24 =	smul.u32 $0x13880, s5;
	s5 =	sshll.u32 s5, $0x3;
	[dreg:$0xe] =	wrdreg s11  }
0x11: {  	[dreg:$0xf] =	wrdreg s13;
	s15 =	simm.s32 $0xC760;
	s19 =	simm.s32 $0xC898  }
0x12: {  	s21 =	simm.s32 $0xC968;
	s22 =	simm.s32 $0xC9D0;
	[dreg:$0x1d] =	wrdreg s17  }
0x13: {  	s23 =	simm.s32 $0xCA38;
	s25 =	simm.s32 $0xCB08;
	[dreg:$0x1e] =	wrdreg s9  }
0x14: {  	s26 =	simm.s32 $0xCBD8;
	s13 =	simm.s32 $0xCF80;
	[dreg:$0x10] =	wrdreg s15  }
0x15: {  	s11 =	simm.s32 $0xD120;
	s4 =	sadd.s32 s4, s0;
	[dreg:$0x13] =	wrdreg s19  }
0x16: {  	s16 =	sshrl.u32 s6, $0x1;
	s7 =	sshrl.u32 s7, $0x2;
	[dreg:$0x15] =	wrdreg s21  }
0x17: {  	s8 =	sshrl.u32 s20, $0x2;
	s9 =	simm.s32 $0xC628;
	[dreg:$0x16] =	wrdreg s22  }
0x18: {  	s2 =	sadd.s32 s2, s5;
	s20 =	simm.s32 $0xC900;
	[dreg:$0x17] =	wrdreg s23  }
0x19: {  	s19 =	simm.s32 $0x64;
	s21 =	simm.s32 $0x1;
	[dreg:$0x19] =	wrdreg s25  }
0x1a: {  	s22 =	simm.s32 $0xEC90;
	s23 =	simm.s32 $0x2;
	[dreg:$0x1f] =	wrdreg s2  }
0x1b: {  	s15 =	simm.s32 $0xCFE8;
	s6 =	ssub.s32 s6, s16;
	[dreg:$0xd] =	wrdreg s9  }
0x1c: {  	s7 =	sadd.s32 s7, s1;
	s18 =	sadd.s32 $0x31600, s4;
	[dreg:$0x14] =	wrdreg s20  }
0x1d: {  	s4 =	sadd.s32 $0x27200, s4;
	s8 =	sadd.s32 s8, s3;
	[dreg:$0x5] =	wrdreg s18  }
0x1e: {  	s10 =	sadd.s32 s0, s24;
	s16 =	simm.s32 $0xC7C8;
	[dreg:$0x6] =	wrdreg s4  }
0x1f: {  	s20 =	simm.s32 $0xD390;
	s24 =	simm.s32 $0xCAA0;
	[dreg:$0x11] =	wrdreg s16  }
0x20: {  	s0 =	simm.s32 $0x0;
	s4 =	simm.s32 $0xC5C0;
	[dreg:$0x18] =	wrdreg s24  }
0x21: {  	s9 =	simm.s32 $0xD050;
	s12 =	smax.u32 s6, $0x1;
	[dreg:$0xc] =	wrdreg s4  }
0x22: {  	s14 =	sshrl.u32 s7, $0x3;
	s17 =	sshrl.u32 s8, $0x3;
	[smem:$0x7FB] =	sst s12  }
0x23: {  	s18 =	simm.s32 $0xC830;
	s16 =	simm.s32 $0x10590;
	[smem:$0x7FC] =	sst s14  }
0x24: {  	s8 =	simm.s32 $0xD0B8;
	s14 =	simm.s32 $0x3;
	[smem:$0x7FD] =	sst s17  }
0x25: {  	[dreg:$0x12] =	wrdreg s18;
	s18 =	simm.s32 $0xCB70;
	s12 =	simm.s32 $0xCF18  }
.LBB2_1:
0x26: {  	[smem:$0x7FA] =	sst s0  }
0x27: {  	s25 =	sld [smem:$0x7FC]  }
0x28: {  	s17 =	rddreg [dreg:$0x1b]  }
0x29: {  	s24 =	rddreg [dreg:$0x1e]  }
0x2a: {  	[spmem:s25], [sflag:s24] =	dma.local [hbm:s17], $0x1388  }
0x2b: {  	_ =	swait.ge [sflag:s14], $0x1388  }
0x2c: {  	s7 =	sld [smem:$0x7FD]  }
0x2d: {  	[sflag:s14] =	ssyncset.done $0x0  }
0x2e: {  	s6 =	rddreg [dreg:$0x1c];
	[sflag:s14] =	ssyncadd.s32 $0xFFFFEC78  }
0x2f: {  	[spmem:s7], [sflag:s24] =	dma.local [hbm:s6], $0x4E2  }
0x30: {  	_ =	swait.ge [sflag:s14], $0x4E2  }
0x31: {  	[sflag:s14] =	ssyncset.done $0x0  }
0x32: {  	s0 =	rddreg [dreg:$0x1a];
	[sflag:s14] =	ssyncadd.s32 $0xFFFFFB1E  }
0x33: {  	[tilespmem:s16], [sflag:$0x3] =	stream.linear.gather [hbm4b:s0+s28], $0x640, $0x38;
	[tilespmem:$0x17160] =	vst v63  }
0x34: {  	_ =	swait.ge [sflag:s14], $0x640  }
0x35: {  	[sflag:s14] =	ssyncset.done $0x0  }
0x36: {  	[sflag:s14] =	ssyncadd.s32 $0xFFFFF9C0  }
0x37: {  	[bflag:$0x0] =	sbarrier.arrive $0xFFFF  }
0x38: {  	s2 =	rddreg [dreg:$0x5]  }
0x39: {  	s17 =	sadd.s32 $0x0, s2  }
0x3a: {  	[tilespmem:s29], [sflag:$0x3] =	stream.linear.gather [hbm4b:s17+s28], $0x820, $0x38;
	[tilespmem:$0x17160] =	vst v63  }
0x3b: {  	_ =	swait.ge [sflag:s14], $0x820  }
0x3c: {  	s4 =	rddreg [dreg:$0x6];
	[sflag:s14] =	ssyncset.done $0x0  }
0x3d: {  	[sflag:s14] =	ssyncadd.s32 $0xFFFFF7E0;
	s17 =	sadd.s32 $0x0, s4  }
0x3e: {  	[tilespmem:s18], [sflag:$0x3] =	stream.linear.gather [hbm4b:s17+s28], $0x820, $0x38;
	[tilespmem:$0x17160] =	vst v63  }
0x3f: {  	_ =	swait.ge [sflag:s14], $0x820  }
0x40: {  	[sflag:s14] =	ssyncset.done $0x0  }
0x41: {  	[sflag:s14] =	ssyncadd.s32 $0xFFFFF7E0  }
0x42: {  	[tilespmem:s20], [sflag:$0x1] =	stream.indirect.gather [hbm4b:s10+s19], $0x40, s29, s19, $0xb8;
	[tilespmem:$0x17160] =	vst v63  }
0x43: {  	_ =	swait.ge [sflag:s21], $0x1900  }
0x44: {  	[sflag:s21] =	ssyncset.done $0x0  }
0x45: {  	s5 =	rddreg [dreg:$0x7];
	[sflag:s21] =	ssyncadd.s32 $0xFFFFE700  }
0x46: {  	[tilespmem:s22], [sflag:$0x2] =	stream.indirect.gather [hbm4b:s10+s19], $0x40, s5, s19, $0xb8;
	[tilespmem:$0x17160] =	vst v63  }
0x47: {  	_ = 	snop  }
0x48: {  	[spmem:s1] =	stream.indirect.scatter.add.f32 [tilespmem:s20], [sflag:$0x3], $0x40, s18, s19, $0xb8;
	[tilespmem:$0x17160] =	vst v63  }
0x49: {  	_ =	swait.ge [sflag:s14], $0x1900  }
0x4a: {  	[sflag:s14] =	ssyncset.done $0x0  }
0x4b: {  	[sflag:s14] =	ssyncadd.s32 $0xFFFFE700  }
0x4c: {  	[spmem:s3] =	stream.indirect.scatter.add.f32 [tilespmem:s16], [sflag:$0x3], $0x10, s18, s19, $0xb8;
	[tilespmem:$0x17160] =	vst v63  }
0x4d: {  	_ =	swait.ge [sflag:s14], $0x640  }
0x4e: {  	[sflag:s14] =	ssyncset.done $0x0  }
0x4f: {  	[sflag:s14] =	ssyncadd.s32 $0xFFFFF9C0  }
0x50: {  	_ =	swait.ge [sflag:s23], $0x1900  }
0x51: {  	[sflag:s23] =	ssyncset.done $0x0  }
0x52: {  	s6 =	rddreg [dreg:$0x8];
	[sflag:s23] =	ssyncadd.s32 $0xFFFFE700  }
0x53: {  	[tilespmem:s20], [sflag:$0x1] =	stream.indirect.gather [hbm4b:s10+s19], $0x40, s6, s19, $0xb8;
	[tilespmem:$0x17160] =	vst v63  }
0x54: {  	_ = 	snop  }
0x55: {  	[spmem:s1] =	stream.indirect.scatter.add.f32 [tilespmem:s22], [sflag:$0x3], $0x40, s26, s19, $0xb8;
	[tilespmem:$0x17160] =	vst v63  }
0x56: {  	_ =	swait.ge [sflag:s14], $0x1900  }
0x57: {  	[sflag:s14] =	ssyncset.done $0x0  }
0x58: {  	[sflag:s14] =	ssyncadd.s32 $0xFFFFE700  }
0x59: {  	[spmem:s3] =	stream.indirect.scatter.add.f32 [tilespmem:s16], [sflag:$0x3], $0x10, s26, s19, $0xb8;
	[tilespmem:$0x17160] =	vst v63  }
0x5a: {  	_ =	swait.ge [sflag:s14], $0x640  }
0x5b: {  	[sflag:s14] =	ssyncset.done $0x0  }
0x5c: {  	[sflag:s14] =	ssyncadd.s32 $0xFFFFF9C0  }
0x5d: {  	_ =	swait.ge [sflag:s21], $0x1900  }
0x5e: {  	[sflag:s21] =	ssyncset.done $0x0  }
0x5f: {  	s7 =	rddreg [dreg:$0x9];
	[sflag:s21] =	ssyncadd.s32 $0xFFFFE700  }
0x60: {  	[tilespmem:s22], [sflag:$0x2] =	stream.indirect.gather [hbm4b:s10+s19], $0x40, s7, s19, $0xb8;
	[tilespmem:$0x17160] =	vst v63  }
0x61: {  	_ = 	snop  }
0x62: {  	[spmem:s1] =	stream.indirect.scatter.add.f32 [tilespmem:s20], [sflag:$0x3], $0x40, s30, s19, $0xb8;
	[tilespmem:$0x17160] =	vst v63  }
0x63: {  	_ =	swait.ge [sflag:s14], $0x1900  }
0x64: {  	[sflag:s14] =	ssyncset.done $0x0  }
0x65: {  	[sflag:s14] =	ssyncadd.s32 $0xFFFFE700  }
0x66: {  	[spmem:s3] =	stream.indirect.scatter.add.f32 [tilespmem:s16], [sflag:$0x3], $0x10, s30, s19, $0xb8;
	[tilespmem:$0x17160] =	vst v63  }
0x67: {  	_ =	swait.ge [sflag:s14], $0x640  }
0x68: {  	[sflag:s14] =	ssyncset.done $0x0  }
0x69: {  	[sflag:s14] =	ssyncadd.s32 $0xFFFFF9C0  }
0x6a: {  	_ =	swait.ge [sflag:s23], $0x1900  }
0x6b: {  	[sflag:s23] =	ssyncset.done $0x0  }
0x6c: {  	s17 =	rddreg [dreg:$0xa];
	[sflag:s23] =	ssyncadd.s32 $0xFFFFE700  }
0x6d: {  	[tilespmem:s20], [sflag:$0x1] =	stream.indirect.gather [hbm4b:s10+s19], $0x40, s17, s19, $0xb8;
	[tilespmem:$0x17160] =	vst v63  }
0x6e: {  	_ = 	snop  }
0x6f: {  	[spmem:s1] =	stream.indirect.scatter.add.f32 [tilespmem:s22], [sflag:$0x3], $0x40, s31, s19, $0xb8;
	[tilespmem:$0x17160] =	vst v63  }
0x70: {  	_ =	swait.ge [sflag:s14], $0x1900  }
0x71: {  	[sflag:s14] =	ssyncset.done $0x0  }
0x72: {  	[sflag:s14] =	ssyncadd.s32 $0xFFFFE700  }
0x73: {  	[spmem:s3] =	stream.indirect.scatter.add.f32 [tilespmem:s16], [sflag:$0x3], $0x10, s31, s19, $0xb8;
	[tilespmem:$0x17160] =	vst v63  }
0x74: {  	_ =	swait.ge [sflag:s14], $0x640  }
0x75: {  	[sflag:s14] =	ssyncset.done $0x0  }
0x76: {  	[sflag:s14] =	ssyncadd.s32 $0xFFFFF9C0  }
0x77: {  	_ =	swait.ge [sflag:s21], $0x1900  }
0x78: {  	[sflag:s21] =	ssyncset.done $0x0  }
0x79: {  	s17 =	rddreg [dreg:$0xb];
	[sflag:s21] =	ssyncadd.s32 $0xFFFFE700  }
0x7a: {  	[tilespmem:s22], [sflag:$0x2] =	stream.indirect.gather [hbm4b:s10+s19], $0x40, s17, s19, $0xb8;
	[tilespmem:$0x17160] =	vst v63  }
0x7b: {  	s0 =	simm.s32 $0xCD10  }
0x7c: {  	[spmem:s1] =	stream.indirect.scatter.add.f32 [tilespmem:s20], [sflag:$0x3], $0x40, s0, s19, $0xb8;
	[tilespmem:$0x17160] =	vst v63  }
0x7d: {  	_ =	swait.ge [sflag:s14], $0x1900  }
0x7e: {  	[sflag:s14] =	ssyncset.done $0x0  }
0x7f: {  	[sflag:s14] =	ssyncadd.s32 $0xFFFFE700  }
0x80: {  	[spmem:s3] =	stream.indirect.scatter.add.f32 [tilespmem:s16], [sflag:$0x3], $0x10, s0, s19, $0xb8;
	[tilespmem:$0x17160] =	vst v63  }
0x81: {  	_ =	swait.ge [sflag:s14], $0x640  }
0x82: {  	[sflag:s14] =	ssyncset.done $0x0  }
0x83: {  	[sflag:s14] =	ssyncadd.s32 $0xFFFFF9C0  }
0x84: {  	_ =	swait.ge [sflag:s23], $0x1900  }
0x85: {  	[sflag:s23] =	ssyncset.done $0x0  }
0x86: {  	s17 =	rddreg [dreg:$0xc];
	[sflag:s23] =	ssyncadd.s32 $0xFFFFE700  }
0x87: {  	[tilespmem:s20], [sflag:$0x1] =	stream.indirect.gather [hbm4b:s10+s19], $0x40, s17, s19, $0xb8;
	[tilespmem:$0x17160] =	vst v63  }
0x88: {  	s2 =	simm.s32 $0xCD78  }
0x89: {  	[spmem:s1] =	stream.indirect.scatter.add.f32 [tilespmem:s22], [sflag:$0x3], $0x40, s2, s19, $0xb8;
	[tilespmem:$0x17160] =	vst v63  }
0x8a: {  	_ =	swait.ge [sflag:s14], $0x1900  }
0x8b: {  	[sflag:s14] =	ssyncset.done $0x0  }
0x8c: {  	[sflag:s14] =	ssyncadd.s32 $0xFFFFE700  }
0x8d: {  	[spmem:s3] =	stream.indirect.scatter.add.f32 [tilespmem:s16], [sflag:$0x3], $0x10, s2, s19, $0xb8;
	[tilespmem:$0x17160] =	vst v63  }
0x8e: {  	_ =	swait.ge [sflag:s14], $0x640  }
0x8f: {  	[sflag:s14] =	ssyncset.done $0x0  }
0x90: {  	[sflag:s14] =	ssyncadd.s32 $0xFFFFF9C0  }
0x91: {  	_ =	swait.ge [sflag:s21], $0x1900  }
0x92: {  	[sflag:s21] =	ssyncset.done $0x0  }
0x93: {  	s17 =	rddreg [dreg:$0xd];
	[sflag:s21] =	ssyncadd.s32 $0xFFFFE700  }
0x94: {  	[tilespmem:s22], [sflag:$0x2] =	stream.indirect.gather [hbm4b:s10+s19], $0x40, s17, s19, $0xb8;
	[tilespmem:$0x17160] =	vst v63  }
0x95: {  	s5 =	simm.s32 $0xCDE0  }
0x96: {  	[spmem:s1] =	stream.indirect.scatter.add.f32 [tilespmem:s20], [sflag:$0x3], $0x40, s5, s19, $0xb8;
	[tilespmem:$0x17160] =	vst v63  }
0x97: {  	_ =	swait.ge [sflag:s14], $0x1900  }
0x98: {  	[sflag:s14] =	ssyncset.done $0x0  }
0x99: {  	[sflag:s14] =	ssyncadd.s32 $0xFFFFE700  }
0x9a: {  	[spmem:s3] =	stream.indirect.scatter.add.f32 [tilespmem:s16], [sflag:$0x3], $0x10, s5, s19, $0xb8;
	[tilespmem:$0x17160] =	vst v63  }
0x9b: {  	_ =	swait.ge [sflag:s14], $0x640  }
0x9c: {  	[sflag:s14] =	ssyncset.done $0x0  }
0x9d: {  	[sflag:s14] =	ssyncadd.s32 $0xFFFFF9C0  }
0x9e: {  	_ =	swait.ge [sflag:s23], $0x1900  }
0x9f: {  	[sflag:s23] =	ssyncset.done $0x0  }
0xa0: {  	s17 =	rddreg [dreg:$0xe];
	[sflag:s23] =	ssyncadd.s32 $0xFFFFE700  }
0xa1: {  	[tilespmem:s20], [sflag:$0x1] =	stream.indirect.gather [hbm4b:s10+s19], $0x40, s17, s19, $0xb8;
	[tilespmem:$0x17160] =	vst v63  }
0xa2: {  	s6 =	simm.s32 $0xCE48  }
0xa3: {  	[spmem:s1] =	stream.indirect.scatter.add.f32 [tilespmem:s22], [sflag:$0x3], $0x40, s6, s19, $0xb8;
	[tilespmem:$0x17160] =	vst v63  }
0xa4: {  	_ =	swait.ge [sflag:s14], $0x1900  }
0xa5: {  	[sflag:s14] =	ssyncset.done $0x0  }
0xa6: {  	[sflag:s14] =	ssyncadd.s32 $0xFFFFE700  }
0xa7: {  	[spmem:s3] =	stream.indirect.scatter.add.f32 [tilespmem:s16], [sflag:$0x3], $0x10, s6, s19, $0xb8;
	[tilespmem:$0x17160] =	vst v63  }
0xa8: {  	_ =	swait.ge [sflag:s14], $0x640  }
0xa9: {  	[sflag:s14] =	ssyncset.done $0x0  }
0xaa: {  	[sflag:s14] =	ssyncadd.s32 $0xFFFFF9C0  }
0xab: {  	_ =	swait.ge [sflag:s21], $0x1900  }
0xac: {  	[sflag:s21] =	ssyncset.done $0x0  }
0xad: {  	s17 =	rddreg [dreg:$0xf];
	[sflag:s21] =	ssyncadd.s32 $0xFFFFE700  }
0xae: {  	[tilespmem:s22], [sflag:$0x2] =	stream.indirect.gather [hbm4b:s10+s19], $0x40, s17, s19, $0xb8;
	[tilespmem:$0x17160] =	vst v63  }
0xaf: {  	s7 =	simm.s32 $0xCEB0  }
0xb0: {  	[spmem:s1] =	stream.indirect.scatter.add.f32 [tilespmem:s20], [sflag:$0x3], $0x40, s7, s19, $0xb8;
	[tilespmem:$0x17160] =	vst v63  }
0xb1: {  	_ =	swait.ge [sflag:s14], $0x1900  }
0xb2: {  	[sflag:s14] =	ssyncset.done $0x0  }
0xb3: {  	[sflag:s14] =	ssyncadd.s32 $0xFFFFE700  }
0xb4: {  	[spmem:s3] =	stream.indirect.scatter.add.f32 [tilespmem:s16], [sflag:$0x3], $0x10, s7, s19, $0xb8;
	[tilespmem:$0x17160] =	vst v63  }
0xb5: {  	_ =	swait.ge [sflag:s14], $0x640  }
0xb6: {  	[sflag:s14] =	ssyncset.done $0x0  }
0xb7: {  	[sflag:s14] =	ssyncadd.s32 $0xFFFFF9C0  }
0xb8: {  	_ =	swait.ge [sflag:s23], $0x1900  }
0xb9: {  	[sflag:s23] =	ssyncset.done $0x0  }
0xba: {  	s17 =	rddreg [dreg:$0x10];
	[sflag:s23] =	ssyncadd.s32 $0xFFFFE700  }
0xbb: {  	[tilespmem:s20], [sflag:$0x1] =	stream.indirect.gather [hbm4b:s10+s19], $0x40, s17, s19, $0xb8;
	[tilespmem:$0x17160] =	vst v63  }
0xbc: {  	_ = 	snop  }
0xbd: {  	[spmem:s1] =	stream.indirect.scatter.add.f32 [tilespmem:s22], [sflag:$0x3], $0x40, s12, s19, $0xb8;
	[tilespmem:$0x17160] =	vst v63  }
0xbe: {  	_ =	swait.ge [sflag:s14], $0x1900  }
0xbf: {  	[sflag:s14] =	ssyncset.done $0x0  }
0xc0: {  	[sflag:s14] =	ssyncadd.s32 $0xFFFFE700  }
0xc1: {  	[spmem:s3] =	stream.indirect.scatter.add.f32 [tilespmem:s16], [sflag:$0x3], $0x10, s12, s19, $0xb8;
	[tilespmem:$0x17160] =	vst v63  }
0xc2: {  	_ =	swait.ge [sflag:s14], $0x640  }
0xc3: {  	[sflag:s14] =	ssyncset.done $0x0  }
0xc4: {  	[sflag:s14] =	ssyncadd.s32 $0xFFFFF9C0  }
0xc5: {  	_ =	swait.ge [sflag:s21], $0x1900  }
0xc6: {  	[sflag:s21] =	ssyncset.done $0x0  }
0xc7: {  	s17 =	rddreg [dreg:$0x11];
	[sflag:s21] =	ssyncadd.s32 $0xFFFFE700  }
0xc8: {  	[tilespmem:s22], [sflag:$0x2] =	stream.indirect.gather [hbm4b:s10+s19], $0x40, s17, s19, $0xb8;
	[tilespmem:$0x17160] =	vst v63  }
0xc9: {  	_ = 	snop  }
0xca: {  	[spmem:s1] =	stream.indirect.scatter.add.f32 [tilespmem:s20], [sflag:$0x3], $0x40, s13, s19, $0xb8;
	[tilespmem:$0x17160] =	vst v63  }
0xcb: {  	_ =	swait.ge [sflag:s14], $0x1900  }
0xcc: {  	[sflag:s14] =	ssyncset.done $0x0  }
0xcd: {  	[sflag:s14] =	ssyncadd.s32 $0xFFFFE700  }
0xce: {  	[spmem:s3] =	stream.indirect.scatter.add.f32 [tilespmem:s16], [sflag:$0x3], $0x10, s13, s19, $0xb8;
	[tilespmem:$0x17160] =	vst v63  }
0xcf: {  	_ =	swait.ge [sflag:s14], $0x640  }
0xd0: {  	[sflag:s14] =	ssyncset.done $0x0  }
0xd1: {  	[sflag:s14] =	ssyncadd.s32 $0xFFFFF9C0  }
0xd2: {  	_ =	swait.ge [sflag:s23], $0x1900  }
0xd3: {  	[sflag:s23] =	ssyncset.done $0x0  }
0xd4: {  	s17 =	rddreg [dreg:$0x12];
	[sflag:s23] =	ssyncadd.s32 $0xFFFFE700  }
0xd5: {  	[tilespmem:s20], [sflag:$0x1] =	stream.indirect.gather [hbm4b:s10+s19], $0x40, s17, s19, $0xb8;
	[tilespmem:$0x17160] =	vst v63  }
0xd6: {  	_ = 	snop  }
0xd7: {  	[spmem:s1] =	stream.indirect.scatter.add.f32 [tilespmem:s22], [sflag:$0x3], $0x40, s15, s19, $0xb8;
	[tilespmem:$0x17160] =	vst v63  }
0xd8: {  	_ =	swait.ge [sflag:s14], $0x1900  }
0xd9: {  	[sflag:s14] =	ssyncset.done $0x0  }
0xda: {  	[sflag:s14] =	ssyncadd.s32 $0xFFFFE700  }
0xdb: {  	[spmem:s3] =	stream.indirect.scatter.add.f32 [tilespmem:s16], [sflag:$0x3], $0x10, s15, s19, $0xb8;
	[tilespmem:$0x17160] =	vst v63  }
0xdc: {  	_ =	swait.ge [sflag:s14], $0x640  }
0xdd: {  	[sflag:s14] =	ssyncset.done $0x0  }
0xde: {  	[sflag:s14] =	ssyncadd.s32 $0xFFFFF9C0  }
0xdf: {  	_ =	swait.ge [sflag:s21], $0x1900  }
0xe0: {  	[sflag:s21] =	ssyncset.done $0x0  }
0xe1: {  	s17 =	rddreg [dreg:$0x13];
	[sflag:s21] =	ssyncadd.s32 $0xFFFFE700  }
0xe2: {  	[tilespmem:s22], [sflag:$0x2] =	stream.indirect.gather [hbm4b:s10+s19], $0x40, s17, s19, $0xb8;
	[tilespmem:$0x17160] =	vst v63  }
0xe3: {  	_ = 	snop  }
0xe4: {  	[spmem:s1] =	stream.indirect.scatter.add.f32 [tilespmem:s20], [sflag:$0x3], $0x40, s9, s19, $0xb8;
	[tilespmem:$0x17160] =	vst v63  }
0xe5: {  	_ =	swait.ge [sflag:s14], $0x1900  }
0xe6: {  	[sflag:s14] =	ssyncset.done $0x0  }
0xe7: {  	[sflag:s14] =	ssyncadd.s32 $0xFFFFE700  }
0xe8: {  	[spmem:s3] =	stream.indirect.scatter.add.f32 [tilespmem:s16], [sflag:$0x3], $0x10, s9, s19, $0xb8;
	[tilespmem:$0x17160] =	vst v63  }
0xe9: {  	_ =	swait.ge [sflag:s14], $0x640  }
0xea: {  	[sflag:s14] =	ssyncset.done $0x0  }
0xeb: {  	[sflag:s14] =	ssyncadd.s32 $0xFFFFF9C0  }
0xec: {  	_ =	swait.ge [sflag:s23], $0x1900  }
0xed: {  	[sflag:s23] =	ssyncset.done $0x0  }
0xee: {  	s17 =	rddreg [dreg:$0x14];
	[sflag:s23] =	ssyncadd.s32 $0xFFFFE700  }
0xef: {  	[tilespmem:s20], [sflag:$0x1] =	stream.indirect.gather [hbm4b:s10+s19], $0x40, s17, s19, $0xb8;
	[tilespmem:$0x17160] =	vst v63  }
0xf0: {  	_ = 	snop  }
0xf1: {  	[spmem:s1] =	stream.indirect.scatter.add.f32 [tilespmem:s22], [sflag:$0x3], $0x40, s8, s19, $0xb8;
	[tilespmem:$0x17160] =	vst v63  }
0xf2: {  	_ =	swait.ge [sflag:s14], $0x1900  }
0xf3: {  	[sflag:s14] =	ssyncset.done $0x0  }
0xf4: {  	[sflag:s14] =	ssyncadd.s32 $0xFFFFE700  }
0xf5: {  	[spmem:s3] =	stream.indirect.scatter.add.f32 [tilespmem:s16], [sflag:$0x3], $0x10, s8, s19, $0xb8;
	[tilespmem:$0x17160] =	vst v63  }
0xf6: {  	_ =	swait.ge [sflag:s14], $0x640  }
0xf7: {  	[sflag:s14] =	ssyncset.done $0x0  }
0xf8: {  	[sflag:s14] =	ssyncadd.s32 $0xFFFFF9C0  }
0xf9: {  	_ =	swait.ge [sflag:s21], $0x1900  }
0xfa: {  	[sflag:s21] =	ssyncset.done $0x0  }
0xfb: {  	s17 =	rddreg [dreg:$0x15];
	[sflag:s21] =	ssyncadd.s32 $0xFFFFE700  }
0xfc: {  	[tilespmem:s22], [sflag:$0x2] =	stream.indirect.gather [hbm4b:s10+s19], $0x40, s17, s19, $0xb8;
	[tilespmem:$0x17160] =	vst v63  }
0xfd: {  	_ = 	snop  }
0xfe: {  	[spmem:s1] =	stream.indirect.scatter.add.f32 [tilespmem:s20], [sflag:$0x3], $0x40, s11, s19, $0xb8;
	[tilespmem:$0x17160] =	vst v63  }
0xff: {  	_ =	swait.ge [sflag:s14], $0x1900  }
0x100: {  	[sflag:s14] =	ssyncset.done $0x0  }
0x101: {  	[sflag:s14] =	ssyncadd.s32 $0xFFFFE700  }
0x102: {  	[spmem:s3] =	stream.indirect.scatter.add.f32 [tilespmem:s16], [sflag:$0x3], $0x10, s11, s19, $0xb8;
	[tilespmem:$0x17160] =	vst v63  }
0x103: {  	_ =	swait.ge [sflag:s14], $0x640  }
0x104: {  	[sflag:s14] =	ssyncset.done $0x0  }
0x105: {  	[sflag:s14] =	ssyncadd.s32 $0xFFFFF9C0  }
0x106: {  	_ =	swait.ge [sflag:s23], $0x1900  }
0x107: {  	[sflag:s23] =	ssyncset.done $0x0  }
0x108: {  	s17 =	rddreg [dreg:$0x16];
	[sflag:s23] =	ssyncadd.s32 $0xFFFFE700  }
0x109: {  	[tilespmem:s20], [sflag:$0x1] =	stream.indirect.gather [hbm4b:s10+s19], $0x40, s17, s19, $0xb8;
	[tilespmem:$0x17160] =	vst v63  }
0x10a: {  	s4 =	simm.s32 $0xD188  }
0x10b: {  	[spmem:s1] =	stream.indirect.scatter.add.f32 [tilespmem:s22], [sflag:$0x3], $0x40, s4, s19, $0xb8;
	[tilespmem:$0x17160] =	vst v63  }
0x10c: {  	_ =	swait.ge [sflag:s14], $0x1900  }
0x10d: {  	[sflag:s14] =	ssyncset.done $0x0  }
0x10e: {  	[sflag:s14] =	ssyncadd.s32 $0xFFFFE700  }
0x10f: {  	[spmem:s3] =	stream.indirect.scatter.add.f32 [tilespmem:s16], [sflag:$0x3], $0x10, s4, s19, $0xb8;
	[tilespmem:$0x17160] =	vst v63  }
0x110: {  	_ =	swait.ge [sflag:s14], $0x640  }
0x111: {  	[sflag:s14] =	ssyncset.done $0x0  }
0x112: {  	[sflag:s14] =	ssyncadd.s32 $0xFFFFF9C0  }
0x113: {  	_ =	swait.ge [sflag:s21], $0x1900  }
0x114: {  	[sflag:s21] =	ssyncset.done $0x0  }
0x115: {  	s17 =	rddreg [dreg:$0x17];
	[sflag:s21] =	ssyncadd.s32 $0xFFFFE700  }
0x116: {  	[tilespmem:s22], [sflag:$0x2] =	stream.indirect.gather [hbm4b:s10+s19], $0x40, s17, s19, $0xb8;
	[tilespmem:$0x17160] =	vst v63  }
0x117: {  	s24 =	simm.s32 $0xD1F0  }
0x118: {  	[spmem:s1] =	stream.indirect.scatter.add.f32 [tilespmem:s20], [sflag:$0x3], $0x40, s24, s19, $0xb8;
	[tilespmem:$0x17160] =	vst v63  }
0x119: {  	_ =	swait.ge [sflag:s14], $0x1900  }
0x11a: {  	[sflag:s14] =	ssyncset.done $0x0  }
0x11b: {  	[sflag:s14] =	ssyncadd.s32 $0xFFFFE700  }
0x11c: {  	[spmem:s3] =	stream.indirect.scatter.add.f32 [tilespmem:s16], [sflag:$0x3], $0x10, s24, s19, $0xb8;
	[tilespmem:$0x17160] =	vst v63  }
0x11d: {  	_ =	swait.ge [sflag:s14], $0x640  }
0x11e: {  	[sflag:s14] =	ssyncset.done $0x0  }
0x11f: {  	[sflag:s14] =	ssyncadd.s32 $0xFFFFF9C0  }
0x120: {  	_ =	swait.ge [sflag:s23], $0x1900  }
0x121: {  	[sflag:s23] =	ssyncset.done $0x0  }
0x122: {  	s24 =	rddreg [dreg:$0x18];
	[sflag:s23] =	ssyncadd.s32 $0xFFFFE700  }
0x123: {  	[tilespmem:s20], [sflag:$0x1] =	stream.indirect.gather [hbm4b:s10+s19], $0x40, s24, s19, $0xb8;
	[tilespmem:$0x17160] =	vst v63  }
0x124: {  	s26 =	simm.s32 $0xD258  }
0x125: {  	[spmem:s1] =	stream.indirect.scatter.add.f32 [tilespmem:s22], [sflag:$0x3], $0x40, s26, s19, $0xb8;
	[tilespmem:$0x17160] =	vst v63  }
0x126: {  	_ =	swait.ge [sflag:s14], $0x1900  }
0x127: {  	[sflag:s14] =	ssyncset.done $0x0  }
0x128: {  	[sflag:s14] =	ssyncadd.s32 $0xFFFFE700  }
0x129: {  	[spmem:s3] =	stream.indirect.scatter.add.f32 [tilespmem:s16], [sflag:$0x3], $0x10, s26, s19, $0xb8;
	[tilespmem:$0x17160] =	vst v63  }
0x12a: {  	_ =	swait.ge [sflag:s14], $0x640  }
0x12b: {  	[sflag:s14] =	ssyncset.done $0x0  }
0x12c: {  	[sflag:s14] =	ssyncadd.s32 $0xFFFFF9C0  }
0x12d: {  	_ =	swait.ge [sflag:s21], $0x1900  }
0x12e: {  	[sflag:s21] =	ssyncset.done $0x0  }
0x12f: {  	s24 =	rddreg [dreg:$0x19];
	[sflag:s21] =	ssyncadd.s32 $0xFFFFE700  }
0x130: {  	[tilespmem:s22], [sflag:$0x2] =	stream.indirect.gather [hbm4b:s10+s19], $0x40, s24, s19, $0xb8;
	[tilespmem:$0x17160] =	vst v63  }
0x131: {  	s25 =	simm.s32 $0xD2C0  }
0x132: {  	[spmem:s1] =	stream.indirect.scatter.add.f32 [tilespmem:s20], [sflag:$0x3], $0x40, s25, s19, $0xb8;
	[tilespmem:$0x17160] =	vst v63  }
0x133: {  	_ =	swait.ge [sflag:s14], $0x1900  }
0x134: {  	[sflag:s14] =	ssyncset.done $0x0  }
0x135: {  	[sflag:s14] =	ssyncadd.s32 $0xFFFFE700  }
0x136: {  	[spmem:s3] =	stream.indirect.scatter.add.f32 [tilespmem:s16], [sflag:$0x3], $0x10, s25, s19, $0xb8;
	[tilespmem:$0x17160] =	vst v63  }
0x137: {  	_ =	swait.ge [sflag:s14], $0x640  }
0x138: {  	[sflag:s14] =	ssyncset.done $0x0  }
0x139: {  	[sflag:s14] =	ssyncadd.s32 $0xFFFFF9C0  }
0x13a: {  	_ =	swait.ge [sflag:s23], $0x1900  }
0x13b: {  	[sflag:s23] =	ssyncset.done $0x0  }
0x13c: {  	s26 =	simm.s32 $0xD328;
	[sflag:s23] =	ssyncadd.s32 $0xFFFFE700  }
0x13d: {  	[spmem:s1] =	stream.indirect.scatter.add.f32 [tilespmem:s22], [sflag:$0x3], $0x40, s26, s19, $0xb8;
	[tilespmem:$0x17160] =	vst v63  }
0x13e: {  	_ =	swait.ge [sflag:s14], $0x1900  }
0x13f: {  	[sflag:s14] =	ssyncset.done $0x0  }
0x140: {  	[sflag:s14] =	ssyncadd.s32 $0xFFFFE700  }
0x141: {  	[spmem:s3] =	stream.indirect.scatter.add.f32 [tilespmem:s16], [sflag:$0x3], $0x10, s26, s19, $0xb8;
	[tilespmem:$0x17160] =	vst v63  }
0x142: {  	s17 =	simm.s32 $0x104;
	_ =	swait.ge [sflag:s14], $0x640  }
0x143: {  	s24 =	simm.s32 $0x208;
	s25 =	rddreg [dreg:$0x5];
	[sflag:s14] =	ssyncset.done $0x0  }
.LBB2_2:
0x144: {  	[sflag:s14] =	ssyncadd.s32 $0xFFFFF9C0;
	s25 =	sadd.s32 s17, s25  }
0x145: {  	[tilespmem:s29], [sflag:$0x3] =	stream.linear.gather [hbm4b:s25+s28], $0x820, $0x38;
	[tilespmem:$0x17160] =	vst v63  }
0x146: {  	_ =	swait.ge [sflag:s14], $0x820  }
0x147: {  	s25 =	rddreg [dreg:$0x6];
	[sflag:s14] =	ssyncset.done $0x0  }
0x148: {  	[sflag:s14] =	ssyncadd.s32 $0xFFFFF7E0;
	s25 =	sadd.s32 s17, s25  }
0x149: {  	[tilespmem:s18], [sflag:$0x3] =	stream.linear.gather [hbm4b:s25+s28], $0x820, $0x38;
	[tilespmem:$0x17160] =	vst v63  }
0x14a: {  	_ =	swait.ge [sflag:s14], $0x820  }
0x14b: {  	[sflag:s14] =	ssyncset.done $0x0  }
0x14c: {  	[sflag:s14] =	ssyncadd.s32 $0xFFFFF7E0  }
0x14d: {  	[tilespmem:s20], [sflag:$0x1] =	stream.indirect.gather [hbm4b:s10+s19], $0x40, s29, s19, $0xb8;
	[tilespmem:$0x17160] =	vst v63  }
0x14e: {  	_ =	swait.ge [sflag:s21], $0x1900  }
0x14f: {  	[sflag:s21] =	ssyncset.done $0x0  }
0x150: {  	s25 =	rddreg [dreg:$0x7];
	[sflag:s21] =	ssyncadd.s32 $0xFFFFE700  }
0x151: {  	[tilespmem:s22], [sflag:$0x2] =	stream.indirect.gather [hbm4b:s10+s19], $0x40, s25, s19, $0xb8;
	[tilespmem:$0x17160] =	vst v63  }
0x152: {  	_ = 	snop  }
0x153: {  	[spmem:s1] =	stream.indirect.scatter.add.f32 [tilespmem:s20], [sflag:$0x3], $0x40, s18, s19, $0xb8;
	[tilespmem:$0x17160] =	vst v63  }
0x154: {  	_ =	swait.ge [sflag:s14], $0x1900  }
0x155: {  	[sflag:s14] =	ssyncset.done $0x0  }
0x156: {  	[sflag:s14] =	ssyncadd.s32 $0xFFFFE700  }
0x157: {  	[spmem:s3] =	stream.indirect.scatter.add.f32 [tilespmem:s16], [sflag:$0x3], $0x10, s18, s19, $0xb8;
	[tilespmem:$0x17160] =	vst v63  }
0x158: {  	_ =	swait.ge [sflag:s14], $0x640  }
0x159: {  	[sflag:s14] =	ssyncset.done $0x0  }
0x15a: {  	[sflag:s14] =	ssyncadd.s32 $0xFFFFF9C0  }
0x15b: {  	_ =	swait.ge [sflag:s23], $0x1900  }
0x15c: {  	[sflag:s23] =	ssyncset.done $0x0  }
0x15d: {  	s26 =	smov.u32 s24;
	s25 =	rddreg [dreg:$0x8];
	[sflag:s23] =	ssyncadd.s32 $0xFFFFE700  }
0x15e: {  	[tilespmem:s20], [sflag:$0x1] =	stream.indirect.gather [hbm4b:s10+s19], $0x40, s25, s19, $0xb8;
	[tilespmem:$0x17160] =	vst v63  }
0x15f: {  	s17 =	smov.u32 s26;
	s26 =	simm.s32 $0xCBD8  }
0x160: {  	[spmem:s1] =	stream.indirect.scatter.add.f32 [tilespmem:s22], [sflag:$0x3], $0x40, s26, s19, $0xb8;
	[tilespmem:$0x17160] =	vst v63  }
0x161: {  	_ =	swait.ge [sflag:s14], $0x1900  }
0x162: {  	[sflag:s14] =	ssyncset.done $0x0  }
0x163: {  	[sflag:s14] =	ssyncadd.s32 $0xFFFFE700  }
0x164: {  	[spmem:s3] =	stream.indirect.scatter.add.f32 [tilespmem:s16], [sflag:$0x3], $0x10, s26, s19, $0xb8;
	[tilespmem:$0x17160] =	vst v63  }
0x165: {  	_ =	swait.ge [sflag:s14], $0x640  }
0x166: {  	[sflag:s14] =	ssyncset.done $0x0  }
0x167: {  	[sflag:s14] =	ssyncadd.s32 $0xFFFFF9C0  }
0x168: {  	_ =	swait.ge [sflag:s21], $0x1900  }
0x169: {  	[sflag:s21] =	ssyncset.done $0x0  }
0x16a: {  	s25 =	rddreg [dreg:$0x9];
	[sflag:s21] =	ssyncadd.s32 $0xFFFFE700  }
0x16b: {  	[tilespmem:s22], [sflag:$0x2] =	stream.indirect.gather [hbm4b:s10+s19], $0x40, s25, s19, $0xb8;
	[tilespmem:$0x17160] =	vst v63  }
0x16c: {  	_ = 	snop  }
0x16d: {  	[spmem:s1] =	stream.indirect.scatter.add.f32 [tilespmem:s20], [sflag:$0x3], $0x40, s30, s19, $0xb8;
	[tilespmem:$0x17160] =	vst v63  }
0x16e: {  	_ =	swait.ge [sflag:s14], $0x1900  }
0x16f: {  	[sflag:s14] =	ssyncset.done $0x0  }
0x170: {  	[sflag:s14] =	ssyncadd.s32 $0xFFFFE700  }
0x171: {  	[spmem:s3] =	stream.indirect.scatter.add.f32 [tilespmem:s16], [sflag:$0x3], $0x10, s30, s19, $0xb8;
	[tilespmem:$0x17160] =	vst v63  }
0x172: {  	_ =	swait.ge [sflag:s14], $0x640  }
0x173: {  	[sflag:s14] =	ssyncset.done $0x0  }
0x174: {  	[sflag:s14] =	ssyncadd.s32 $0xFFFFF9C0  }
0x175: {  	_ =	swait.ge [sflag:s23], $0x1900  }
0x176: {  	[sflag:s23] =	ssyncset.done $0x0  }
0x177: {  	s25 =	rddreg [dreg:$0xa];
	[sflag:s23] =	ssyncadd.s32 $0xFFFFE700  }
0x178: {  	[tilespmem:s20], [sflag:$0x1] =	stream.indirect.gather [hbm4b:s10+s19], $0x40, s25, s19, $0xb8;
	[tilespmem:$0x17160] =	vst v63  }
0x179: {  	_ = 	snop  }
0x17a: {  	[spmem:s1] =	stream.indirect.scatter.add.f32 [tilespmem:s22], [sflag:$0x3], $0x40, s31, s19, $0xb8;
	[tilespmem:$0x17160] =	vst v63  }
0x17b: {  	_ =	swait.ge [sflag:s14], $0x1900  }
0x17c: {  	[sflag:s14] =	ssyncset.done $0x0  }
0x17d: {  	[sflag:s14] =	ssyncadd.s32 $0xFFFFE700  }
0x17e: {  	[spmem:s3] =	stream.indirect.scatter.add.f32 [tilespmem:s16], [sflag:$0x3], $0x10, s31, s19, $0xb8;
	[tilespmem:$0x17160] =	vst v63  }
0x17f: {  	_ =	swait.ge [sflag:s14], $0x640  }
0x180: {  	[sflag:s14] =	ssyncset.done $0x0  }
0x181: {  	[sflag:s14] =	ssyncadd.s32 $0xFFFFF9C0  }
0x182: {  	_ =	swait.ge [sflag:s21], $0x1900  }
0x183: {  	[sflag:s21] =	ssyncset.done $0x0  }
0x184: {  	s25 =	rddreg [dreg:$0xb];
	[sflag:s21] =	ssyncadd.s32 $0xFFFFE700  }
0x185: {  	[tilespmem:s22], [sflag:$0x2] =	stream.indirect.gather [hbm4b:s10+s19], $0x40, s25, s19, $0xb8;
	[tilespmem:$0x17160] =	vst v63  }
0x186: {  	_ = 	snop  }
0x187: {  	[spmem:s1] =	stream.indirect.scatter.add.f32 [tilespmem:s20], [sflag:$0x3], $0x40, s0, s19, $0xb8;
	[tilespmem:$0x17160] =	vst v63  }
0x188: {  	_ =	swait.ge [sflag:s14], $0x1900  }
0x189: {  	[sflag:s14] =	ssyncset.done $0x0  }
0x18a: {  	[sflag:s14] =	ssyncadd.s32 $0xFFFFE700  }
0x18b: {  	[spmem:s3] =	stream.indirect.scatter.add.f32 [tilespmem:s16], [sflag:$0x3], $0x10, s0, s19, $0xb8;
	[tilespmem:$0x17160] =	vst v63  }
0x18c: {  	_ =	swait.ge [sflag:s14], $0x640  }
0x18d: {  	[sflag:s14] =	ssyncset.done $0x0  }
0x18e: {  	[sflag:s14] =	ssyncadd.s32 $0xFFFFF9C0  }
0x18f: {  	_ =	swait.ge [sflag:s23], $0x1900  }
0x190: {  	[sflag:s23] =	ssyncset.done $0x0  }
0x191: {  	s25 =	rddreg [dreg:$0xc];
	[sflag:s23] =	ssyncadd.s32 $0xFFFFE700  }
0x192: {  	[tilespmem:s20], [sflag:$0x1] =	stream.indirect.gather [hbm4b:s10+s19], $0x40, s25, s19, $0xb8;
	[tilespmem:$0x17160] =	vst v63  }
0x193: {  	_ = 	snop  }
0x194: {  	[spmem:s1] =	stream.indirect.scatter.add.f32 [tilespmem:s22], [sflag:$0x3], $0x40, s2, s19, $0xb8;
	[tilespmem:$0x17160] =	vst v63  }
0x195: {  	_ =	swait.ge [sflag:s14], $0x1900  }
0x196: {  	[sflag:s14] =	ssyncset.done $0x0  }
0x197: {  	[sflag:s14] =	ssyncadd.s32 $0xFFFFE700  }
0x198: {  	[spmem:s3] =	stream.indirect.scatter.add.f32 [tilespmem:s16], [sflag:$0x3], $0x10, s2, s19, $0xb8;
	[tilespmem:$0x17160] =	vst v63  }
0x199: {  	_ =	swait.ge [sflag:s14], $0x640  }
0x19a: {  	[sflag:s14] =	ssyncset.done $0x0  }
0x19b: {  	[sflag:s14] =	ssyncadd.s32 $0xFFFFF9C0  }
0x19c: {  	_ =	swait.ge [sflag:s21], $0x1900  }
0x19d: {  	[sflag:s21] =	ssyncset.done $0x0  }
0x19e: {  	s25 =	rddreg [dreg:$0xd];
	[sflag:s21] =	ssyncadd.s32 $0xFFFFE700  }
0x19f: {  	[tilespmem:s22], [sflag:$0x2] =	stream.indirect.gather [hbm4b:s10+s19], $0x40, s25, s19, $0xb8;
	[tilespmem:$0x17160] =	vst v63  }
0x1a0: {  	_ = 	snop  }
0x1a1: {  	[spmem:s1] =	stream.indirect.scatter.add.f32 [tilespmem:s20], [sflag:$0x3], $0x40, s5, s19, $0xb8;
	[tilespmem:$0x17160] =	vst v63  }
0x1a2: {  	_ =	swait.ge [sflag:s14], $0x1900  }
0x1a3: {  	[sflag:s14] =	ssyncset.done $0x0  }
0x1a4: {  	[sflag:s14] =	ssyncadd.s32 $0xFFFFE700  }
0x1a5: {  	[spmem:s3] =	stream.indirect.scatter.add.f32 [tilespmem:s16], [sflag:$0x3], $0x10, s5, s19, $0xb8;
	[tilespmem:$0x17160] =	vst v63  }
0x1a6: {  	_ =	swait.ge [sflag:s14], $0x640  }
0x1a7: {  	[sflag:s14] =	ssyncset.done $0x0  }
0x1a8: {  	[sflag:s14] =	ssyncadd.s32 $0xFFFFF9C0  }
0x1a9: {  	_ =	swait.ge [sflag:s23], $0x1900  }
0x1aa: {  	[sflag:s23] =	ssyncset.done $0x0  }
0x1ab: {  	s25 =	rddreg [dreg:$0xe];
	[sflag:s23] =	ssyncadd.s32 $0xFFFFE700  }
0x1ac: {  	[tilespmem:s20], [sflag:$0x1] =	stream.indirect.gather [hbm4b:s10+s19], $0x40, s25, s19, $0xb8;
	[tilespmem:$0x17160] =	vst v63  }
0x1ad: {  	_ = 	snop  }
0x1ae: {  	[spmem:s1] =	stream.indirect.scatter.add.f32 [tilespmem:s22], [sflag:$0x3], $0x40, s6, s19, $0xb8;
	[tilespmem:$0x17160] =	vst v63  }
0x1af: {  	_ =	swait.ge [sflag:s14], $0x1900  }
0x1b0: {  	[sflag:s14] =	ssyncset.done $0x0  }
0x1b1: {  	[sflag:s14] =	ssyncadd.s32 $0xFFFFE700  }
0x1b2: {  	[spmem:s3] =	stream.indirect.scatter.add.f32 [tilespmem:s16], [sflag:$0x3], $0x10, s6, s19, $0xb8;
	[tilespmem:$0x17160] =	vst v63  }
0x1b3: {  	_ =	swait.ge [sflag:s14], $0x640  }
0x1b4: {  	[sflag:s14] =	ssyncset.done $0x0  }
0x1b5: {  	[sflag:s14] =	ssyncadd.s32 $0xFFFFF9C0  }
0x1b6: {  	_ =	swait.ge [sflag:s21], $0x1900  }
0x1b7: {  	[sflag:s21] =	ssyncset.done $0x0  }
0x1b8: {  	s25 =	rddreg [dreg:$0xf];
	[sflag:s21] =	ssyncadd.s32 $0xFFFFE700  }
0x1b9: {  	[tilespmem:s22], [sflag:$0x2] =	stream.indirect.gather [hbm4b:s10+s19], $0x40, s25, s19, $0xb8;
	[tilespmem:$0x17160] =	vst v63  }
0x1ba: {  	_ = 	snop  }
0x1bb: {  	[spmem:s1] =	stream.indirect.scatter.add.f32 [tilespmem:s20], [sflag:$0x3], $0x40, s7, s19, $0xb8;
	[tilespmem:$0x17160] =	vst v63  }
0x1bc: {  	_ =	swait.ge [sflag:s14], $0x1900  }
0x1bd: {  	[sflag:s14] =	ssyncset.done $0x0  }
0x1be: {  	[sflag:s14] =	ssyncadd.s32 $0xFFFFE700  }
0x1bf: {  	[spmem:s3] =	stream.indirect.scatter.add.f32 [tilespmem:s16], [sflag:$0x3], $0x10, s7, s19, $0xb8;
	[tilespmem:$0x17160] =	vst v63  }
0x1c0: {  	_ =	swait.ge [sflag:s14], $0x640  }
0x1c1: {  	[sflag:s14] =	ssyncset.done $0x0  }
0x1c2: {  	[sflag:s14] =	ssyncadd.s32 $0xFFFFF9C0  }
0x1c3: {  	_ =	swait.ge [sflag:s23], $0x1900  }
0x1c4: {  	[sflag:s23] =	ssyncset.done $0x0  }
0x1c5: {  	s25 =	rddreg [dreg:$0x10];
	[sflag:s23] =	ssyncadd.s32 $0xFFFFE700  }
0x1c6: {  	[tilespmem:s20], [sflag:$0x1] =	stream.indirect.gather [hbm4b:s10+s19], $0x40, s25, s19, $0xb8;
	[tilespmem:$0x17160] =	vst v63  }
0x1c7: {  	_ = 	snop  }
0x1c8: {  	[spmem:s1] =	stream.indirect.scatter.add.f32 [tilespmem:s22], [sflag:$0x3], $0x40, s12, s19, $0xb8;
	[tilespmem:$0x17160] =	vst v63  }
0x1c9: {  	_ =	swait.ge [sflag:s14], $0x1900  }
0x1ca: {  	[sflag:s14] =	ssyncset.done $0x0  }
0x1cb: {  	[sflag:s14] =	ssyncadd.s32 $0xFFFFE700  }
0x1cc: {  	[spmem:s3] =	stream.indirect.scatter.add.f32 [tilespmem:s16], [sflag:$0x3], $0x10, s12, s19, $0xb8;
	[tilespmem:$0x17160] =	vst v63  }
0x1cd: {  	_ =	swait.ge [sflag:s14], $0x640  }
0x1ce: {  	[sflag:s14] =	ssyncset.done $0x0  }
0x1cf: {  	[sflag:s14] =	ssyncadd.s32 $0xFFFFF9C0  }
0x1d0: {  	_ =	swait.ge [sflag:s21], $0x1900  }
0x1d1: {  	[sflag:s21] =	ssyncset.done $0x0  }
0x1d2: {  	s25 =	rddreg [dreg:$0x11];
	[sflag:s21] =	ssyncadd.s32 $0xFFFFE700  }
0x1d3: {  	[tilespmem:s22], [sflag:$0x2] =	stream.indirect.gather [hbm4b:s10+s19], $0x40, s25, s19, $0xb8;
	[tilespmem:$0x17160] =	vst v63  }
0x1d4: {  	_ = 	snop  }
0x1d5: {  	[spmem:s1] =	stream.indirect.scatter.add.f32 [tilespmem:s20], [sflag:$0x3], $0x40, s13, s19, $0xb8;
	[tilespmem:$0x17160] =	vst v63  }
0x1d6: {  	_ =	swait.ge [sflag:s14], $0x1900  }
0x1d7: {  	[sflag:s14] =	ssyncset.done $0x0  }
0x1d8: {  	[sflag:s14] =	ssyncadd.s32 $0xFFFFE700  }
0x1d9: {  	[spmem:s3] =	stream.indirect.scatter.add.f32 [tilespmem:s16], [sflag:$0x3], $0x10, s13, s19, $0xb8;
	[tilespmem:$0x17160] =	vst v63  }
0x1da: {  	_ =	swait.ge [sflag:s14], $0x640  }
0x1db: {  	[sflag:s14] =	ssyncset.done $0x0  }
0x1dc: {  	[sflag:s14] =	ssyncadd.s32 $0xFFFFF9C0  }
0x1dd: {  	_ =	swait.ge [sflag:s23], $0x1900  }
0x1de: {  	[sflag:s23] =	ssyncset.done $0x0  }
0x1df: {  	s25 =	rddreg [dreg:$0x12];
	[sflag:s23] =	ssyncadd.s32 $0xFFFFE700  }
0x1e0: {  	[tilespmem:s20], [sflag:$0x1] =	stream.indirect.gather [hbm4b:s10+s19], $0x40, s25, s19, $0xb8;
	[tilespmem:$0x17160] =	vst v63  }
0x1e1: {  	_ = 	snop  }
0x1e2: {  	[spmem:s1] =	stream.indirect.scatter.add.f32 [tilespmem:s22], [sflag:$0x3], $0x40, s15, s19, $0xb8;
	[tilespmem:$0x17160] =	vst v63  }
0x1e3: {  	_ =	swait.ge [sflag:s14], $0x1900  }
0x1e4: {  	[sflag:s14] =	ssyncset.done $0x0  }
0x1e5: {  	[sflag:s14] =	ssyncadd.s32 $0xFFFFE700  }
0x1e6: {  	[spmem:s3] =	stream.indirect.scatter.add.f32 [tilespmem:s16], [sflag:$0x3], $0x10, s15, s19, $0xb8;
	[tilespmem:$0x17160] =	vst v63  }
0x1e7: {  	_ =	swait.ge [sflag:s14], $0x640  }
0x1e8: {  	[sflag:s14] =	ssyncset.done $0x0  }
0x1e9: {  	[sflag:s14] =	ssyncadd.s32 $0xFFFFF9C0  }
0x1ea: {  	_ =	swait.ge [sflag:s21], $0x1900  }
0x1eb: {  	[sflag:s21] =	ssyncset.done $0x0  }
0x1ec: {  	s25 =	rddreg [dreg:$0x13];
	[sflag:s21] =	ssyncadd.s32 $0xFFFFE700  }
0x1ed: {  	[tilespmem:s22], [sflag:$0x2] =	stream.indirect.gather [hbm4b:s10+s19], $0x40, s25, s19, $0xb8;
	[tilespmem:$0x17160] =	vst v63  }
0x1ee: {  	_ = 	snop  }
0x1ef: {  	[spmem:s1] =	stream.indirect.scatter.add.f32 [tilespmem:s20], [sflag:$0x3], $0x40, s9, s19, $0xb8;
	[tilespmem:$0x17160] =	vst v63  }
0x1f0: {  	_ =	swait.ge [sflag:s14], $0x1900  }
0x1f1: {  	[sflag:s14] =	ssyncset.done $0x0  }
0x1f2: {  	[sflag:s14] =	ssyncadd.s32 $0xFFFFE700  }
0x1f3: {  	[spmem:s3] =	stream.indirect.scatter.add.f32 [tilespmem:s16], [sflag:$0x3], $0x10, s9, s19, $0xb8;
	[tilespmem:$0x17160] =	vst v63  }
0x1f4: {  	_ =	swait.ge [sflag:s14], $0x640  }
0x1f5: {  	[sflag:s14] =	ssyncset.done $0x0  }
0x1f6: {  	[sflag:s14] =	ssyncadd.s32 $0xFFFFF9C0  }
0x1f7: {  	_ =	swait.ge [sflag:s23], $0x1900  }
0x1f8: {  	[sflag:s23] =	ssyncset.done $0x0  }
0x1f9: {  	s25 =	rddreg [dreg:$0x14];
	[sflag:s23] =	ssyncadd.s32 $0xFFFFE700  }
0x1fa: {  	[tilespmem:s20], [sflag:$0x1] =	stream.indirect.gather [hbm4b:s10+s19], $0x40, s25, s19, $0xb8;
	[tilespmem:$0x17160] =	vst v63  }
0x1fb: {  	_ = 	snop  }
0x1fc: {  	[spmem:s1] =	stream.indirect.scatter.add.f32 [tilespmem:s22], [sflag:$0x3], $0x40, s8, s19, $0xb8;
	[tilespmem:$0x17160] =	vst v63  }
0x1fd: {  	_ =	swait.ge [sflag:s14], $0x1900  }
0x1fe: {  	[sflag:s14] =	ssyncset.done $0x0  }
0x1ff: {  	[sflag:s14] =	ssyncadd.s32 $0xFFFFE700  }
0x200: {  	[spmem:s3] =	stream.indirect.scatter.add.f32 [tilespmem:s16], [sflag:$0x3], $0x10, s8, s19, $0xb8;
	[tilespmem:$0x17160] =	vst v63  }
0x201: {  	_ =	swait.ge [sflag:s14], $0x640  }
0x202: {  	[sflag:s14] =	ssyncset.done $0x0  }
0x203: {  	[sflag:s14] =	ssyncadd.s32 $0xFFFFF9C0  }
0x204: {  	_ =	swait.ge [sflag:s21], $0x1900  }
0x205: {  	[sflag:s21] =	ssyncset.done $0x0  }
0x206: {  	s25 =	rddreg [dreg:$0x15];
	[sflag:s21] =	ssyncadd.s32 $0xFFFFE700  }
0x207: {  	[tilespmem:s22], [sflag:$0x2] =	stream.indirect.gather [hbm4b:s10+s19], $0x40, s25, s19, $0xb8;
	[tilespmem:$0x17160] =	vst v63  }
0x208: {  	_ = 	snop  }
0x209: {  	[spmem:s1] =	stream.indirect.scatter.add.f32 [tilespmem:s20], [sflag:$0x3], $0x40, s11, s19, $0xb8;
	[tilespmem:$0x17160] =	vst v63  }
0x20a: {  	_ =	swait.ge [sflag:s14], $0x1900  }
0x20b: {  	[sflag:s14] =	ssyncset.done $0x0  }
0x20c: {  	[sflag:s14] =	ssyncadd.s32 $0xFFFFE700  }
0x20d: {  	[spmem:s3] =	stream.indirect.scatter.add.f32 [tilespmem:s16], [sflag:$0x3], $0x10, s11, s19, $0xb8;
	[tilespmem:$0x17160] =	vst v63  }
0x20e: {  	_ =	swait.ge [sflag:s14], $0x640  }
0x20f: {  	[sflag:s14] =	ssyncset.done $0x0  }
0x210: {  	[sflag:s14] =	ssyncadd.s32 $0xFFFFF9C0  }
0x211: {  	_ =	swait.ge [sflag:s23], $0x1900  }
0x212: {  	[sflag:s23] =	ssyncset.done $0x0  }
0x213: {  	s25 =	rddreg [dreg:$0x16];
	[sflag:s23] =	ssyncadd.s32 $0xFFFFE700  }
0x214: {  	[tilespmem:s20], [sflag:$0x1] =	stream.indirect.gather [hbm4b:s10+s19], $0x40, s25, s19, $0xb8;
	[tilespmem:$0x17160] =	vst v63  }
0x215: {  	_ = 	snop  }
0x216: {  	[spmem:s1] =	stream.indirect.scatter.add.f32 [tilespmem:s22], [sflag:$0x3], $0x40, s4, s19, $0xb8;
	[tilespmem:$0x17160] =	vst v63  }
0x217: {  	_ =	swait.ge [sflag:s14], $0x1900  }
0x218: {  	[sflag:s14] =	ssyncset.done $0x0  }
0x219: {  	[sflag:s14] =	ssyncadd.s32 $0xFFFFE700  }
0x21a: {  	[spmem:s3] =	stream.indirect.scatter.add.f32 [tilespmem:s16], [sflag:$0x3], $0x10, s4, s19, $0xb8;
	[tilespmem:$0x17160] =	vst v63  }
0x21b: {  	_ =	swait.ge [sflag:s14], $0x640  }
0x21c: {  	[sflag:s14] =	ssyncset.done $0x0  }
0x21d: {  	[sflag:s14] =	ssyncadd.s32 $0xFFFFF9C0  }
0x21e: {  	_ =	swait.ge [sflag:s21], $0x1900  }
0x21f: {  	[sflag:s21] =	ssyncset.done $0x0  }
0x220: {  	s25 =	rddreg [dreg:$0x17];
	[sflag:s21] =	ssyncadd.s32 $0xFFFFE700  }
0x221: {  	[tilespmem:s22], [sflag:$0x2] =	stream.indirect.gather [hbm4b:s10+s19], $0x40, s25, s19, $0xb8;
	[tilespmem:$0x17160] =	vst v63  }
0x222: {  	s25 =	simm.s32 $0xD1F0  }
0x223: {  	[spmem:s1] =	stream.indirect.scatter.add.f32 [tilespmem:s20], [sflag:$0x3], $0x40, s25, s19, $0xb8;
	[tilespmem:$0x17160] =	vst v63  }
0x224: {  	_ =	swait.ge [sflag:s14], $0x1900  }
0x225: {  	[sflag:s14] =	ssyncset.done $0x0  }
0x226: {  	[sflag:s14] =	ssyncadd.s32 $0xFFFFE700  }
0x227: {  	[spmem:s3] =	stream.indirect.scatter.add.f32 [tilespmem:s16], [sflag:$0x3], $0x10, s25, s19, $0xb8;
	[tilespmem:$0x17160] =	vst v63  }
0x228: {  	_ =	swait.ge [sflag:s14], $0x640  }
0x229: {  	[sflag:s14] =	ssyncset.done $0x0  }
0x22a: {  	[sflag:s14] =	ssyncadd.s32 $0xFFFFF9C0  }
0x22b: {  	_ =	swait.ge [sflag:s23], $0x1900  }
0x22c: {  	[sflag:s23] =	ssyncset.done $0x0  }
0x22d: {  	s25 =	rddreg [dreg:$0x18];
	[sflag:s23] =	ssyncadd.s32 $0xFFFFE700  }
0x22e: {  	[tilespmem:s20], [sflag:$0x1] =	stream.indirect.gather [hbm4b:s10+s19], $0x40, s25, s19, $0xb8;
	[tilespmem:$0x17160] =	vst v63  }
0x22f: {  	s25 =	simm.s32 $0xD258  }
0x230: {  	[spmem:s1] =	stream.indirect.scatter.add.f32 [tilespmem:s22], [sflag:$0x3], $0x40, s25, s19, $0xb8;
	[tilespmem:$0x17160] =	vst v63  }
0x231: {  	_ =	swait.ge [sflag:s14], $0x1900  }
0x232: {  	[sflag:s14] =	ssyncset.done $0x0  }
0x233: {  	[sflag:s14] =	ssyncadd.s32 $0xFFFFE700  }
0x234: {  	[spmem:s3] =	stream.indirect.scatter.add.f32 [tilespmem:s16], [sflag:$0x3], $0x10, s25, s19, $0xb8;
	[tilespmem:$0x17160] =	vst v63  }
0x235: {  	_ =	swait.ge [sflag:s14], $0x640  }
0x236: {  	[sflag:s14] =	ssyncset.done $0x0  }
0x237: {  	[sflag:s14] =	ssyncadd.s32 $0xFFFFF9C0  }
0x238: {  	_ =	swait.ge [sflag:s21], $0x1900  }
0x239: {  	[sflag:s21] =	ssyncset.done $0x0  }
0x23a: {  	s25 =	rddreg [dreg:$0x19];
	[sflag:s21] =	ssyncadd.s32 $0xFFFFE700  }
0x23b: {  	[tilespmem:s22], [sflag:$0x2] =	stream.indirect.gather [hbm4b:s10+s19], $0x40, s25, s19, $0xb8;
	[tilespmem:$0x17160] =	vst v63  }
0x23c: {  	s25 =	simm.s32 $0xD2C0  }
0x23d: {  	[spmem:s1] =	stream.indirect.scatter.add.f32 [tilespmem:s20], [sflag:$0x3], $0x40, s25, s19, $0xb8;
	[tilespmem:$0x17160] =	vst v63  }
0x23e: {  	_ =	swait.ge [sflag:s14], $0x1900  }
0x23f: {  	[sflag:s14] =	ssyncset.done $0x0  }
0x240: {  	[sflag:s14] =	ssyncadd.s32 $0xFFFFE700  }
0x241: {  	[spmem:s3] =	stream.indirect.scatter.add.f32 [tilespmem:s16], [sflag:$0x3], $0x10, s25, s19, $0xb8;
	[tilespmem:$0x17160] =	vst v63  }
0x242: {  	_ =	swait.ge [sflag:s14], $0x640  }
0x243: {  	[sflag:s14] =	ssyncset.done $0x0  }
0x244: {  	[sflag:s14] =	ssyncadd.s32 $0xFFFFF9C0  }
0x245: {  	_ =	swait.ge [sflag:s23], $0x1900  }
0x246: {  	[sflag:s23] =	ssyncset.done $0x0  }
0x247: {  	s25 =	simm.s32 $0xD328;
	[sflag:s23] =	ssyncadd.s32 $0xFFFFE700  }
0x248: {  	[spmem:s1] =	stream.indirect.scatter.add.f32 [tilespmem:s22], [sflag:$0x3], $0x40, s25, s19, $0xb8;
	[tilespmem:$0x17160] =	vst v63  }
0x249: {  	p0 =	sne.s32 s24, $0x924;
	_ =	swait.ge [sflag:s14], $0x1900  }
.Ltmp0:
0x24a: {  	[sflag:s14] =	ssyncset.done $0x0;
	(pc) =	sbr.rel @p0 .LBB2_2-.Ltmp0, $4  }
0x24b: {  	[sflag:s14] =	ssyncadd.s32 $0xFFFFE700  }
0x24c: {  	[spmem:s3] =	stream.indirect.scatter.add.f32 [tilespmem:s16], [sflag:$0x3], $0x10, s25, s19, $0xb8;
	[tilespmem:$0x17160] =	vst v63  }
0x24d: {  	_ =	swait.ge [sflag:s14], $0x640  }
0x24e: {  	s24 =	sadd.s32 $0x104, s24;
	s25 =	rddreg [dreg:$0x5];
	[sflag:s14] =	ssyncset.done $0x0  }
0x24f: {  	[sflag:s14] =	ssyncadd.s32 $0xFFFFF9C0;
	s24 =	sadd.s32 s17, s25  }
0x250: {  	[tilespmem:s29], [sflag:$0x3] =	stream.linear.gather [hbm4b:s24+s28], $0x820, $0x38;
	[tilespmem:$0x17160] =	vst v63  }
0x251: {  	_ =	swait.ge [sflag:s14], $0x820  }
0x252: {  	s25 =	rddreg [dreg:$0x6];
	[sflag:s14] =	ssyncset.done $0x0  }
0x253: {  	[sflag:s14] =	ssyncadd.s32 $0xFFFFF7E0;
	s25 =	sadd.s32 s17, s25  }
0x254: {  	[tilespmem:s18], [sflag:$0x3] =	stream.linear.gather [hbm4b:s25+s28], $0x820, $0x38;
	[tilespmem:$0x17160] =	vst v63  }
0x255: {  	_ =	swait.ge [sflag:s14], $0x820  }
0x256: {  	[sflag:s14] =	ssyncset.done $0x0  }
0x257: {  	[sflag:s14] =	ssyncadd.s32 $0xFFFFF7E0  }
0x258: {  	[tilespmem:s20], [sflag:$0x1] =	stream.indirect.gather [hbm4b:s10+s19], $0x40, s29, s19, $0xb8;
	[tilespmem:$0x17160] =	vst v63  }
0x259: {  	_ =	swait.ge [sflag:s21], $0x1900  }
0x25a: {  	[sflag:s21] =	ssyncset.done $0x0  }
0x25b: {  	s24 =	rddreg [dreg:$0x7];
	[sflag:s21] =	ssyncadd.s32 $0xFFFFE700  }
0x25c: {  	[tilespmem:s22], [sflag:$0x2] =	stream.indirect.gather [hbm4b:s10+s19], $0x40, s24, s19, $0xb8;
	[tilespmem:$0x17160] =	vst v63  }
0x25d: {  	_ = 	snop  }
0x25e: {  	[spmem:s1] =	stream.indirect.scatter.add.f32 [tilespmem:s20], [sflag:$0x3], $0x40, s18, s19, $0xb8;
	[tilespmem:$0x17160] =	vst v63  }
0x25f: {  	_ =	swait.ge [sflag:s14], $0x1900  }
0x260: {  	[sflag:s14] =	ssyncset.done $0x0  }
0x261: {  	[sflag:s14] =	ssyncadd.s32 $0xFFFFE700  }
0x262: {  	[spmem:s3] =	stream.indirect.scatter.add.f32 [tilespmem:s16], [sflag:$0x3], $0x10, s18, s19, $0xb8;
	[tilespmem:$0x17160] =	vst v63  }
0x263: {  	_ =	swait.ge [sflag:s14], $0x640  }
0x264: {  	[sflag:s14] =	ssyncset.done $0x0  }
0x265: {  	[sflag:s14] =	ssyncadd.s32 $0xFFFFF9C0  }
0x266: {  	_ =	swait.ge [sflag:s23], $0x1900  }
0x267: {  	[sflag:s23] =	ssyncset.done $0x0  }
0x268: {  	s25 =	rddreg [dreg:$0x8];
	[sflag:s23] =	ssyncadd.s32 $0xFFFFE700  }
0x269: {  	[tilespmem:s20], [sflag:$0x1] =	stream.indirect.gather [hbm4b:s10+s19], $0x40, s25, s19, $0xb8;
	[tilespmem:$0x17160] =	vst v63  }
0x26a: {  	_ = 	snop  }
0x26b: {  	[spmem:s1] =	stream.indirect.scatter.add.f32 [tilespmem:s22], [sflag:$0x3], $0x40, s26, s19, $0xb8;
	[tilespmem:$0x17160] =	vst v63  }
0x26c: {  	_ =	swait.ge [sflag:s14], $0x1900  }
0x26d: {  	[sflag:s14] =	ssyncset.done $0x0  }
0x26e: {  	[sflag:s14] =	ssyncadd.s32 $0xFFFFE700  }
0x26f: {  	[spmem:s3] =	stream.indirect.scatter.add.f32 [tilespmem:s16], [sflag:$0x3], $0x10, s26, s19, $0xb8;
	[tilespmem:$0x17160] =	vst v63  }
0x270: {  	_ =	swait.ge [sflag:s14], $0x640  }
0x271: {  	[sflag:s14] =	ssyncset.done $0x0  }
0x272: {  	[sflag:s14] =	ssyncadd.s32 $0xFFFFF9C0  }
0x273: {  	_ =	swait.ge [sflag:s21], $0x1900  }
0x274: {  	[sflag:s21] =	ssyncset.done $0x0  }
0x275: {  	s26 =	rddreg [dreg:$0x9];
	[sflag:s21] =	ssyncadd.s32 $0xFFFFE700  }
0x276: {  	[tilespmem:s22], [sflag:$0x2] =	stream.indirect.gather [hbm4b:s10+s19], $0x40, s26, s19, $0xb8;
	[tilespmem:$0x17160] =	vst v63  }
0x277: {  	_ = 	snop  }
0x278: {  	[spmem:s1] =	stream.indirect.scatter.add.f32 [tilespmem:s20], [sflag:$0x3], $0x40, s30, s19, $0xb8;
	[tilespmem:$0x17160] =	vst v63  }
0x279: {  	_ =	swait.ge [sflag:s14], $0x1900  }
0x27a: {  	[sflag:s14] =	ssyncset.done $0x0  }
0x27b: {  	[sflag:s14] =	ssyncadd.s32 $0xFFFFE700  }
0x27c: {  	[spmem:s3] =	stream.indirect.scatter.add.f32 [tilespmem:s16], [sflag:$0x3], $0x10, s30, s19, $0xb8;
	[tilespmem:$0x17160] =	vst v63  }
0x27d: {  	_ =	swait.ge [sflag:s14], $0x640  }
0x27e: {  	[sflag:s14] =	ssyncset.done $0x0  }
0x27f: {  	[sflag:s14] =	ssyncadd.s32 $0xFFFFF9C0  }
0x280: {  	_ =	swait.ge [sflag:s23], $0x1900  }
0x281: {  	[sflag:s23] =	ssyncset.done $0x0  }
0x282: {  	s28 =	rddreg [dreg:$0xa];
	[sflag:s23] =	ssyncadd.s32 $0xFFFFE700  }
0x283: {  	[tilespmem:s20], [sflag:$0x1] =	stream.indirect.gather [hbm4b:s10+s19], $0x40, s28, s19, $0xb8;
	[tilespmem:$0x17160] =	vst v63  }
0x284: {  	_ = 	snop  }
0x285: {  	[spmem:s1] =	stream.indirect.scatter.add.f32 [tilespmem:s22], [sflag:$0x3], $0x40, s31, s19, $0xb8;
	[tilespmem:$0x17160] =	vst v63  }
0x286: {  	_ =	swait.ge [sflag:s14], $0x1900  }
0x287: {  	[sflag:s14] =	ssyncset.done $0x0  }
0x288: {  	[sflag:s14] =	ssyncadd.s32 $0xFFFFE700  }
0x289: {  	[spmem:s3] =	stream.indirect.scatter.add.f32 [tilespmem:s16], [sflag:$0x3], $0x10, s31, s19, $0xb8;
	[tilespmem:$0x17160] =	vst v63  }
0x28a: {  	_ =	swait.ge [sflag:s14], $0x640  }
0x28b: {  	[sflag:s14] =	ssyncset.done $0x0  }
0x28c: {  	[sflag:s14] =	ssyncadd.s32 $0xFFFFF9C0  }
0x28d: {  	_ =	swait.ge [sflag:s21], $0x1900  }
0x28e: {  	[sflag:s21] =	ssyncset.done $0x0  }
0x28f: {  	s29 =	rddreg [dreg:$0xb];
	[sflag:s21] =	ssyncadd.s32 $0xFFFFE700  }
0x290: {  	[tilespmem:s22], [sflag:$0x2] =	stream.indirect.gather [hbm4b:s10+s19], $0x40, s29, s19, $0xb8;
	[tilespmem:$0x17160] =	vst v63  }
0x291: {  	_ = 	snop  }
0x292: {  	[spmem:s1] =	stream.indirect.scatter.add.f32 [tilespmem:s20], [sflag:$0x3], $0x40, s0, s19, $0xb8;
	[tilespmem:$0x17160] =	vst v63  }
0x293: {  	_ =	swait.ge [sflag:s14], $0x1900  }
0x294: {  	[sflag:s14] =	ssyncset.done $0x0  }
0x295: {  	[sflag:s14] =	ssyncadd.s32 $0xFFFFE700  }
0x296: {  	[spmem:s3] =	stream.indirect.scatter.add.f32 [tilespmem:s16], [sflag:$0x3], $0x10, s0, s19, $0xb8;
	[tilespmem:$0x17160] =	vst v63  }
0x297: {  	_ =	swait.ge [sflag:s14], $0x640  }
0x298: {  	[sflag:s14] =	ssyncset.done $0x0  }
0x299: {  	[sflag:s14] =	ssyncadd.s32 $0xFFFFF9C0  }
0x29a: {  	_ =	swait.ge [sflag:s23], $0x1900  }
0x29b: {  	[sflag:s23] =	ssyncset.done $0x0  }
0x29c: {  	s0 =	rddreg [dreg:$0xc];
	[sflag:s23] =	ssyncadd.s32 $0xFFFFE700  }
0x29d: {  	[tilespmem:s20], [sflag:$0x1] =	stream.indirect.gather [hbm4b:s10+s19], $0x40, s0, s19, $0xb8;
	[tilespmem:$0x17160] =	vst v63  }
0x29e: {  	_ = 	snop  }
0x29f: {  	[spmem:s1] =	stream.indirect.scatter.add.f32 [tilespmem:s22], [sflag:$0x3], $0x40, s2, s19, $0xb8;
	[tilespmem:$0x17160] =	vst v63  }
0x2a0: {  	_ =	swait.ge [sflag:s14], $0x1900  }
0x2a1: {  	[sflag:s14] =	ssyncset.done $0x0  }
0x2a2: {  	[sflag:s14] =	ssyncadd.s32 $0xFFFFE700  }
0x2a3: {  	[spmem:s3] =	stream.indirect.scatter.add.f32 [tilespmem:s16], [sflag:$0x3], $0x10, s2, s19, $0xb8;
	[tilespmem:$0x17160] =	vst v63  }
0x2a4: {  	_ =	swait.ge [sflag:s14], $0x640  }
0x2a5: {  	[sflag:s14] =	ssyncset.done $0x0  }
0x2a6: {  	[sflag:s14] =	ssyncadd.s32 $0xFFFFF9C0  }
0x2a7: {  	_ =	swait.ge [sflag:s21], $0x1900  }
0x2a8: {  	[sflag:s21] =	ssyncset.done $0x0  }
0x2a9: {  	s2 =	rddreg [dreg:$0xd];
	[sflag:s21] =	ssyncadd.s32 $0xFFFFE700  }
0x2aa: {  	[tilespmem:s22], [sflag:$0x2] =	stream.indirect.gather [hbm4b:s10+s19], $0x40, s2, s19, $0xb8;
	[tilespmem:$0x17160] =	vst v63  }
0x2ab: {  	_ = 	snop  }
0x2ac: {  	[spmem:s1] =	stream.indirect.scatter.add.f32 [tilespmem:s20], [sflag:$0x3], $0x40, s5, s19, $0xb8;
	[tilespmem:$0x17160] =	vst v63  }
0x2ad: {  	_ =	swait.ge [sflag:s14], $0x1900  }
0x2ae: {  	[sflag:s14] =	ssyncset.done $0x0  }
0x2af: {  	[sflag:s14] =	ssyncadd.s32 $0xFFFFE700  }
0x2b0: {  	[spmem:s3] =	stream.indirect.scatter.add.f32 [tilespmem:s16], [sflag:$0x3], $0x10, s5, s19, $0xb8;
	[tilespmem:$0x17160] =	vst v63  }
0x2b1: {  	_ =	swait.ge [sflag:s14], $0x640  }
0x2b2: {  	[sflag:s14] =	ssyncset.done $0x0  }
0x2b3: {  	[sflag:s14] =	ssyncadd.s32 $0xFFFFF9C0  }
0x2b4: {  	_ =	swait.ge [sflag:s23], $0x1900  }
0x2b5: {  	[sflag:s23] =	ssyncset.done $0x0  }
0x2b6: {  	s24 =	rddreg [dreg:$0xe];
	[sflag:s23] =	ssyncadd.s32 $0xFFFFE700  }
0x2b7: {  	[tilespmem:s20], [sflag:$0x1] =	stream.indirect.gather [hbm4b:s10+s19], $0x40, s24, s19, $0xb8;
	[tilespmem:$0x17160] =	vst v63  }
0x2b8: {  	_ = 	snop  }
0x2b9: {  	[spmem:s1] =	stream.indirect.scatter.add.f32 [tilespmem:s22], [sflag:$0x3], $0x40, s6, s19, $0xb8;
	[tilespmem:$0x17160] =	vst v63  }
0x2ba: {  	_ =	swait.ge [sflag:s14], $0x1900  }
0x2bb: {  	[sflag:s14] =	ssyncset.done $0x0  }
0x2bc: {  	[sflag:s14] =	ssyncadd.s32 $0xFFFFE700  }
0x2bd: {  	[spmem:s3] =	stream.indirect.scatter.add.f32 [tilespmem:s16], [sflag:$0x3], $0x10, s6, s19, $0xb8;
	[tilespmem:$0x17160] =	vst v63  }
0x2be: {  	_ =	swait.ge [sflag:s14], $0x640  }
0x2bf: {  	[sflag:s14] =	ssyncset.done $0x0  }
0x2c0: {  	[sflag:s14] =	ssyncadd.s32 $0xFFFFF9C0  }
0x2c1: {  	_ =	swait.ge [sflag:s21], $0x1900  }
0x2c2: {  	[sflag:s21] =	ssyncset.done $0x0  }
0x2c3: {  	s25 =	rddreg [dreg:$0xf];
	[sflag:s21] =	ssyncadd.s32 $0xFFFFE700  }
0x2c4: {  	[tilespmem:s22], [sflag:$0x2] =	stream.indirect.gather [hbm4b:s10+s19], $0x40, s25, s19, $0xb8;
	[tilespmem:$0x17160] =	vst v63  }
0x2c5: {  	_ = 	snop  }
0x2c6: {  	[spmem:s1] =	stream.indirect.scatter.add.f32 [tilespmem:s20], [sflag:$0x3], $0x40, s7, s19, $0xb8;
	[tilespmem:$0x17160] =	vst v63  }
0x2c7: {  	_ =	swait.ge [sflag:s14], $0x1900  }
0x2c8: {  	[sflag:s14] =	ssyncset.done $0x0  }
0x2c9: {  	[sflag:s14] =	ssyncadd.s32 $0xFFFFE700  }
0x2ca: {  	[spmem:s3] =	stream.indirect.scatter.add.f32 [tilespmem:s16], [sflag:$0x3], $0x10, s7, s19, $0xb8;
	[tilespmem:$0x17160] =	vst v63  }
0x2cb: {  	_ =	swait.ge [sflag:s14], $0x640  }
0x2cc: {  	[sflag:s14] =	ssyncset.done $0x0  }
0x2cd: {  	[sflag:s14] =	ssyncadd.s32 $0xFFFFF9C0  }
0x2ce: {  	_ =	swait.ge [sflag:s23], $0x1900  }
0x2cf: {  	[sflag:s23] =	ssyncset.done $0x0  }
0x2d0: {  	s26 =	rddreg [dreg:$0x10];
	[sflag:s23] =	ssyncadd.s32 $0xFFFFE700  }
0x2d1: {  	[tilespmem:s20], [sflag:$0x1] =	stream.indirect.gather [hbm4b:s10+s19], $0x40, s26, s19, $0xb8;
	[tilespmem:$0x17160] =	vst v63  }
0x2d2: {  	_ = 	snop  }
0x2d3: {  	[spmem:s1] =	stream.indirect.scatter.add.f32 [tilespmem:s22], [sflag:$0x3], $0x40, s12, s19, $0xb8;
	[tilespmem:$0x17160] =	vst v63  }
0x2d4: {  	_ =	swait.ge [sflag:s14], $0x1900  }
0x2d5: {  	[sflag:s14] =	ssyncset.done $0x0  }
0x2d6: {  	[sflag:s14] =	ssyncadd.s32 $0xFFFFE700  }
0x2d7: {  	[spmem:s3] =	stream.indirect.scatter.add.f32 [tilespmem:s16], [sflag:$0x3], $0x10, s12, s19, $0xb8;
	[tilespmem:$0x17160] =	vst v63  }
0x2d8: {  	_ =	swait.ge [sflag:s14], $0x640  }
0x2d9: {  	[sflag:s14] =	ssyncset.done $0x0  }
0x2da: {  	[sflag:s14] =	ssyncadd.s32 $0xFFFFF9C0  }
0x2db: {  	_ =	swait.ge [sflag:s21], $0x1900  }
0x2dc: {  	[sflag:s21] =	ssyncset.done $0x0  }
0x2dd: {  	s28 =	rddreg [dreg:$0x11];
	[sflag:s21] =	ssyncadd.s32 $0xFFFFE700  }
0x2de: {  	[tilespmem:s22], [sflag:$0x2] =	stream.indirect.gather [hbm4b:s10+s19], $0x40, s28, s19, $0xb8;
	[tilespmem:$0x17160] =	vst v63  }
0x2df: {  	_ = 	snop  }
0x2e0: {  	[spmem:s1] =	stream.indirect.scatter.add.f32 [tilespmem:s20], [sflag:$0x3], $0x40, s13, s19, $0xb8;
	[tilespmem:$0x17160] =	vst v63  }
0x2e1: {  	_ =	swait.ge [sflag:s14], $0x1900  }
0x2e2: {  	[sflag:s14] =	ssyncset.done $0x0  }
0x2e3: {  	[sflag:s14] =	ssyncadd.s32 $0xFFFFE700  }
0x2e4: {  	[spmem:s3] =	stream.indirect.scatter.add.f32 [tilespmem:s16], [sflag:$0x3], $0x10, s13, s19, $0xb8;
	[tilespmem:$0x17160] =	vst v63  }
0x2e5: {  	_ =	swait.ge [sflag:s14], $0x640  }
0x2e6: {  	[sflag:s14] =	ssyncset.done $0x0  }
0x2e7: {  	[sflag:s14] =	ssyncadd.s32 $0xFFFFF9C0  }
0x2e8: {  	_ =	swait.ge [sflag:s23], $0x1900  }
0x2e9: {  	[sflag:s23] =	ssyncset.done $0x0  }
0x2ea: {  	s29 =	rddreg [dreg:$0x12];
	[sflag:s23] =	ssyncadd.s32 $0xFFFFE700  }
0x2eb: {  	[tilespmem:s20], [sflag:$0x1] =	stream.indirect.gather [hbm4b:s10+s19], $0x40, s29, s19, $0xb8;
	[tilespmem:$0x17160] =	vst v63  }
0x2ec: {  	_ = 	snop  }
0x2ed: {  	[spmem:s1] =	stream.indirect.scatter.add.f32 [tilespmem:s22], [sflag:$0x3], $0x40, s15, s19, $0xb8;
	[tilespmem:$0x17160] =	vst v63  }
0x2ee: {  	_ =	swait.ge [sflag:s14], $0x1900  }
0x2ef: {  	[sflag:s14] =	ssyncset.done $0x0  }
0x2f0: {  	[sflag:s14] =	ssyncadd.s32 $0xFFFFE700  }
0x2f1: {  	[spmem:s3] =	stream.indirect.scatter.add.f32 [tilespmem:s16], [sflag:$0x3], $0x10, s15, s19, $0xb8;
	[tilespmem:$0x17160] =	vst v63  }
0x2f2: {  	_ =	swait.ge [sflag:s14], $0x640  }
0x2f3: {  	[sflag:s14] =	ssyncset.done $0x0  }
0x2f4: {  	[sflag:s14] =	ssyncadd.s32 $0xFFFFF9C0  }
0x2f5: {  	_ =	swait.ge [sflag:s21], $0x1900  }
0x2f6: {  	[sflag:s21] =	ssyncset.done $0x0  }
0x2f7: {  	s0 =	rddreg [dreg:$0x13];
	[sflag:s21] =	ssyncadd.s32 $0xFFFFE700  }
0x2f8: {  	[tilespmem:s22], [sflag:$0x2] =	stream.indirect.gather [hbm4b:s10+s19], $0x40, s0, s19, $0xb8;
	[tilespmem:$0x17160] =	vst v63  }
0x2f9: {  	_ = 	snop  }
0x2fa: {  	[spmem:s1] =	stream.indirect.scatter.add.f32 [tilespmem:s20], [sflag:$0x3], $0x40, s9, s19, $0xb8;
	[tilespmem:$0x17160] =	vst v63  }
0x2fb: {  	_ =	swait.ge [sflag:s14], $0x1900  }
0x2fc: {  	[sflag:s14] =	ssyncset.done $0x0  }
0x2fd: {  	[sflag:s14] =	ssyncadd.s32 $0xFFFFE700  }
0x2fe: {  	[spmem:s3] =	stream.indirect.scatter.add.f32 [tilespmem:s16], [sflag:$0x3], $0x10, s9, s19, $0xb8;
	[tilespmem:$0x17160] =	vst v63  }
0x2ff: {  	_ =	swait.ge [sflag:s14], $0x640  }
0x300: {  	[sflag:s14] =	ssyncset.done $0x0  }
0x301: {  	[sflag:s14] =	ssyncadd.s32 $0xFFFFF9C0  }
0x302: {  	_ =	swait.ge [sflag:s23], $0x1900  }
0x303: {  	[sflag:s23] =	ssyncset.done $0x0  }
0x304: {  	s2 =	rddreg [dreg:$0x14];
	[sflag:s23] =	ssyncadd.s32 $0xFFFFE700  }
0x305: {  	[tilespmem:s20], [sflag:$0x1] =	stream.indirect.gather [hbm4b:s10+s19], $0x40, s2, s19, $0xb8;
	[tilespmem:$0x17160] =	vst v63  }
0x306: {  	_ = 	snop  }
0x307: {  	[spmem:s1] =	stream.indirect.scatter.add.f32 [tilespmem:s22], [sflag:$0x3], $0x40, s8, s19, $0xb8;
	[tilespmem:$0x17160] =	vst v63  }
0x308: {  	_ =	swait.ge [sflag:s14], $0x1900  }
0x309: {  	[sflag:s14] =	ssyncset.done $0x0  }
0x30a: {  	[sflag:s14] =	ssyncadd.s32 $0xFFFFE700  }
0x30b: {  	[spmem:s3] =	stream.indirect.scatter.add.f32 [tilespmem:s16], [sflag:$0x3], $0x10, s8, s19, $0xb8;
	[tilespmem:$0x17160] =	vst v63  }
0x30c: {  	_ =	swait.ge [sflag:s14], $0x640  }
0x30d: {  	[sflag:s14] =	ssyncset.done $0x0  }
0x30e: {  	[sflag:s14] =	ssyncadd.s32 $0xFFFFF9C0  }
0x30f: {  	_ =	swait.ge [sflag:s21], $0x1900  }
0x310: {  	[sflag:s21] =	ssyncset.done $0x0  }
0x311: {  	s5 =	rddreg [dreg:$0x15];
	[sflag:s21] =	ssyncadd.s32 $0xFFFFE700  }
0x312: {  	[tilespmem:s22], [sflag:$0x2] =	stream.indirect.gather [hbm4b:s10+s19], $0x40, s5, s19, $0xb8;
	[tilespmem:$0x17160] =	vst v63  }
0x313: {  	_ = 	snop  }
0x314: {  	[spmem:s1] =	stream.indirect.scatter.add.f32 [tilespmem:s20], [sflag:$0x3], $0x40, s11, s19, $0xb8;
	[tilespmem:$0x17160] =	vst v63  }
0x315: {  	_ =	swait.ge [sflag:s14], $0x1900  }
0x316: {  	[sflag:s14] =	ssyncset.done $0x0  }
0x317: {  	[sflag:s14] =	ssyncadd.s32 $0xFFFFE700  }
0x318: {  	[spmem:s3] =	stream.indirect.scatter.add.f32 [tilespmem:s16], [sflag:$0x3], $0x10, s11, s19, $0xb8;
	[tilespmem:$0x17160] =	vst v63  }
0x319: {  	_ =	swait.ge [sflag:s14], $0x640  }
0x31a: {  	[sflag:s14] =	ssyncset.done $0x0  }
0x31b: {  	[sflag:s14] =	ssyncadd.s32 $0xFFFFF9C0  }
0x31c: {  	_ =	swait.ge [sflag:s23], $0x1900  }
0x31d: {  	[sflag:s23] =	ssyncset.done $0x0  }
0x31e: {  	s6 =	rddreg [dreg:$0x16];
	[sflag:s23] =	ssyncadd.s32 $0xFFFFE700  }
0x31f: {  	[tilespmem:s20], [sflag:$0x1] =	stream.indirect.gather [hbm4b:s10+s19], $0x40, s6, s19, $0xb8;
	[tilespmem:$0x17160] =	vst v63  }
0x320: {  	_ = 	snop  }
0x321: {  	[spmem:s1] =	stream.indirect.scatter.add.f32 [tilespmem:s22], [sflag:$0x3], $0x40, s4, s19, $0xb8;
	[tilespmem:$0x17160] =	vst v63  }
0x322: {  	_ =	swait.ge [sflag:s14], $0x1900  }
0x323: {  	[sflag:s14] =	ssyncset.done $0x0  }
0x324: {  	[sflag:s14] =	ssyncadd.s32 $0xFFFFE700  }
0x325: {  	[spmem:s3] =	stream.indirect.scatter.add.f32 [tilespmem:s16], [sflag:$0x3], $0x10, s4, s19, $0xb8;
	[tilespmem:$0x17160] =	vst v63  }
0x326: {  	_ =	swait.ge [sflag:s14], $0x640  }
0x327: {  	[sflag:s14] =	ssyncset.done $0x0  }
0x328: {  	[sflag:s14] =	ssyncadd.s32 $0xFFFFF9C0  }
0x329: {  	_ =	swait.ge [sflag:s21], $0x1900  }
0x32a: {  	[sflag:s21] =	ssyncset.done $0x0  }
0x32b: {  	s7 =	rddreg [dreg:$0x17];
	[sflag:s21] =	ssyncadd.s32 $0xFFFFE700  }
0x32c: {  	[tilespmem:s22], [sflag:$0x2] =	stream.indirect.gather [hbm4b:s10+s19], $0x40, s7, s19, $0xb8;
	[tilespmem:$0x17160] =	vst v63  }
0x32d: {  	s17 =	simm.s32 $0xD1F0  }
0x32e: {  	[spmem:s1] =	stream.indirect.scatter.add.f32 [tilespmem:s20], [sflag:$0x3], $0x40, s17, s19, $0xb8;
	[tilespmem:$0x17160] =	vst v63  }
0x32f: {  	_ =	swait.ge [sflag:s14], $0x1900  }
0x330: {  	[sflag:s14] =	ssyncset.done $0x0  }
0x331: {  	[sflag:s14] =	ssyncadd.s32 $0xFFFFE700  }
0x332: {  	[spmem:s3] =	stream.indirect.scatter.add.f32 [tilespmem:s16], [sflag:$0x3], $0x10, s17, s19, $0xb8;
	[tilespmem:$0x17160] =	vst v63  }
0x333: {  	_ =	swait.ge [sflag:s14], $0x640  }
0x334: {  	[sflag:s14] =	ssyncset.done $0x0  }
0x335: {  	[sflag:s14] =	ssyncadd.s32 $0xFFFFF9C0  }
0x336: {  	_ =	swait.ge [sflag:s23], $0x1900  }
0x337: {  	[sflag:s23] =	ssyncset.done $0x0  }
0x338: {  	s24 =	rddreg [dreg:$0x18];
	[sflag:s23] =	ssyncadd.s32 $0xFFFFE700  }
0x339: {  	[tilespmem:s20], [sflag:$0x1] =	stream.indirect.gather [hbm4b:s10+s19], $0x40, s24, s19, $0xb8;
	[tilespmem:$0x17160] =	vst v63  }
0x33a: {  	s25 =	simm.s32 $0xD258  }
0x33b: {  	[spmem:s1] =	stream.indirect.scatter.add.f32 [tilespmem:s22], [sflag:$0x3], $0x40, s25, s19, $0xb8;
	[tilespmem:$0x17160] =	vst v63  }
0x33c: {  	_ =	swait.ge [sflag:s14], $0x1900  }
0x33d: {  	[sflag:s14] =	ssyncset.done $0x0  }
0x33e: {  	[sflag:s14] =	ssyncadd.s32 $0xFFFFE700  }
0x33f: {  	[spmem:s3] =	stream.indirect.scatter.add.f32 [tilespmem:s16], [sflag:$0x3], $0x10, s25, s19, $0xb8;
	[tilespmem:$0x17160] =	vst v63  }
0x340: {  	_ =	swait.ge [sflag:s14], $0x640  }
0x341: {  	[sflag:s14] =	ssyncset.done $0x0  }
0x342: {  	[sflag:s14] =	ssyncadd.s32 $0xFFFFF9C0  }
0x343: {  	_ =	swait.ge [sflag:s21], $0x1900  }
0x344: {  	[sflag:s21] =	ssyncset.done $0x0  }
0x345: {  	s26 =	rddreg [dreg:$0x19];
	[sflag:s21] =	ssyncadd.s32 $0xFFFFE700  }
0x346: {  	[tilespmem:s22], [sflag:$0x2] =	stream.indirect.gather [hbm4b:s10+s19], $0x40, s26, s19, $0xb8;
	[tilespmem:$0x17160] =	vst v63  }
0x347: {  	s28 =	simm.s32 $0xD2C0  }
0x348: {  	[spmem:s1] =	stream.indirect.scatter.add.f32 [tilespmem:s20], [sflag:$0x3], $0x40, s28, s19, $0xb8;
	[tilespmem:$0x17160] =	vst v63  }
0x349: {  	_ =	swait.ge [sflag:s14], $0x1900  }
0x34a: {  	[sflag:s14] =	ssyncset.done $0x0  }
0x34b: {  	[sflag:s14] =	ssyncadd.s32 $0xFFFFE700  }
0x34c: {  	[spmem:s3] =	stream.indirect.scatter.add.f32 [tilespmem:s16], [sflag:$0x3], $0x10, s28, s19, $0xb8;
	[tilespmem:$0x17160] =	vst v63  }
0x34d: {  	_ =	swait.ge [sflag:s14], $0x640  }
0x34e: {  	[sflag:s14] =	ssyncset.done $0x0  }
0x34f: {  	[sflag:s14] =	ssyncadd.s32 $0xFFFFF9C0  }
0x350: {  	_ =	swait.ge [sflag:s23], $0x1900  }
0x351: {  	[sflag:s23] =	ssyncset.done $0x0  }
0x352: {  	s29 =	simm.s32 $0xD328;
	[sflag:s23] =	ssyncadd.s32 $0xFFFFE700  }
0x353: {  	[spmem:s1] =	stream.indirect.scatter.add.f32 [tilespmem:s22], [sflag:$0x3], $0x40, s29, s19, $0xb8;
	[tilespmem:$0x17160] =	vst v63  }
0x354: {  	_ =	swait.ge [sflag:s14], $0x1900  }
0x355: {  	[sflag:s14] =	ssyncset.done $0x0  }
0x356: {  	[sflag:s14] =	ssyncadd.s32 $0xFFFFE700  }
0x357: {  	[spmem:s3] =	stream.indirect.scatter.add.f32 [tilespmem:s16], [sflag:$0x3], $0x10, s29, s19, $0xb8;
	[tilespmem:$0x17160] =	vst v63  }
0x358: {  	s0 =	simm.s32 $0x10BD0;
	_ =	swait.ge [sflag:s14], $0x640  }
0x359: {  	s2 =	simm.s32 $0x12B10;
	s5 =	simm.s32 $0x80;
	[sflag:s14] =	ssyncset.done $0x0  }
0x35a: {  	s6 =	simm.s32 $0x14A50;
	s4 =	simm.s32 $0x40;
	[sflag:s14] =	ssyncadd.s32 $0xFFFFF9C0  }
0x35b: {  	s7 =	simm.s32 $0x0;
	s24 =	simm.s32 $0x0;
	[bflag:$0x0] =	sbarrier.arrive $0xFFFF  }
.LBB2_4:
0x35c: {  	s17 =	smul.u32 $0x7D, s24  }
0x35d: {  	s25 =	rddreg [dreg:$0x1d]  }
0x35e: {  	s17 =	sadd.s32 s25, s17  }
0x35f: {  	s25 =	sshll.u32 s17, $0x6  }
0x360: {  	s25 =	sand.u32 $0x3FFFFFC0, s25  }
0x361: {  	s25 =	sadd.s32 s25, s1  }
0x362: {  	[tilespmem:s0], [sflag:$0x3] =	stream.linear.gather [spmem:s25], $0x1F40, $0x38;
	[tilespmem:$0x17160] =	vst v63  }
0x363: {  	_ =	swait.ge [sflag:s14], $0x1F40  }
0x364: {  	s26 =	sshll.u32 s17, $0x3;
	[sflag:s14] =	ssyncset.done $0x0  }
0x365: {  	s25 =	sadd.s32 s26, s10;
	[sflag:s14] =	ssyncadd.s32 $0xFFFFE0C0  }
0x366: {  	[tilespmem:s2], [sflag:$0x3] =	stream.linear.gather [hbm4b:s25+s7], $0x1F40, $0x38;
	[tilespmem:$0x17160] =	vst v63  }
0x367: {  	s17 =	sshll.u32 s17, $0x4;
	_ =	swait.ge [sflag:s14], $0x1F40  }
0x368: {  	s29 =	sand.u32 $0x3FFFFFF0, s17;
	[sflag:s14] =	ssyncset.done $0x0  }
0x369: {  	s26 =	simm.s32 $0x16990;
	s25 =	sadd.s32 s29, s3;
	[sflag:s14] =	ssyncadd.s32 $0xFFFFE0C0  }
0x36a: {  	[tilespmem:s26], [sflag:$0x3] =	stream.linear.gather [spmem:s25], $0x7D0, $0x38;
	[tilespmem:$0x17160] =	vst v63  }
0x36b: {  	_ =	swait.ge [sflag:s14], $0x7D0  }
0x36c: {  	[sflag:s14] =	ssyncset.done $0x0  }
0x36d: {  	s25 =	simm.s32 $0x0;
	[sflag:s14] =	ssyncadd.s32 $0xFFFFF830  }
0x36e: {  	v5 =	vld [tilespmem:s25+$0x10BD0]  }
0x36f: {  	v0 =	vld [tilespmem:s25+$0x12B10]  }
0x370: {  	v1 =	vld [tilespmem:s25+$0x10BE0]  }
0x371: {  	v2 =	vld [tilespmem:s25+$0x12B20]  }
0x372: {  	v3 =	vld [tilespmem:s25+$0x10BF0]  }
0x373: {  	v4 =	vld [tilespmem:s25+$0x12B30]  }
0x374: {  	s28 =	simm.s32 $0x100;
	v6 =	vld [tilespmem:s26+$0x0]  }
.LBB2_5:
0x375: {  	p0 =	sne.s32 s28, $0x7C00;
	v7 =	vld [tilespmem:s25+$0x10C00]  }
0x376: {  	v8 =	vld [tilespmem:s25+$0x12B40];
	_ =	sdelay $0x1  }
0x377: {  	s29 =	sshra.s32 s28, $0x2  }
0x378: {  	v9 =	vld [tilespmem:s29+$0x10BD0];
	vm0 =	vgt.f32 v6, $0.0e+00  }
0x379: {  	v5 =	vsel vm0, v5, v0;
	v0 =	vld [tilespmem:s29+$0x12B10];
	v6 =	vsel vm0, v1, v2;
	v4 =	vsel vm0, v3, v4  }
.Ltmp1:
0x37a: {  	v1 =	vld [tilespmem:s29+$0x10BE0];
	[tilespmem:s25+$0x14A50] =	vst v5;
	v5 =	vsel vm0, v7, v8;
	(pc) =	sbr.rel @p0 .LBB2_5-.Ltmp1, $4  }
0x37b: {  	v2 =	vld [tilespmem:s29+$0x12B20];
	[tilespmem:s25+$0x14A60] =	vst v6  }
0x37c: {  	v3 =	vld [tilespmem:s29+$0x10BF0];
	[tilespmem:s25+$0x14A70] =	vst v4  }
0x37d: {  	s26 =	sadd.s32 $0x10, s26;
	v4 =	vld [tilespmem:s29+$0x12B30];
	[tilespmem:s25+$0x14A80] =	vst v5;
	v5 =	vmov v9;
	s25 =	smov.u32 s29  }
0x37e: {  	s28 =	sadd.s32 $0x100, s28;
	v6 =	vld [tilespmem:s26+$0x0]  }
0x37f: {  	_ =	sdelay $0x1  }
0x380: {  	v7 =	vld [tilespmem:s25+$0x10C00]  }
0x381: {  	v8 =	vld [tilespmem:s25+$0x12B40]  }
0x382: {  	vm0 =	vgt.f32 v6, $0.0e+00  }
0x383: {  	v0 =	vsel vm0, v5, v0  }
0x384: {  	v1 =	vsel vm0, v1, v2;
	[tilespmem:s25+$0x14A50] =	vst v0  }
0x385: {  	s24 =	sadd.s32 $0x1, s24;
	v62 =	vsel vm0, v3, v4;
	[tilespmem:s25+$0x14A60] =	vst v1  }
0x386: {  	s29 =	rddreg [dreg:$0x1f];
	p0 =	sne.s32 s24, $0x5;
	v63 =	vsel vm0, v7, v8;
	[tilespmem:s25+$0x14A70] =	vst v62  }
.Ltmp2:
0x387: {  	s17 =	sadd.s32 s17, s29;
	[tilespmem:s25+$0x14A80] =	vst v63;
	(pc) =	sbr.rel @p0 .LBB2_4-.Ltmp2, $4  }
0x388: {  	[hbm4b:s17+s4] =	stream.strided.scatter [tilespmem:s6], [sflag:$0x3], $0x1F40, s5, s4, $0x38;
	[tilespmem:$0x17160] =	vst v63  }
0x389: {  	_ =	swait.ge [sflag:s14], $0x1F40  }
0x38a: {  	[sflag:s14] =	ssyncset.done $0x0  }
0x38b: {  	[sflag:s14] =	ssyncadd.s32 $0xFFFFE0C0  }
0x38c: {  	s0 =	sld [smem:$0x7FA]  }
0x38d: {  	s17 =	sld [smem:$0x7FB];
	_ =	sdelay $0x1  }
0x38e: {  	s0 =	sadd.s32 $0x1, s0  }
0x38f: {  	p0 =	sne.s32 s0, s17  }
.Ltmp3:
0x390: {  	_ = 	snop;
	(pc) =	sbr.rel @p0 .LBB2_1-.Ltmp3, $2  }
0x391: {  	_ =	sdelay $0x2  }
0x392: {  	s28 =	simm.s32 $0x0;
	s29 =	simm.s32 $0xC350;
	s26 =	simm.s32 $0xCBD8  }
0x393: {  	_ =	sfence.sel $0x180000  }
0x394: {  	[bflag:$0x0] =	sbarrier.arrive $0xFFFF  }
0x395: {  	_ =	strace $0x90000047  }
0x396: {  	s0 =	stileid.u32;
	[bflag:$0x2] =	sbarrier.arrive $0xFFFF  }
0x397: {  	p0 =	sne.s32 s0, $0x0;
	s0 =	rddreg [dreg:$0x4]  }
0x398: {  	s0 =	sadd.s32 @!p0 $0x100000, s0  }
0x399: {  	[sflag:s0] =	ssyncadd.tile.s32 @!p0 $0x1;
	_ =	shalt  }
.Lfunc_end2:
_tile_overlayer_lowered:
.L_overlay_start_2:
0x39a: {  	(tag) =	ssettag $0x2  }
0x39b: {  	s0 =	rddreg [dreg:$0x0];
	s2 =	stileid.u32  }
0x39c: {  	s1 =	rddreg [dreg:$0x1];
	p0 =	sne.s32 s2, $0x0  }
0x39d: {  	s3 =	rddreg [dreg:$0x2];
	[bflag:$0x3] =	sbarrier.arrive $0xFFFF;
	s2 =	simm.s32 @!p0 $0x1C03  }
0x39e: {  	[timem:s3], [sflag:s2] =	dma.local @!p0 [hbm:s0], s1  }
0x39f: {  	s0 =	simm.s32 @!p0 $0x3  }
0x3a0: {  	_ =	swait.ge @!p0 [sflag:s0], s1  }
0x3a1: {  	s1 =	ssub.s32 @!p0 $0x0, s1;
	[sflag:s0] =	ssyncset.done @!p0 $0x0  }
0x3a2: {  	[sflag:s0] =	ssyncadd.s32 @!p0 s1  }
0x3a3: {  	[bflag:$0x3] =	sbarrier.arrive $0xFFFF  }
0x3a4: {  	_ =	shalt  }

</sc_bundles>
